<compile_context>
chip_gen: v7x
topology: tpu7x:2x2x1
jax: 0.10.2.dev20260603
libtpu: 0.0.44.dev20260713+nightly
codegen_flags: <defaults>
</compile_context>

<pallas_src>
import functools

import jax
import jax.numpy as jnp
from jax.experimental import pallas as pl



_TR = 2048


def _stats_update(i, tr, y, s1_ref, s2_ref):
    mb = jnp.mean(y, axis=0, keepdims=True)
    m2b = jnp.sum((y - mb) ** 2, axis=0, keepdims=True)

    @pl.when(i == 0)
    def _():
        s1_ref[...] = mb
        s2_ref[...] = m2b

    @pl.when(i > 0)
    def _():
        na = (i * tr).astype(jnp.float32)
        tot = na + tr
        delta = mb - s1_ref[...]
        s1_ref[...] += delta * (tr / tot)
        s2_ref[...] += m2b + delta * delta * (na * tr / tot)


def _mm_stats(x, W, b):
    rows, cin = x.shape
    cout = W.shape[1]
    tr = min(rows, _TR)
    grid = rows // tr

    def kfn(x_ref, w_ref, b_ref, y_ref, s1_ref, s2_ref):
        i = pl.program_id(0)
        y = jnp.dot(x_ref[...], w_ref[...],
                    preferred_element_type=jnp.float32) + b_ref[...]
        y_ref[...] = y
        _stats_update(i, tr, y, s1_ref, s2_ref)

    y, s1, s2 = pl.pallas_call(
        kfn,
        grid=(grid,),
        in_specs=[
            pl.BlockSpec((tr, cin), lambda i: (i, 0)),
            pl.BlockSpec((cin, cout), lambda i: (0, 0)),
            pl.BlockSpec((1, cout), lambda i: (0, 0)),
        ],
        out_specs=[
            pl.BlockSpec((tr, cout), lambda i: (i, 0)),
            pl.BlockSpec((1, cout), lambda i: (0, 0)),
            pl.BlockSpec((1, cout), lambda i: (0, 0)),
        ],
        out_shape=[
            jax.ShapeDtypeStruct((rows, cout), jnp.float32),
            jax.ShapeDtypeStruct((1, cout), jnp.float32),
            jax.ShapeDtypeStruct((1, cout), jnp.float32),
        ],
    )(x, W, b.reshape(1, -1))
    return y, s1, s2


def _aff_relu_mm_stats(x, Mu, A, Bv, W, b):
    rows, cin = x.shape
    cout = W.shape[1]
    tr = min(rows, _TR)
    grid = rows // tr

    def kfn(x_ref, mu_ref, a_ref, bv_ref, w_ref, b_ref, y_ref, s1_ref, s2_ref):
        i = pl.program_id(0)
        h = jnp.maximum((x_ref[...] - mu_ref[...]) * a_ref[...] + bv_ref[...], 0.0)
        y = jnp.dot(h, w_ref[...], preferred_element_type=jnp.float32) + b_ref[...]
        y_ref[...] = y
        _stats_update(i, tr, y, s1_ref, s2_ref)

    y, s1, s2 = pl.pallas_call(
        kfn,
        grid=(grid,),
        in_specs=[
            pl.BlockSpec((tr, cin), lambda i: (i, 0)),
            pl.BlockSpec((1, cin), lambda i: (0, 0)),
            pl.BlockSpec((1, cin), lambda i: (0, 0)),
            pl.BlockSpec((1, cin), lambda i: (0, 0)),
            pl.BlockSpec((cin, cout), lambda i: (0, 0)),
            pl.BlockSpec((1, cout), lambda i: (0, 0)),
        ],
        out_specs=[
            pl.BlockSpec((tr, cout), lambda i: (i, 0)),
            pl.BlockSpec((1, cout), lambda i: (0, 0)),
            pl.BlockSpec((1, cout), lambda i: (0, 0)),
        ],
        out_shape=[
            jax.ShapeDtypeStruct((rows, cout), jnp.float32),
            jax.ShapeDtypeStruct((1, cout), jnp.float32),
            jax.ShapeDtypeStruct((1, cout), jnp.float32),
        ],
    )(x, Mu, A, Bv, W, b.reshape(1, -1))
    return y, s1, s2


def _aff_relu_mm_maskmax(x, Mu, A, Bv, W, b, mask, k):
    rows, cin = x.shape
    cout = W.shape[1]
    q_total = rows // k
    tq = min(q_total, max(1, _TR // k))
    tr = tq * k
    grid = q_total // tq

    def kfn(x_ref, mu_ref, a_ref, bv_ref, w_ref, b_ref, m_ref, o_ref):
        h = jnp.maximum((x_ref[...] - mu_ref[...]) * a_ref[...] + bv_ref[...], 0.0)
        y = jnp.dot(h, w_ref[...], preferred_element_type=jnp.float32) + b_ref[...]
        y = y.reshape(tq, k, cout)
        m = m_ref[...].reshape(tq, k, 1)
        y = jnp.where(m > 0, y, -1e30)
        o_ref[...] = jnp.max(y, axis=1)

    out = pl.pallas_call(
        kfn,
        grid=(grid,),
        in_specs=[
            pl.BlockSpec((tr, cin), lambda i: (i, 0)),
            pl.BlockSpec((1, cin), lambda i: (0, 0)),
            pl.BlockSpec((1, cin), lambda i: (0, 0)),
            pl.BlockSpec((1, cin), lambda i: (0, 0)),
            pl.BlockSpec((cin, cout), lambda i: (0, 0)),
            pl.BlockSpec((1, cout), lambda i: (0, 0)),
            pl.BlockSpec((tq, k), lambda i: (i, 0)),
        ],
        out_specs=pl.BlockSpec((tq, cout), lambda i: (i, 0)),
        out_shape=jax.ShapeDtypeStruct((q_total, cout), jnp.float32),
    )(x, Mu, A, Bv, W, b.reshape(1, -1), mask)
    return out


def _aff_relu_max(x, Mu, A, Bv, k):
    rows, cin = x.shape
    q_total = rows // k
    tq = min(q_total, max(1, _TR // k))
    tr = tq * k
    grid = q_total // tq

    def kfn(x_ref, mu_ref, a_ref, bv_ref, o_ref):
        h = jnp.maximum((x_ref[...] - mu_ref[...]) * a_ref[...] + bv_ref[...], 0.0)
        o_ref[...] = jnp.max(h.reshape(tq, k, cin), axis=1)

    out = pl.pallas_call(
        kfn,
        grid=(grid,),
        in_specs=[
            pl.BlockSpec((tr, cin), lambda i: (i, 0)),
            pl.BlockSpec((1, cin), lambda i: (0, 0)),
            pl.BlockSpec((1, cin), lambda i: (0, 0)),
            pl.BlockSpec((1, cin), lambda i: (0, 0)),
        ],
        out_specs=pl.BlockSpec((tq, cin), lambda i: (i, 0)),
        out_shape=jax.ShapeDtypeStruct((q_total, cin), jnp.float32),
    )(x, Mu, A, Bv)
    return out


def _affine_from_stats(s1, s2, rows, g, be):
    mu = s1
    var = s2 / rows
    rstd = jax.lax.rsqrt(var + 1e-5)
    A = g.reshape(1, -1) * rstd
    Bv = be.reshape(1, -1)
    return mu, A, Bv



def _fps_all(pos, n_samples):
    bsz, n, _ = pos.shape
    px = pos[..., 0]
    py = pos[..., 1]
    pz = pos[..., 2]

    def kfn(px_ref, py_ref, pz_ref, o_ref):
        pxv = px_ref[...]
        pyv = py_ref[...]
        pzv = pz_ref[...]
        lane = jax.lax.broadcasted_iota(jnp.int32, (bsz, n), 1)
        olane = jax.lax.broadcasted_iota(jnp.int32, (bsz, n_samples), 1)
        qx = pxv[:, 0:1]
        qy = pyv[:, 0:1]
        qz = pzv[:, 0:1]
        d = (pxv - qx) ** 2 + (pyv - qy) ** 2 + (pzv - qz) ** 2
        o_ref[...] = jnp.zeros((bsz, n_samples), jnp.int32)

        def body(i, d):
            nxt = jnp.argmax(d, axis=1).astype(jnp.int32)[:, None]
            o_ref[...] = jnp.where(olane == i, nxt, o_ref[...])
            m = lane == nxt
            qx = jnp.sum(jnp.where(m, pxv, 0.0), axis=1, keepdims=True)
            qy = jnp.sum(jnp.where(m, pyv, 0.0), axis=1, keepdims=True)
            qz = jnp.sum(jnp.where(m, pzv, 0.0), axis=1, keepdims=True)
            dn = (pxv - qx) ** 2 + (pyv - qy) ** 2 + (pzv - qz) ** 2
            return jnp.minimum(d, dn)

        jax.lax.fori_loop(1, n_samples, body, d)

    return pl.pallas_call(
        kfn,
        out_shape=jax.ShapeDtypeStruct((bsz, n_samples), jnp.int32),
    )(px, py, pz)


def _knn_idx(pos, qpos, k):
    qq = jnp.sum(qpos * qpos, axis=-1)[:, None]
    pp = jnp.sum(pos * pos, axis=-1)[None, :]
    d2 = qq + pp - 2.0 * (qpos @ pos.T)
    neg, idx = jax.lax.top_k(-d2, k)
    return idx, -neg


def _gather_nodes(x, idx):
    return jnp.take_along_axis(x, idx[..., None], axis=1)


def _gather_neighbors(x, nbr):
    b, q, k = nbr.shape
    out = jnp.take_along_axis(x, nbr.reshape(b, q * k)[..., None], axis=1)
    return out.reshape(b, q, k, x.shape[-1])



def _mlp_rows(x, layers, plain_last=True, use_norm=True):
    rows = x.shape[0]
    n = len(layers)
    y, s1, s2 = _mm_stats(x, layers[0]["W"], layers[0]["b"])
    for i in range(1, n):
        L0 = layers[i - 1]
        if use_norm:
            Mu, A, Bv = _affine_from_stats(s1, s2, rows, L0["g"], L0["be"])
        else:
            Mu = jnp.zeros((1, y.shape[1]), jnp.float32)
            A = jnp.ones((1, y.shape[1]), jnp.float32)
            Bv = jnp.zeros((1, y.shape[1]), jnp.float32)
        y, s1, s2 = _aff_relu_mm_stats(y, Mu, A, Bv, layers[i]["W"], layers[i]["b"])
    if not plain_last:
        Ln = layers[-1]
        if use_norm:
            Mu, A, Bv = _affine_from_stats(s1, s2, rows, Ln["g"], Ln["be"])
        else:
            Mu = jnp.zeros((1, y.shape[1]), jnp.float32)
            A = jnp.ones((1, y.shape[1]), jnp.float32)
            Bv = jnp.zeros((1, y.shape[1]), jnp.float32)
        return y, Mu, A, Bv
    return y


def _sa_module(x, pos, ratio, r, layers, k=64):
    b, n, c = x.shape
    n_s = int(n * ratio)
    idx = _fps_all(pos, n_s)
    qpos = _gather_nodes(pos, idx)
    nbr, d2 = jax.vmap(_knn_idx, in_axes=(0, 0, None))(pos, qpos, k)
    valid = d2 <= r * r
    xj = _gather_neighbors(x, nbr)
    posj = _gather_neighbors(pos, nbr)
    rel = posj - qpos[:, :, None, :]
    feat = jnp.concatenate([xj, rel], axis=-1).reshape(b * n_s * k, c + 3)
    rows = feat.shape[0]

    y, s1, s2 = _mm_stats(feat, layers[0]["W"], layers[0]["b"])
    for i in range(1, len(layers) - 1):
        Mu, A, Bv = _affine_from_stats(s1, s2, rows, layers[i - 1]["g"], layers[i - 1]["be"])
        y, s1, s2 = _aff_relu_mm_stats(y, Mu, A, Bv, layers[i]["W"], layers[i]["b"])
    Mu, A, Bv = _affine_from_stats(s1, s2, rows, layers[-2]["g"], layers[-2]["be"])
    mask = valid.reshape(b * n_s, k).astype(jnp.float32)
    out = _aff_relu_mm_maskmax(y, Mu, A, Bv, layers[-1]["W"], layers[-1]["b"], mask, k)
    return out.reshape(b, n_s, -1), qpos


def _transition_down(x, pos, layers, ratio=0.25, k=16):
    b, n, c = x.shape
    n_s = int(n * ratio)
    idx = _fps_all(pos, n_s)
    qpos = _gather_nodes(pos, idx)
    y, s1, s2 = _mm_stats(x.reshape(b * n, c), layers[0]["W"], layers[0]["b"])
    Mu, A, Bv = _affine_from_stats(s1, s2, b * n, layers[0]["g"], layers[0]["be"])
    cout = y.shape[1]
    nbr, _ = jax.vmap(_knn_idx, in_axes=(0, 0, None))(pos, qpos, k)
    hj = _gather_neighbors(y.reshape(b, n, cout), nbr).reshape(b * n_s * k, cout)
    out = _aff_relu_max(hj, Mu, A, Bv, k)
    return out.reshape(b, n_s, cout), qpos


def kernel(data, params):
    x = data
    pos = data
    x, pos = _sa_module(x, pos, 0.5, 0.2, params["sa1"], k=64)
    x, pos = _transition_down(x, pos, params["td1"], ratio=0.25, k=16)
    x, pos = _sa_module(x, pos, 0.25, 0.4, params["sa2"], k=64)
    x, pos = _transition_down(x, pos, params["td2"], ratio=0.25, k=16)
    b = data.shape[0]
    feat = jnp.concatenate([x, pos], axis=-1)
    h = _mlp_rows(feat.reshape(-1, feat.shape[-1]), params["sa3"])
    g = jnp.mean(h.reshape(b, -1, h.shape[-1]), axis=1)
    y = _mlp_rows(g, params["head"], plain_last=True, use_norm=False)
    return y

# --- scband reference (transcript-rebuilt; emitter-appended) ---
"""Pipeline reference for scband-point-net-61546881352044 (READ-ONLY COPY).

The authoritative reference and input builder live on the scoring server;
editing this copy changes nothing except your own understanding.
"""

import jax, jax.numpy as jnp
import numpy as np

B = 4
N = 4096
NUM_CLASSES = 13

def make_mlp(key, dims):
    layers = []
    for i in range(len(dims) - 1):
        k = jax.random.fold_in(key, i)
        W = jax.random.normal(k, (dims[i], dims[i + 1]), dtype=jnp.float32) * jnp.sqrt(2.0 / dims[i])
        layers.append({
            "W": W,
            "b": jnp.zeros((dims[i + 1],), jnp.float32),
            "g": jnp.ones((dims[i + 1],), jnp.float32),
            "be": jnp.zeros((dims[i + 1],), jnp.float32),
        })
    return layers

def setup_inputs(seed: int = 0):
    key = jax.random.key(seed)
    data = jax.random.uniform(jax.random.fold_in(key, 0), (B, N, 3), dtype=jnp.float32)
    params = {
        "sa1": make_mlp(jax.random.fold_in(key, 1), [6, 64, 64, 128]),
        "td1": make_mlp(jax.random.fold_in(key, 2), [128, 256]),
        "sa2": make_mlp(jax.random.fold_in(key, 3), [259, 128, 128, 256]),
        "td2": make_mlp(jax.random.fold_in(key, 4), [256, 512]),
        "sa3": make_mlp(jax.random.fold_in(key, 5), [515, 256, 512, 1024]),
        "focus": make_mlp(jax.random.fold_in(key, 6), [1024, 512, 256, 3]),
        "inst": make_mlp(jax.random.fold_in(key, 7), [1024, 512, 256, 1]),
        "ovl": make_mlp(jax.random.fold_in(key, 8), [1024, 512, 256, 1]),
        "head": make_mlp(jax.random.fold_in(key, 9), [1024, 512, 256, NUM_CLASSES]),
    }
    return {"data": data, "params": params}

def mlp_apply(x, layers, plain_last=True, use_norm=True):
    n = len(layers)
    for i, L in enumerate(layers):
        x = x @ L["W"] + L["b"]
        if not (plain_last and i == n - 1):
            if use_norm:
                mu = jnp.mean(x, axis=0)
                var = jnp.var(x, axis=0)
                x = L["g"] * (x - mu) * jax.lax.rsqrt(var + 1e-5) + L["be"]
            x = jax.nn.relu(x)
    return x

def fps(pos, n_samples):
    dist = jnp.sum((pos - pos[0]) ** 2, axis=-1)
    idx0 = jnp.zeros((n_samples,), jnp.int32)
    def body(i, carry):
        idx, d = carry
        nxt = jnp.argmax(d).astype(jnp.int32)
        idx = idx.at[i].set(nxt)
        d = jnp.minimum(d, jnp.sum((pos - pos[nxt]) ** 2, axis=-1))
        return (idx, d)
    idx, _ = jax.lax.fori_loop(1, n_samples, body, (idx0, dist))
    return idx

def pairwise_d2(q, p):
    qq = jnp.sum(q * q, axis=-1)[:, None]
    pp = jnp.sum(p * p, axis=-1)[None, :]
    return qq + pp - 2.0 * (q @ p.T)

def knn_idx(pos, qpos, k):
    d2 = pairwise_d2(qpos, pos)
    neg, idx = jax.lax.top_k(-d2, k)
    return idx, -neg

def gather_nodes(x, idx):
    return jnp.take_along_axis(x, idx[..., None], axis=1)

def gather_neighbors(x, nbr):
    b, q, k = nbr.shape
    out = jnp.take_along_axis(x, nbr.reshape(b, q * k)[..., None], axis=1)
    return out.reshape(b, q, k, x.shape[-1])

def sa_module(x, pos, ratio, r, layers, k=64):
    b, n, c = x.shape
    n_s = int(n * ratio)
    pos_ng = jax.lax.stop_gradient(pos)
    idx = jax.vmap(fps, in_axes=(0, None))(pos_ng, n_s)
    qpos = gather_nodes(pos, idx)
    nbr, d2 = jax.vmap(knn_idx, in_axes=(0, 0, None))(pos_ng, jax.lax.stop_gradient(qpos), k)
    valid = d2 <= r * r
    xj = gather_neighbors(x, nbr)
    posj = gather_neighbors(pos, nbr)
    rel = posj - qpos[:, :, None, :]
    feat = jnp.concatenate([xj, rel], axis=-1)
    h = mlp_apply(feat.reshape(-1, feat.shape[-1]), layers)
    h = h.reshape(b, n_s, k, -1)
    h = jnp.where(valid[..., None], h, -1e30)
    return jnp.max(h, axis=2), qpos

def transition_down(x, pos, layers, ratio=0.25, k=16):
    b, n, c = x.shape
    n_s = int(n * ratio)
    pos_ng = jax.lax.stop_gradient(pos)
    idx = jax.vmap(fps, in_axes=(0, None))(pos_ng, n_s)
    qpos = gather_nodes(pos, idx)
    h = mlp_apply(x.reshape(-1, c), layers, plain_last=False)
    h = h.reshape(b, n, -1)
    nbr, _ = jax.vmap(knn_idx, in_axes=(0, 0, None))(pos_ng, jax.lax.stop_gradient(qpos), k)
    hj = gather_neighbors(h, nbr)
    return jnp.max(hj, axis=2), qpos

def reference(data, params):
    x = data
    pos = data
    x, pos = sa_module(x, pos, 0.5, 0.2, params["sa1"], k=64)
    x, pos = transition_down(x, pos, params["td1"], ratio=0.25, k=16)
    x, pos = sa_module(x, pos, 0.25, 0.4, params["sa2"], k=64)
    x, pos = transition_down(x, pos, params["td2"], ratio=0.25, k=16)
    feat = jnp.concatenate([x, pos], axis=-1)
    h = mlp_apply(feat.reshape(-1, feat.shape[-1]), params["sa3"])
    g = jnp.mean(h.reshape(data.shape[0], -1, h.shape[-1]), axis=1)
    target_centers = mlp_apply(g, params["focus"])
    instance_mask = jax.nn.sigmoid(mlp_apply(g, params["inst"]))
    overlap_mask = jax.nn.sigmoid(mlp_apply(g, params["ovl"]))
    y = mlp_apply(g, params["head"], use_norm=False)
    return y

if __name__ == "__main__":
    import jax
    _d = setup_inputs()
    print(jax.jit(kernel)(*tuple(_d.values())))

</pallas_src>

<mosaic_0001>
module attributes {stable_mosaic.version = 14 : i64} {
  func.func @kfn(%arg0: memref<4x4096xf32, #tpu.memory_space<vmem>>, %arg1: memref<4x4096xf32, #tpu.memory_space<vmem>>, %arg2: memref<4x4096xf32, #tpu.memory_space<vmem>>, %arg3: memref<4x2048xi32, #tpu.memory_space<vmem>>) attributes {dimension_semantics = [], scalar_prefetch = 0 : i64, scratch_operands = 0 : i64, tpu.core_type = #tpu.core_type<tc>} {
    %get3A = arith.constant 0 : index
    %get3A_0 = arith.constant 0 : index
    %get3A_1 = vector.load %arg0[%get3A, %get3A_0] : memref<4x4096xf32, #tpu.memory_space<vmem>>, vector<4x4096xf32>
    %get3A_2 = arith.constant 0 : index
    %get3A_3 = arith.constant 0 : index
    %get3A_4 = vector.load %arg1[%get3A_2, %get3A_3] : memref<4x4096xf32, #tpu.memory_space<vmem>>, vector<4x4096xf32>
    %get3A_5 = arith.constant 0 : index
    %get3A_6 = arith.constant 0 : index
    %get3A_7 = vector.load %arg2[%get3A_5, %get3A_6] : memref<4x4096xf32, #tpu.memory_space<vmem>>, vector<4x4096xf32>
    %iota3A = tpu.iota {dimensions = array<i32: 1>} : vector<4x4096xi32>
    %iota3A_8 = tpu.iota {dimensions = array<i32: 1>} : vector<4x2048xi32>
    %slice3A = vector.extract_strided_slice %get3A_1 {offsets = [0, 0], sizes = [4, 1], strides = [1, 1]} : vector<4x4096xf32> to vector<4x1xf32>
    %slice3A_9 = vector.extract_strided_slice %get3A_4 {offsets = [0, 0], sizes = [4, 1], strides = [1, 1]} : vector<4x4096xf32> to vector<4x1xf32>
    %slice3A_10 = vector.extract_strided_slice %get3A_7 {offsets = [0, 0], sizes = [4, 1], strides = [1, 1]} : vector<4x4096xf32> to vector<4x1xf32>
    %sub3A = vector.broadcast %slice3A : vector<4x1xf32> to vector<4x4096xf32>
    %sub3A_11 = arith.subf %get3A_1, %sub3A : vector<4x4096xf32>
    %integer_pow3A = arith.mulf %sub3A_11, %sub3A_11 : vector<4x4096xf32>
    %sub3A_12 = vector.broadcast %slice3A_9 : vector<4x1xf32> to vector<4x4096xf32>
    %sub3A_13 = arith.subf %get3A_4, %sub3A_12 : vector<4x4096xf32>
    %integer_pow3A_14 = arith.mulf %sub3A_13, %sub3A_13 : vector<4x4096xf32>
    %add3A = arith.addf %integer_pow3A, %integer_pow3A_14 : vector<4x4096xf32>
    %sub3A_15 = vector.broadcast %slice3A_10 : vector<4x1xf32> to vector<4x4096xf32>
    %sub3A_16 = arith.subf %get3A_7, %sub3A_15 : vector<4x4096xf32>
    %integer_pow3A_17 = arith.mulf %sub3A_16, %sub3A_16 : vector<4x4096xf32>
    %add3A_18 = arith.addf %add3A, %integer_pow3A_17 : vector<4x4096xf32>
    %broadcast_in_dim3A = arith.constant 0 : i32
    %broadcast_in_dim3A_19 = vector.broadcast %broadcast_in_dim3A : i32 to vector<4x2048xi32>
    %swap3A = arith.constant 0 : index
    %swap3A_20 = arith.constant 0 : index
    %swap3A_21 = vector.load %arg3[%swap3A, %swap3A_20] : memref<4x2048xi32, #tpu.memory_space<vmem>>, vector<4x2048xi32>
    tpu.vector_store %arg3[%swap3A, %swap3A_20], %broadcast_in_dim3A_19 {strides = array<i32>} : memref<4x2048xi32, #tpu.memory_space<vmem>>, vector<4x2048xi32>,
    %scan3A = arith.constant 1 : i32
    %scan3A_22 = arith.constant 2047 : i32
    %scan3A_23 = arith.addi %scan3A, %scan3A_22 : i32
    %scan3A_24 = arith.constant 1 : i32
    %scan3A_25 = scf.for %scan3A_27 = %scan3A to %scan3A_23 step %scan3A_24 iter_args(%scan3A_28 = %add3A_18) -> (vector<4x4096xf32>)  : i32 {
      %argmax3A = tpu.reduce_index %scan3A_28 {axis = 1 : i32, kind = #tpu.reduction_kind<arg_max>} : vector<4x4096xf32> -> vector<4xi32>
      %broadcast_in_dim3A_29 = vector.shape_cast %argmax3A : vector<4xi32> to vector<4x1xi32>
      %eq3A = vector.broadcast %scan3A_27 : i32 to vector<4x2048xi32>
      %eq3A_30 = arith.cmpi eq, %iota3A_8, %eq3A : vector<4x2048xi32>
      %get3A_31 = arith.constant 0 : index
      %get3A_32 = arith.constant 0 : index
      %get3A_33 = vector.load %arg3[%get3A_31, %get3A_32] : memref<4x2048xi32, #tpu.memory_space<vmem>>, vector<4x2048xi32>
      %broadcast_in_dim3A_34 = vector.shape_cast %broadcast_in_dim3A_29 : vector<4x1xi32> to vector<4x1xi32>
      %broadcast_in_dim3A_35 = vector.broadcast %broadcast_in_dim3A_34 : vector<4x1xi32> to vector<4x2048xi32>
      %select_n3A = arith.select %eq3A_30, %broadcast_in_dim3A_35, %get3A_33 : vector<4x2048xi1>, vector<4x2048xi32>
      %swap3A_36 = arith.constant 0 : index
      %swap3A_37 = arith.constant 0 : index
      %swap3A_38 = vector.load %arg3[%swap3A_36, %swap3A_37] : memref<4x2048xi32, #tpu.memory_space<vmem>>, vector<4x2048xi32>
      tpu.vector_store %arg3[%swap3A_36, %swap3A_37], %select_n3A {strides = array<i32>} : memref<4x2048xi32, #tpu.memory_space<vmem>>, vector<4x2048xi32>,
      %eq3A_39 = vector.broadcast %broadcast_in_dim3A_29 : vector<4x1xi32> to vector<4x4096xi32>
      %eq3A_40 = arith.cmpi eq, %iota3A, %eq3A_39 : vector<4x4096xi32>
      %jit3A = arith.constant 0.000000e+00 : f32
      %broadcast_in_dim3A_41 = vector.broadcast %jit3A : f32 to vector<4x4096xf32>
      %select_n3A_42 = arith.select %eq3A_40, %get3A_1, %broadcast_in_dim3A_41 : vector<4x4096xi1>, vector<4x4096xf32>
      %reduce_sum3A = arith.constant dense<0.000000e+00> : vector<4xf32>
      %reduce_sum3A_43 = vector.multi_reduction <add>, %select_n3A_42, %reduce_sum3A [1] : vector<4x4096xf32> to vector<4xf32>
      %broadcast_in_dim3A_44 = vector.shape_cast %reduce_sum3A_43 : vector<4xf32> to vector<4x1xf32>
      %jit3A_45 = arith.constant 0.000000e+00 : f32
      %broadcast_in_dim3A_46 = vector.broadcast %jit3A_45 : f32 to vector<4x4096xf32>
      %select_n3A_47 = arith.select %eq3A_40, %get3A_4, %broadcast_in_dim3A_46 : vector<4x4096xi1>, vector<4x4096xf32>
      %reduce_sum3A_48 = arith.constant dense<0.000000e+00> : vector<4xf32>
      %reduce_sum3A_49 = vector.multi_reduction <add>, %select_n3A_47, %reduce_sum3A_48 [1] : vector<4x4096xf32> to vector<4xf32>
      %broadcast_in_dim3A_50 = vector.shape_cast %reduce_sum3A_49 : vector<4xf32> to vector<4x1xf32>
      %jit3A_51 = arith.constant 0.000000e+00 : f32
      %broadcast_in_dim3A_52 = vector.broadcast %jit3A_51 : f32 to vector<4x4096xf32>
      %select_n3A_53 = arith.select %eq3A_40, %get3A_7, %broadcast_in_dim3A_52 : vector<4x4096xi1>, vector<4x4096xf32>
      %reduce_sum3A_54 = arith.constant dense<0.000000e+00> : vector<4xf32>
      %reduce_sum3A_55 = vector.multi_reduction <add>, %select_n3A_53, %reduce_sum3A_54 [1] : vector<4x4096xf32> to vector<4xf32>
      %broadcast_in_dim3A_56 = vector.shape_cast %reduce_sum3A_55 : vector<4xf32> to vector<4x1xf32>
      %sub3A_57 = vector.broadcast %broadcast_in_dim3A_44 : vector<4x1xf32> to vector<4x4096xf32>
      %sub3A_58 = arith.subf %get3A_1, %sub3A_57 : vector<4x4096xf32>
      %integer_pow3A_59 = arith.mulf %sub3A_58, %sub3A_58 : vector<4x4096xf32>
      %sub3A_60 = vector.broadcast %broadcast_in_dim3A_50 : vector<4x1xf32> to vector<4x4096xf32>
      %sub3A_61 = arith.subf %get3A_4, %sub3A_60 : vector<4x4096xf32>
      %integer_pow3A_62 = arith.mulf %sub3A_61, %sub3A_61 : vector<4x4096xf32>
      %add3A_63 = arith.addf %integer_pow3A_59, %integer_pow3A_62 : vector<4x4096xf32>
      %sub3A_64 = vector.broadcast %broadcast_in_dim3A_56 : vector<4x1xf32> to vector<4x4096xf32>
      %sub3A_65 = arith.subf %get3A_7, %sub3A_64 : vector<4x4096xf32>
      %integer_pow3A_66 = arith.mulf %sub3A_65, %sub3A_65 : vector<4x4096xf32>
      %add3A_67 = arith.addf %add3A_63, %integer_pow3A_66 : vector<4x4096xf32>
      %min3A = arith.minimumf %scan3A_28, %add3A_67 : vector<4x4096xf32>
      scf.yield %min3A : vector<4x4096xf32>
    }
    %scan3A_26 = arith.constant 2047 : i32
    return
  }
}

module attributes {stable_mosaic.version = 14 : i64} {
  func.func @kfn(%arg0: memref<4x2048xf32, #tpu.memory_space<vmem>>, %arg1: memref<4x2048xf32, #tpu.memory_space<vmem>>, %arg2: memref<4x2048xf32, #tpu.memory_space<vmem>>, %arg3: memref<4x512xi32, #tpu.memory_space<vmem>>) attributes {dimension_semantics = [], scalar_prefetch = 0 : i64, scratch_operands = 0 : i64, tpu.core_type = #tpu.core_type<tc>} {
    %get3A = arith.constant 0 : index
    %get3A_0 = arith.constant 0 : index
    %get3A_1 = vector.load %arg0[%get3A, %get3A_0] : memref<4x2048xf32, #tpu.memory_space<vmem>>, vector<4x2048xf32>
    %get3A_2 = arith.constant 0 : index
    %get3A_3 = arith.constant 0 : index
    %get3A_4 = vector.load %arg1[%get3A_2, %get3A_3] : memref<4x2048xf32, #tpu.memory_space<vmem>>, vector<4x2048xf32>
    %get3A_5 = arith.constant 0 : index
    %get3A_6 = arith.constant 0 : index
    %get3A_7 = vector.load %arg2[%get3A_5, %get3A_6] : memref<4x2048xf32, #tpu.memory_space<vmem>>, vector<4x2048xf32>
    %iota3A = tpu.iota {dimensions = array<i32: 1>} : vector<4x2048xi32>
    %iota3A_8 = tpu.iota {dimensions = array<i32: 1>} : vector<4x512xi32>
    %slice3A = vector.extract_strided_slice %get3A_1 {offsets = [0, 0], sizes = [4, 1], strides = [1, 1]} : vector<4x2048xf32> to vector<4x1xf32>
    %slice3A_9 = vector.extract_strided_slice %get3A_4 {offsets = [0, 0], sizes = [4, 1], strides = [1, 1]} : vector<4x2048xf32> to vector<4x1xf32>
    %slice3A_10 = vector.extract_strided_slice %get3A_7 {offsets = [0, 0], sizes = [4, 1], strides = [1, 1]} : vector<4x2048xf32> to vector<4x1xf32>
    %sub3A = vector.broadcast %slice3A : vector<4x1xf32> to vector<4x2048xf32>
    %sub3A_11 = arith.subf %get3A_1, %sub3A : vector<4x2048xf32>
    %integer_pow3A = arith.mulf %sub3A_11, %sub3A_11 : vector<4x2048xf32>
    %sub3A_12 = vector.broadcast %slice3A_9 : vector<4x1xf32> to vector<4x2048xf32>
    %sub3A_13 = arith.subf %get3A_4, %sub3A_12 : vector<4x2048xf32>
    %integer_pow3A_14 = arith.mulf %sub3A_13, %sub3A_13 : vector<4x2048xf32>
    %add3A = arith.addf %integer_pow3A, %integer_pow3A_14 : vector<4x2048xf32>
    %sub3A_15 = vector.broadcast %slice3A_10 : vector<4x1xf32> to vector<4x2048xf32>
    %sub3A_16 = arith.subf %get3A_7, %sub3A_15 : vector<4x2048xf32>
    %integer_pow3A_17 = arith.mulf %sub3A_16, %sub3A_16 : vector<4x2048xf32>
    %add3A_18 = arith.addf %add3A, %integer_pow3A_17 : vector<4x2048xf32>
    %broadcast_in_dim3A = arith.constant 0 : i32
    %broadcast_in_dim3A_19 = vector.broadcast %broadcast_in_dim3A : i32 to vector<4x512xi32>
    %swap3A = arith.constant 0 : index
    %swap3A_20 = arith.constant 0 : index
    %swap3A_21 = vector.load %arg3[%swap3A, %swap3A_20] : memref<4x512xi32, #tpu.memory_space<vmem>>, vector<4x512xi32>
    tpu.vector_store %arg3[%swap3A, %swap3A_20], %broadcast_in_dim3A_19 {strides = array<i32>} : memref<4x512xi32, #tpu.memory_space<vmem>>, vector<4x512xi32>,
    %scan3A = arith.constant 1 : i32
    %scan3A_22 = arith.constant 511 : i32
    %scan3A_23 = arith.addi %scan3A, %scan3A_22 : i32
    %scan3A_24 = arith.constant 1 : i32
    %scan3A_25 = scf.for %scan3A_27 = %scan3A to %scan3A_23 step %scan3A_24 iter_args(%scan3A_28 = %add3A_18) -> (vector<4x2048xf32>)  : i32 {
      %argmax3A = tpu.reduce_index %scan3A_28 {axis = 1 : i32, kind = #tpu.reduction_kind<arg_max>} : vector<4x2048xf32> -> vector<4xi32>
      %broadcast_in_dim3A_29 = vector.shape_cast %argmax3A : vector<4xi32> to vector<4x1xi32>
      %eq3A = vector.broadcast %scan3A_27 : i32 to vector<4x512xi32>
      %eq3A_30 = arith.cmpi eq, %iota3A_8, %eq3A : vector<4x512xi32>
      %get3A_31 = arith.constant 0 : index
      %get3A_32 = arith.constant 0 : index
      %get3A_33 = vector.load %arg3[%get3A_31, %get3A_32] : memref<4x512xi32, #tpu.memory_space<vmem>>, vector<4x512xi32>
      %broadcast_in_dim3A_34 = vector.shape_cast %broadcast_in_dim3A_29 : vector<4x1xi32> to vector<4x1xi32>
      %broadcast_in_dim3A_35 = vector.broadcast %broadcast_in_dim3A_34 : vector<4x1xi32> to vector<4x512xi32>
      %select_n3A = arith.select %eq3A_30, %broadcast_in_dim3A_35, %get3A_33 : vector<4x512xi1>, vector<4x512xi32>
      %swap3A_36 = arith.constant 0 : index
      %swap3A_37 = arith.constant 0 : index
      %swap3A_38 = vector.load %arg3[%swap3A_36, %swap3A_37] : memref<4x512xi32, #tpu.memory_space<vmem>>, vector<4x512xi32>
      tpu.vector_store %arg3[%swap3A_36, %swap3A_37], %select_n3A {strides = array<i32>} : memref<4x512xi32, #tpu.memory_space<vmem>>, vector<4x512xi32>,
      %eq3A_39 = vector.broadcast %broadcast_in_dim3A_29 : vector<4x1xi32> to vector<4x2048xi32>
      %eq3A_40 = arith.cmpi eq, %iota3A, %eq3A_39 : vector<4x2048xi32>
      %jit3A = arith.constant 0.000000e+00 : f32
      %broadcast_in_dim3A_41 = vector.broadcast %jit3A : f32 to vector<4x2048xf32>
      %select_n3A_42 = arith.select %eq3A_40, %get3A_1, %broadcast_in_dim3A_41 : vector<4x2048xi1>, vector<4x2048xf32>
      %reduce_sum3A = arith.constant dense<0.000000e+00> : vector<4xf32>
      %reduce_sum3A_43 = vector.multi_reduction <add>, %select_n3A_42, %reduce_sum3A [1] : vector<4x2048xf32> to vector<4xf32>
      %broadcast_in_dim3A_44 = vector.shape_cast %reduce_sum3A_43 : vector<4xf32> to vector<4x1xf32>
      %jit3A_45 = arith.constant 0.000000e+00 : f32
      %broadcast_in_dim3A_46 = vector.broadcast %jit3A_45 : f32 to vector<4x2048xf32>
      %select_n3A_47 = arith.select %eq3A_40, %get3A_4, %broadcast_in_dim3A_46 : vector<4x2048xi1>, vector<4x2048xf32>
      %reduce_sum3A_48 = arith.constant dense<0.000000e+00> : vector<4xf32>
      %reduce_sum3A_49 = vector.multi_reduction <add>, %select_n3A_47, %reduce_sum3A_48 [1] : vector<4x2048xf32> to vector<4xf32>
      %broadcast_in_dim3A_50 = vector.shape_cast %reduce_sum3A_49 : vector<4xf32> to vector<4x1xf32>
      %jit3A_51 = arith.constant 0.000000e+00 : f32
      %broadcast_in_dim3A_52 = vector.broadcast %jit3A_51 : f32 to vector<4x2048xf32>
      %select_n3A_53 = arith.select %eq3A_40, %get3A_7, %broadcast_in_dim3A_52 : vector<4x2048xi1>, vector<4x2048xf32>
      %reduce_sum3A_54 = arith.constant dense<0.000000e+00> : vector<4xf32>
      %reduce_sum3A_55 = vector.multi_reduction <add>, %select_n3A_53, %reduce_sum3A_54 [1] : vector<4x2048xf32> to vector<4xf32>
      %broadcast_in_dim3A_56 = vector.shape_cast %reduce_sum3A_55 : vector<4xf32> to vector<4x1xf32>
      %sub3A_57 = vector.broadcast %broadcast_in_dim3A_44 : vector<4x1xf32> to vector<4x2048xf32>
      %sub3A_58 = arith.subf %get3A_1, %sub3A_57 : vector<4x2048xf32>
      %integer_pow3A_59 = arith.mulf %sub3A_58, %sub3A_58 : vector<4x2048xf32>
      %sub3A_60 = vector.broadcast %broadcast_in_dim3A_50 : vector<4x1xf32> to vector<4x2048xf32>
      %sub3A_61 = arith.subf %get3A_4, %sub3A_60 : vector<4x2048xf32>
      %integer_pow3A_62 = arith.mulf %sub3A_61, %sub3A_61 : vector<4x2048xf32>
      %add3A_63 = arith.addf %integer_pow3A_59, %integer_pow3A_62 : vector<4x2048xf32>
      %sub3A_64 = vector.broadcast %broadcast_in_dim3A_56 : vector<4x1xf32> to vector<4x2048xf32>
      %sub3A_65 = arith.subf %get3A_7, %sub3A_64 : vector<4x2048xf32>
      %integer_pow3A_66 = arith.mulf %sub3A_65, %sub3A_65 : vector<4x2048xf32>
      %add3A_67 = arith.addf %add3A_63, %integer_pow3A_66 : vector<4x2048xf32>
      %min3A = arith.minimumf %scan3A_28, %add3A_67 : vector<4x2048xf32>
      scf.yield %min3A : vector<4x2048xf32>
    }
    %scan3A_26 = arith.constant 511 : i32
    return
  }
}

module attributes {stable_mosaic.version = 14 : i64} {
  func.func @kfn(%arg0: memref<4x512xf32, #tpu.memory_space<vmem>>, %arg1: memref<4x512xf32, #tpu.memory_space<vmem>>, %arg2: memref<4x512xf32, #tpu.memory_space<vmem>>, %arg3: memref<4x128xi32, #tpu.memory_space<vmem>>) attributes {dimension_semantics = [], scalar_prefetch = 0 : i64, scratch_operands = 0 : i64, tpu.core_type = #tpu.core_type<tc>} {
    %get3A = arith.constant 0 : index
    %get3A_0 = arith.constant 0 : index
    %get3A_1 = vector.load %arg0[%get3A, %get3A_0] : memref<4x512xf32, #tpu.memory_space<vmem>>, vector<4x512xf32>
    %get3A_2 = arith.constant 0 : index
    %get3A_3 = arith.constant 0 : index
    %get3A_4 = vector.load %arg1[%get3A_2, %get3A_3] : memref<4x512xf32, #tpu.memory_space<vmem>>, vector<4x512xf32>
    %get3A_5 = arith.constant 0 : index
    %get3A_6 = arith.constant 0 : index
    %get3A_7 = vector.load %arg2[%get3A_5, %get3A_6] : memref<4x512xf32, #tpu.memory_space<vmem>>, vector<4x512xf32>
    %iota3A = tpu.iota {dimensions = array<i32: 1>} : vector<4x512xi32>
    %iota3A_8 = tpu.iota {dimensions = array<i32: 1>} : vector<4x128xi32>
    %slice3A = vector.extract_strided_slice %get3A_1 {offsets = [0, 0], sizes = [4, 1], strides = [1, 1]} : vector<4x512xf32> to vector<4x1xf32>
    %slice3A_9 = vector.extract_strided_slice %get3A_4 {offsets = [0, 0], sizes = [4, 1], strides = [1, 1]} : vector<4x512xf32> to vector<4x1xf32>
    %slice3A_10 = vector.extract_strided_slice %get3A_7 {offsets = [0, 0], sizes = [4, 1], strides = [1, 1]} : vector<4x512xf32> to vector<4x1xf32>
    %sub3A = vector.broadcast %slice3A : vector<4x1xf32> to vector<4x512xf32>
    %sub3A_11 = arith.subf %get3A_1, %sub3A : vector<4x512xf32>
    %integer_pow3A = arith.mulf %sub3A_11, %sub3A_11 : vector<4x512xf32>
    %sub3A_12 = vector.broadcast %slice3A_9 : vector<4x1xf32> to vector<4x512xf32>
    %sub3A_13 = arith.subf %get3A_4, %sub3A_12 : vector<4x512xf32>
    %integer_pow3A_14 = arith.mulf %sub3A_13, %sub3A_13 : vector<4x512xf32>
    %add3A = arith.addf %integer_pow3A, %integer_pow3A_14 : vector<4x512xf32>
    %sub3A_15 = vector.broadcast %slice3A_10 : vector<4x1xf32> to vector<4x512xf32>
    %sub3A_16 = arith.subf %get3A_7, %sub3A_15 : vector<4x512xf32>
    %integer_pow3A_17 = arith.mulf %sub3A_16, %sub3A_16 : vector<4x512xf32>
    %add3A_18 = arith.addf %add3A, %integer_pow3A_17 : vector<4x512xf32>
    %broadcast_in_dim3A = arith.constant 0 : i32
    %broadcast_in_dim3A_19 = vector.broadcast %broadcast_in_dim3A : i32 to vector<4x128xi32>
    %swap3A = arith.constant 0 : index
    %swap3A_20 = arith.constant 0 : index
    %swap3A_21 = vector.load %arg3[%swap3A, %swap3A_20] : memref<4x128xi32, #tpu.memory_space<vmem>>, vector<4x128xi32>
    tpu.vector_store %arg3[%swap3A, %swap3A_20], %broadcast_in_dim3A_19 {strides = array<i32>} : memref<4x128xi32, #tpu.memory_space<vmem>>, vector<4x128xi32>,
    %scan3A = arith.constant 1 : i32
    %scan3A_22 = arith.constant 127 : i32
    %scan3A_23 = arith.addi %scan3A, %scan3A_22 : i32
    %scan3A_24 = arith.constant 1 : i32
    %scan3A_25 = scf.for %scan3A_27 = %scan3A to %scan3A_23 step %scan3A_24 iter_args(%scan3A_28 = %add3A_18) -> (vector<4x512xf32>)  : i32 {
      %argmax3A = tpu.reduce_index %scan3A_28 {axis = 1 : i32, kind = #tpu.reduction_kind<arg_max>} : vector<4x512xf32> -> vector<4xi32>
      %broadcast_in_dim3A_29 = vector.shape_cast %argmax3A : vector<4xi32> to vector<4x1xi32>
      %eq3A = vector.broadcast %scan3A_27 : i32 to vector<4x128xi32>
      %eq3A_30 = arith.cmpi eq, %iota3A_8, %eq3A : vector<4x128xi32>
      %get3A_31 = arith.constant 0 : index
      %get3A_32 = arith.constant 0 : index
      %get3A_33 = vector.load %arg3[%get3A_31, %get3A_32] : memref<4x128xi32, #tpu.memory_space<vmem>>, vector<4x128xi32>
      %broadcast_in_dim3A_34 = vector.shape_cast %broadcast_in_dim3A_29 : vector<4x1xi32> to vector<4x1xi32>
      %broadcast_in_dim3A_35 = vector.broadcast %broadcast_in_dim3A_34 : vector<4x1xi32> to vector<4x128xi32>
      %select_n3A = arith.select %eq3A_30, %broadcast_in_dim3A_35, %get3A_33 : vector<4x128xi1>, vector<4x128xi32>
      %swap3A_36 = arith.constant 0 : index
      %swap3A_37 = arith.constant 0 : index
      %swap3A_38 = vector.load %arg3[%swap3A_36, %swap3A_37] : memref<4x128xi32, #tpu.memory_space<vmem>>, vector<4x128xi32>
      tpu.vector_store %arg3[%swap3A_36, %swap3A_37], %select_n3A {strides = array<i32>} : memref<4x128xi32, #tpu.memory_space<vmem>>, vector<4x128xi32>,
      %eq3A_39 = vector.broadcast %broadcast_in_dim3A_29 : vector<4x1xi32> to vector<4x512xi32>
      %eq3A_40 = arith.cmpi eq, %iota3A, %eq3A_39 : vector<4x512xi32>
      %jit3A = arith.constant 0.000000e+00 : f32
      %broadcast_in_dim3A_41 = vector.broadcast %jit3A : f32 to vector<4x512xf32>
      %select_n3A_42 = arith.select %eq3A_40, %get3A_1, %broadcast_in_dim3A_41 : vector<4x512xi1>, vector<4x512xf32>
      %reduce_sum3A = arith.constant dense<0.000000e+00> : vector<4xf32>
      %reduce_sum3A_43 = vector.multi_reduction <add>, %select_n3A_42, %reduce_sum3A [1] : vector<4x512xf32> to vector<4xf32>
      %broadcast_in_dim3A_44 = vector.shape_cast %reduce_sum3A_43 : vector<4xf32> to vector<4x1xf32>
      %jit3A_45 = arith.constant 0.000000e+00 : f32
      %broadcast_in_dim3A_46 = vector.broadcast %jit3A_45 : f32 to vector<4x512xf32>
      %select_n3A_47 = arith.select %eq3A_40, %get3A_4, %broadcast_in_dim3A_46 : vector<4x512xi1>, vector<4x512xf32>
      %reduce_sum3A_48 = arith.constant dense<0.000000e+00> : vector<4xf32>
      %reduce_sum3A_49 = vector.multi_reduction <add>, %select_n3A_47, %reduce_sum3A_48 [1] : vector<4x512xf32> to vector<4xf32>
      %broadcast_in_dim3A_50 = vector.shape_cast %reduce_sum3A_49 : vector<4xf32> to vector<4x1xf32>
      %jit3A_51 = arith.constant 0.000000e+00 : f32
      %broadcast_in_dim3A_52 = vector.broadcast %jit3A_51 : f32 to vector<4x512xf32>
      %select_n3A_53 = arith.select %eq3A_40, %get3A_7, %broadcast_in_dim3A_52 : vector<4x512xi1>, vector<4x512xf32>
      %reduce_sum3A_54 = arith.constant dense<0.000000e+00> : vector<4xf32>
      %reduce_sum3A_55 = vector.multi_reduction <add>, %select_n3A_53, %reduce_sum3A_54 [1] : vector<4x512xf32> to vector<4xf32>
      %broadcast_in_dim3A_56 = vector.shape_cast %reduce_sum3A_55 : vector<4xf32> to vector<4x1xf32>
      %sub3A_57 = vector.broadcast %broadcast_in_dim3A_44 : vector<4x1xf32> to vector<4x512xf32>
      %sub3A_58 = arith.subf %get3A_1, %sub3A_57 : vector<4x512xf32>
      %integer_pow3A_59 = arith.mulf %sub3A_58, %sub3A_58 : vector<4x512xf32>
      %sub3A_60 = vector.broadcast %broadcast_in_dim3A_50 : vector<4x1xf32> to vector<4x512xf32>
      %sub3A_61 = arith.subf %get3A_4, %sub3A_60 : vector<4x512xf32>
      %integer_pow3A_62 = arith.mulf %sub3A_61, %sub3A_61 : vector<4x512xf32>
      %add3A_63 = arith.addf %integer_pow3A_59, %integer_pow3A_62 : vector<4x512xf32>
      %sub3A_64 = vector.broadcast %broadcast_in_dim3A_56 : vector<4x1xf32> to vector<4x512xf32>
      %sub3A_65 = arith.subf %get3A_7, %sub3A_64 : vector<4x512xf32>
      %integer_pow3A_66 = arith.mulf %sub3A_65, %sub3A_65 : vector<4x512xf32>
      %add3A_67 = arith.addf %add3A_63, %integer_pow3A_66 : vector<4x512xf32>
      %min3A = arith.minimumf %scan3A_28, %add3A_67 : vector<4x512xf32>
      scf.yield %min3A : vector<4x512xf32>
    }
    %scan3A_26 = arith.constant 127 : i32
    return
  }
}

module attributes {stable_mosaic.version = 14 : i64} {
  func.func @kfn(%arg0: memref<4x128xf32, #tpu.memory_space<vmem>>, %arg1: memref<4x128xf32, #tpu.memory_space<vmem>>, %arg2: memref<4x128xf32, #tpu.memory_space<vmem>>, %arg3: memref<4x32xi32, #tpu.memory_space<vmem>>) attributes {dimension_semantics = [], scalar_prefetch = 0 : i64, scratch_operands = 0 : i64, tpu.core_type = #tpu.core_type<tc>} {
    %get3A = arith.constant 0 : index
    %get3A_0 = arith.constant 0 : index
    %get3A_1 = vector.load %arg0[%get3A, %get3A_0] : memref<4x128xf32, #tpu.memory_space<vmem>>, vector<4x128xf32>
    %get3A_2 = arith.constant 0 : index
    %get3A_3 = arith.constant 0 : index
    %get3A_4 = vector.load %arg1[%get3A_2, %get3A_3] : memref<4x128xf32, #tpu.memory_space<vmem>>, vector<4x128xf32>
    %get3A_5 = arith.constant 0 : index
    %get3A_6 = arith.constant 0 : index
    %get3A_7 = vector.load %arg2[%get3A_5, %get3A_6] : memref<4x128xf32, #tpu.memory_space<vmem>>, vector<4x128xf32>
    %iota3A = tpu.iota {dimensions = array<i32: 1>} : vector<4x128xi32>
    %iota3A_8 = tpu.iota {dimensions = array<i32: 1>} : vector<4x32xi32>
    %slice3A = vector.extract_strided_slice %get3A_1 {offsets = [0, 0], sizes = [4, 1], strides = [1, 1]} : vector<4x128xf32> to vector<4x1xf32>
    %slice3A_9 = vector.extract_strided_slice %get3A_4 {offsets = [0, 0], sizes = [4, 1], strides = [1, 1]} : vector<4x128xf32> to vector<4x1xf32>
    %slice3A_10 = vector.extract_strided_slice %get3A_7 {offsets = [0, 0], sizes = [4, 1], strides = [1, 1]} : vector<4x128xf32> to vector<4x1xf32>
    %sub3A = vector.broadcast %slice3A : vector<4x1xf32> to vector<4x128xf32>
    %sub3A_11 = arith.subf %get3A_1, %sub3A : vector<4x128xf32>
    %integer_pow3A = arith.mulf %sub3A_11, %sub3A_11 : vector<4x128xf32>
    %sub3A_12 = vector.broadcast %slice3A_9 : vector<4x1xf32> to vector<4x128xf32>
    %sub3A_13 = arith.subf %get3A_4, %sub3A_12 : vector<4x128xf32>
    %integer_pow3A_14 = arith.mulf %sub3A_13, %sub3A_13 : vector<4x128xf32>
    %add3A = arith.addf %integer_pow3A, %integer_pow3A_14 : vector<4x128xf32>
    %sub3A_15 = vector.broadcast %slice3A_10 : vector<4x1xf32> to vector<4x128xf32>
    %sub3A_16 = arith.subf %get3A_7, %sub3A_15 : vector<4x128xf32>
    %integer_pow3A_17 = arith.mulf %sub3A_16, %sub3A_16 : vector<4x128xf32>
    %add3A_18 = arith.addf %add3A, %integer_pow3A_17 : vector<4x128xf32>
    %broadcast_in_dim3A = arith.constant 0 : i32
    %broadcast_in_dim3A_19 = vector.broadcast %broadcast_in_dim3A : i32 to vector<4x32xi32>
    %swap3A = arith.constant 0 : index
    %swap3A_20 = arith.constant 0 : index
    %swap3A_21 = vector.load %arg3[%swap3A, %swap3A_20] : memref<4x32xi32, #tpu.memory_space<vmem>>, vector<4x32xi32>
    tpu.vector_store %arg3[%swap3A, %swap3A_20], %broadcast_in_dim3A_19 {strides = array<i32>} : memref<4x32xi32, #tpu.memory_space<vmem>>, vector<4x32xi32>,
    %scan3A = arith.constant 1 : i32
    %scan3A_22 = arith.constant 31 : i32
    %scan3A_23 = arith.addi %scan3A, %scan3A_22 : i32
    %scan3A_24 = arith.constant 1 : i32
    %scan3A_25 = scf.for %scan3A_27 = %scan3A to %scan3A_23 step %scan3A_24 iter_args(%scan3A_28 = %add3A_18) -> (vector<4x128xf32>)  : i32 {
      %argmax3A = tpu.reduce_index %scan3A_28 {axis = 1 : i32, kind = #tpu.reduction_kind<arg_max>} : vector<4x128xf32> -> vector<4xi32>
      %broadcast_in_dim3A_29 = vector.shape_cast %argmax3A : vector<4xi32> to vector<4x1xi32>
      %eq3A = vector.broadcast %scan3A_27 : i32 to vector<4x32xi32>
      %eq3A_30 = arith.cmpi eq, %iota3A_8, %eq3A : vector<4x32xi32>
      %get3A_31 = arith.constant 0 : index
      %get3A_32 = arith.constant 0 : index
      %get3A_33 = vector.load %arg3[%get3A_31, %get3A_32] : memref<4x32xi32, #tpu.memory_space<vmem>>, vector<4x32xi32>
      %broadcast_in_dim3A_34 = vector.shape_cast %broadcast_in_dim3A_29 : vector<4x1xi32> to vector<4x1xi32>
      %broadcast_in_dim3A_35 = vector.broadcast %broadcast_in_dim3A_34 : vector<4x1xi32> to vector<4x32xi32>
      %select_n3A = arith.select %eq3A_30, %broadcast_in_dim3A_35, %get3A_33 : vector<4x32xi1>, vector<4x32xi32>
      %swap3A_36 = arith.constant 0 : index
      %swap3A_37 = arith.constant 0 : index
      %swap3A_38 = vector.load %arg3[%swap3A_36, %swap3A_37] : memref<4x32xi32, #tpu.memory_space<vmem>>, vector<4x32xi32>
      tpu.vector_store %arg3[%swap3A_36, %swap3A_37], %select_n3A {strides = array<i32>} : memref<4x32xi32, #tpu.memory_space<vmem>>, vector<4x32xi32>,
      %eq3A_39 = vector.broadcast %broadcast_in_dim3A_29 : vector<4x1xi32> to vector<4x128xi32>
      %eq3A_40 = arith.cmpi eq, %iota3A, %eq3A_39 : vector<4x128xi32>
      %jit3A = arith.constant 0.000000e+00 : f32
      %broadcast_in_dim3A_41 = vector.broadcast %jit3A : f32 to vector<4x128xf32>
      %select_n3A_42 = arith.select %eq3A_40, %get3A_1, %broadcast_in_dim3A_41 : vector<4x128xi1>, vector<4x128xf32>
      %reduce_sum3A = arith.constant dense<0.000000e+00> : vector<4xf32>
      %reduce_sum3A_43 = vector.multi_reduction <add>, %select_n3A_42, %reduce_sum3A [1] : vector<4x128xf32> to vector<4xf32>
      %broadcast_in_dim3A_44 = vector.shape_cast %reduce_sum3A_43 : vector<4xf32> to vector<4x1xf32>
      %jit3A_45 = arith.constant 0.000000e+00 : f32
      %broadcast_in_dim3A_46 = vector.broadcast %jit3A_45 : f32 to vector<4x128xf32>
      %select_n3A_47 = arith.select %eq3A_40, %get3A_4, %broadcast_in_dim3A_46 : vector<4x128xi1>, vector<4x128xf32>
      %reduce_sum3A_48 = arith.constant dense<0.000000e+00> : vector<4xf32>
      %reduce_sum3A_49 = vector.multi_reduction <add>, %select_n3A_47, %reduce_sum3A_48 [1] : vector<4x128xf32> to vector<4xf32>
      %broadcast_in_dim3A_50 = vector.shape_cast %reduce_sum3A_49 : vector<4xf32> to vector<4x1xf32>
      %jit3A_51 = arith.constant 0.000000e+00 : f32
      %broadcast_in_dim3A_52 = vector.broadcast %jit3A_51 : f32 to vector<4x128xf32>
      %select_n3A_53 = arith.select %eq3A_40, %get3A_7, %broadcast_in_dim3A_52 : vector<4x128xi1>, vector<4x128xf32>
      %reduce_sum3A_54 = arith.constant dense<0.000000e+00> : vector<4xf32>
      %reduce_sum3A_55 = vector.multi_reduction <add>, %select_n3A_53, %reduce_sum3A_54 [1] : vector<4x128xf32> to vector<4xf32>
      %broadcast_in_dim3A_56 = vector.shape_cast %reduce_sum3A_55 : vector<4xf32> to vector<4x1xf32>
      %sub3A_57 = vector.broadcast %broadcast_in_dim3A_44 : vector<4x1xf32> to vector<4x128xf32>
      %sub3A_58 = arith.subf %get3A_1, %sub3A_57 : vector<4x128xf32>
      %integer_pow3A_59 = arith.mulf %sub3A_58, %sub3A_58 : vector<4x128xf32>
      %sub3A_60 = vector.broadcast %broadcast_in_dim3A_50 : vector<4x1xf32> to vector<4x128xf32>
      %sub3A_61 = arith.subf %get3A_4, %sub3A_60 : vector<4x128xf32>
      %integer_pow3A_62 = arith.mulf %sub3A_61, %sub3A_61 : vector<4x128xf32>
      %add3A_63 = arith.addf %integer_pow3A_59, %integer_pow3A_62 : vector<4x128xf32>
      %sub3A_64 = vector.broadcast %broadcast_in_dim3A_56 : vector<4x1xf32> to vector<4x128xf32>
      %sub3A_65 = arith.subf %get3A_7, %sub3A_64 : vector<4x128xf32>
      %integer_pow3A_66 = arith.mulf %sub3A_65, %sub3A_65 : vector<4x128xf32>
      %add3A_67 = arith.addf %add3A_63, %integer_pow3A_66 : vector<4x128xf32>
      %min3A = arith.minimumf %scan3A_28, %add3A_67 : vector<4x128xf32>
      scf.yield %min3A : vector<4x128xf32>
    }
    %scan3A_26 = arith.constant 31 : i32
    return
  }
}

module attributes {stable_mosaic.version = 14 : i64} {
  func.func @kfn(%arg0: i32, %arg1: memref<2048x6xf32, #tpu.memory_space<vmem>>, %arg2: memref<6x64xf32, #tpu.memory_space<vmem>>, %arg3: memref<1x64xf32, #tpu.memory_space<vmem>>, %arg4: memref<2048x64xf32, #tpu.memory_space<vmem>>, %arg5: memref<1x64xf32, #tpu.memory_space<vmem>>, %arg6: memref<1x64xf32, #tpu.memory_space<vmem>>) attributes {dimension_semantics = [#tpu.dimension_semantics<arbitrary>], iteration_bounds = array<i64: 256>, scalar_prefetch = 0 : i64, scratch_operands = 0 : i64, tpu.core_type = #tpu.core_type<tc>, window_params = [{transform_indices = @transform_0, window_bounds = array<i64: 2048, 6>}, {pipeline_mode = #tpu.pipeline_mode<synchronous>, transform_indices = @transform_1, window_bounds = array<i64: 6, 64>}, {pipeline_mode = #tpu.pipeline_mode<synchronous>, transform_indices = @transform_2, window_bounds = array<i64: 1, 64>}, {transform_indices = @transform_3, window_bounds = array<i64: 2048, 64>}, {pipeline_mode = #tpu.pipeline_mode<synchronous>, transform_indices = @transform_4, window_bounds = array<i64: 1, 64>}, {pipeline_mode = #tpu.pipeline_mode<synchronous>, transform_indices = @transform_5, window_bounds = array<i64: 1, 64>}]} {
    %get3A = arith.constant 0 : index
    %get3A_0 = arith.constant 0 : index
    %get3A_1 = vector.load %arg1[%get3A, %get3A_0] : memref<2048x6xf32, #tpu.memory_space<vmem>>, vector<2048x6xf32>
    %get3A_2 = arith.constant 0 : index
    %get3A_3 = arith.constant 0 : index
    %get3A_4 = vector.load %arg2[%get3A_2, %get3A_3] : memref<6x64xf32, #tpu.memory_space<vmem>>, vector<6x64xf32>
    %dot_general3A = arith.constant dense<0.000000e+00> : vector<2048x64xf32>
    %dot_general3A_5 = tpu.matmul %get3A_1, %get3A_4, %dot_general3A {dimension_numbers = #tpu.dot_dimension_numbers<[1], [0], [0], [1], [0, 0, 1, 1], [], []>, transpose_lhs_hint = false} : vector<2048x6xf32>, vector<6x64xf32>, vector<2048x64xf32> -> vector<2048x64xf32>
    %get3A_6 = arith.constant 0 : index
    %get3A_7 = arith.constant 0 : index
    %get3A_8 = vector.load %arg3[%get3A_6, %get3A_7] : memref<1x64xf32, #tpu.memory_space<vmem>>, vector<1x64xf32>
    %add3A = vector.broadcast %get3A_8 : vector<1x64xf32> to vector<2048x64xf32>
    %add3A_9 = arith.addf %dot_general3A_5, %add3A : vector<2048x64xf32>
    %swap3A = arith.constant 0 : index
    %swap3A_10 = arith.constant 0 : index
    %swap3A_11 = vector.load %arg4[%swap3A, %swap3A_10] : memref<2048x64xf32, #tpu.memory_space<vmem>>, vector<2048x64xf32>
    tpu.vector_store %arg4[%swap3A, %swap3A_10], %add3A_9 {strides = array<i32>} : memref<2048x64xf32, #tpu.memory_space<vmem>>, vector<2048x64xf32>,
    %reduce_sum3A = arith.constant dense<0.000000e+00> : vector<64xf32>
    %reduce_sum3A_12 = vector.multi_reduction <add>, %add3A_9, %reduce_sum3A [0] : vector<2048x64xf32> to vector<64xf32>
    %broadcast_in_dim3A = vector.shape_cast %reduce_sum3A_12 : vector<64xf32> to vector<1x64xf32>
    %div3A = arith.constant 2.048000e+03 : f32
    %div3A_13 = vector.broadcast %div3A : f32 to vector<1x64xf32>
    %div3A_14 = arith.divf %broadcast_in_dim3A, %div3A_13 : vector<1x64xf32>
    %sub3A = vector.broadcast %div3A_14 : vector<1x64xf32> to vector<2048x64xf32>
    %sub3A_15 = arith.subf %add3A_9, %sub3A : vector<2048x64xf32>
    %integer_pow3A = arith.mulf %sub3A_15, %sub3A_15 : vector<2048x64xf32>
    %reduce_sum3A_16 = arith.constant dense<0.000000e+00> : vector<64xf32>
    %reduce_sum3A_17 = vector.multi_reduction <add>, %integer_pow3A, %reduce_sum3A_16 [0] : vector<2048x64xf32> to vector<64xf32>
    %broadcast_in_dim3A_18 = vector.shape_cast %reduce_sum3A_17 : vector<64xf32> to vector<1x64xf32>
    %eq3A = arith.constant 0 : i32
    %eq3A_19 = arith.cmpi eq, %arg0, %eq3A : i32
    %convert_element_type3A = arith.extui %eq3A_19 : i1 to i32
    %cond3A = arith.constant 0 : i32
    %cond3A_20 = arith.cmpi ne, %convert_element_type3A, %cond3A : i32
    scf.if %cond3A_20 {
      %swap3A_25 = arith.constant 0 : index
      %swap3A_26 = arith.constant 0 : index
      %swap3A_27 = vector.load %arg5[%swap3A_25, %swap3A_26] : memref<1x64xf32, #tpu.memory_space<vmem>>, vector<1x64xf32>
      tpu.vector_store %arg5[%swap3A_25, %swap3A_26], %div3A_14 {strides = array<i32>} : memref<1x64xf32, #tpu.memory_space<vmem>>, vector<1x64xf32>,
      %swap3A_28 = arith.constant 0 : index
      %swap3A_29 = arith.constant 0 : index
      %swap3A_30 = vector.load %arg6[%swap3A_28, %swap3A_29] : memref<1x64xf32, #tpu.memory_space<vmem>>, vector<1x64xf32>
      tpu.vector_store %arg6[%swap3A_28, %swap3A_29], %broadcast_in_dim3A_18 {strides = array<i32>} : memref<1x64xf32, #tpu.memory_space<vmem>>, vector<1x64xf32>,
    } else {
    }
    %gt3A = arith.constant 0 : i32
    %gt3A_21 = arith.cmpi sgt, %arg0, %gt3A : i32
    %convert_element_type3A_22 = arith.extui %gt3A_21 : i1 to i32
    %cond3A_23 = arith.constant 0 : i32
    %cond3A_24 = arith.cmpi ne, %convert_element_type3A_22, %cond3A_23 : i32
    scf.if %cond3A_24 {
      %mul3A = arith.constant 2048 : i32
      %mul3A_25 = arith.muli %arg0, %mul3A : i32
      %convert_element_type3A_26 = arith.sitofp %mul3A_25 : i32 to f32
      %add3A_27 = arith.constant 2.048000e+03 : f32
      %add3A_28 = arith.addf %convert_element_type3A_26, %add3A_27 : f32
      %get3A_29 = arith.constant 0 : index
      %get3A_30 = arith.constant 0 : index
      %get3A_31 = vector.load %arg5[%get3A_29, %get3A_30] : memref<1x64xf32, #tpu.memory_space<vmem>>, vector<1x64xf32>
      %sub3A_32 = arith.subf %div3A_14, %get3A_31 : vector<1x64xf32>
      %get3A_33 = arith.constant 0 : index
      %get3A_34 = arith.constant 0 : index
      %get3A_35 = vector.load %arg5[%get3A_33, %get3A_34] : memref<1x64xf32, #tpu.memory_space<vmem>>, vector<1x64xf32>
      %div3A_36 = arith.constant 2.048000e+03 : f32
      %div3A_37 = arith.divf %div3A_36, %add3A_28 : f32
      %mul3A_38 = vector.broadcast %div3A_37 : f32 to vector<1x64xf32>
      %mul3A_39 = arith.mulf %sub3A_32, %mul3A_38 : vector<1x64xf32>
      %add3A_40 = arith.addf %get3A_35, %mul3A_39 : vector<1x64xf32>
      %swap3A_41 = arith.constant 0 : index
      %swap3A_42 = arith.constant 0 : index
      %swap3A_43 = vector.load %arg5[%swap3A_41, %swap3A_42] : memref<1x64xf32, #tpu.memory_space<vmem>>, vector<1x64xf32>
      tpu.vector_store %arg5[%swap3A_41, %swap3A_42], %add3A_40 {strides = array<i32>} : memref<1x64xf32, #tpu.memory_space<vmem>>, vector<1x64xf32>,
      %get3A_44 = arith.constant 0 : index
      %get3A_45 = arith.constant 0 : index
      %get3A_46 = vector.load %arg6[%get3A_44, %get3A_45] : memref<1x64xf32, #tpu.memory_space<vmem>>, vector<1x64xf32>
      %mul3A_47 = arith.mulf %sub3A_32, %sub3A_32 : vector<1x64xf32>
      %mul3A_48 = arith.constant 2.048000e+03 : f32
      %mul3A_49 = arith.mulf %convert_element_type3A_26, %mul3A_48 : f32
      %div3A_50 = arith.divf %mul3A_49, %add3A_28 : f32
      %mul3A_51 = vector.broadcast %div3A_50 : f32 to vector<1x64xf32>
      %mul3A_52 = arith.mulf %mul3A_47, %mul3A_51 : vector<1x64xf32>
      %add3A_53 = arith.addf %broadcast_in_dim3A_18, %mul3A_52 : vector<1x64xf32>
      %add3A_54 = arith.addf %get3A_46, %add3A_53 : vector<1x64xf32>
      %swap3A_55 = arith.constant 0 : index
      %swap3A_56 = arith.constant 0 : index
      %swap3A_57 = vector.load %arg6[%swap3A_55, %swap3A_56] : memref<1x64xf32, #tpu.memory_space<vmem>>, vector<1x64xf32>
      tpu.vector_store %arg6[%swap3A_55, %swap3A_56], %add3A_54 {strides = array<i32>} : memref<1x64xf32, #tpu.memory_space<vmem>>, vector<1x64xf32>,
    } else {
    }
    return
  }
  func.func @transform_0(%arg0: i32) -> (i32, i32) {
    %c0_i32 = arith.constant 0 : i32
    %c0_i32_0 = arith.constant 0 : i32
    return %arg0, %c0_i32 : i32, i32
  }
  func.func @transform_1(%arg0: i32) -> (i32, i32) {
    %c0_i32 = arith.constant 0 : i32
    %c0_i32_0 = arith.constant 0 : i32
    %c0_i32_1 = arith.constant 0 : i32
    return %c0_i32, %c0_i32_0 : i32, i32
  }
  func.func @transform_2(%arg0: i32) -> (i32, i32) {
    %c0_i32 = arith.constant 0 : i32
    %c0_i32_0 = arith.constant 0 : i32
    %c0_i32_1 = arith.constant 0 : i32
    return %c0_i32, %c0_i32_0 : i32, i32
  }
  func.func @transform_3(%arg0: i32) -> (i32, i32) {
    %c0_i32 = arith.constant 0 : i32
    %c0_i32_0 = arith.constant 0 : i32
    return %arg0, %c0_i32 : i32, i32
  }
  func.func @transform_4(%arg0: i32) -> (i32, i32) {
    %c0_i32 = arith.constant 0 : i32
    %c0_i32_0 = arith.constant 0 : i32
    %c0_i32_1 = arith.constant 0 : i32
    return %c0_i32, %c0_i32_0 : i32, i32
  }
  func.func @transform_5(%arg0: i32) -> (i32, i32) {
    %c0_i32 = arith.constant 0 : i32
    %c0_i32_0 = arith.constant 0 : i32
    %c0_i32_1 = arith.constant 0 : i32
    return %c0_i32, %c0_i32_0 : i32, i32
  }
}

module attributes {stable_mosaic.version = 14 : i64} {
  func.func @kfn(%arg0: i32, %arg1: memref<2048x64xf32, #tpu.memory_space<vmem>>, %arg2: memref<1x64xf32, #tpu.memory_space<vmem>>, %arg3: memref<1x64xf32, #tpu.memory_space<vmem>>, %arg4: memref<1x64xf32, #tpu.memory_space<vmem>>, %arg5: memref<64x64xf32, #tpu.memory_space<vmem>>, %arg6: memref<1x64xf32, #tpu.memory_space<vmem>>, %arg7: memref<2048x64xf32, #tpu.memory_space<vmem>>, %arg8: memref<1x64xf32, #tpu.memory_space<vmem>>, %arg9: memref<1x64xf32, #tpu.memory_space<vmem>>) attributes {dimension_semantics = [#tpu.dimension_semantics<arbitrary>], iteration_bounds = array<i64: 256>, scalar_prefetch = 0 : i64, scratch_operands = 0 : i64, tpu.core_type = #tpu.core_type<tc>, window_params = [{transform_indices = @transform_0, window_bounds = array<i64: 2048, 64>}, {pipeline_mode = #tpu.pipeline_mode<synchronous>, transform_indices = @transform_1, window_bounds = array<i64: 1, 64>}, {pipeline_mode = #tpu.pipeline_mode<synchronous>, transform_indices = @transform_2, window_bounds = array<i64: 1, 64>}, {pipeline_mode = #tpu.pipeline_mode<synchronous>, transform_indices = @transform_3, window_bounds = array<i64: 1, 64>}, {pipeline_mode = #tpu.pipeline_mode<synchronous>, transform_indices = @transform_4, window_bounds = array<i64: 64, 64>}, {pipeline_mode = #tpu.pipeline_mode<synchronous>, transform_indices = @transform_5, window_bounds = array<i64: 1, 64>}, {transform_indices = @transform_6, window_bounds = array<i64: 2048, 64>}, {pipeline_mode = #tpu.pipeline_mode<synchronous>, transform_indices = @transform_7, window_bounds = array<i64: 1, 64>}, {pipeline_mode = #tpu.pipeline_mode<synchronous>, transform_indices = @transform_8, window_bounds = array<i64: 1, 64>}]} {
    %get3A = arith.constant 0 : index
    %get3A_0 = arith.constant 0 : index
    %get3A_1 = vector.load %arg1[%get3A, %get3A_0] : memref<2048x64xf32, #tpu.memory_space<vmem>>, vector<2048x64xf32>
    %get3A_2 = arith.constant 0 : index
    %get3A_3 = arith.constant 0 : index
    %get3A_4 = vector.load %arg2[%get3A_2, %get3A_3] : memref<1x64xf32, #tpu.memory_space<vmem>>, vector<1x64xf32>
    %sub3A = vector.broadcast %get3A_4 : vector<1x64xf32> to vector<2048x64xf32>
    %sub3A_5 = arith.subf %get3A_1, %sub3A : vector<2048x64xf32>
    %get3A_6 = arith.constant 0 : index
    %get3A_7 = arith.constant 0 : index
    %get3A_8 = vector.load %arg3[%get3A_6, %get3A_7] : memref<1x64xf32, #tpu.memory_space<vmem>>, vector<1x64xf32>
    %mul3A = vector.broadcast %get3A_8 : vector<1x64xf32> to vector<2048x64xf32>
    %mul3A_9 = arith.mulf %sub3A_5, %mul3A : vector<2048x64xf32>
    %get3A_10 = arith.constant 0 : index
    %get3A_11 = arith.constant 0 : index
    %get3A_12 = vector.load %arg4[%get3A_10, %get3A_11] : memref<1x64xf32, #tpu.memory_space<vmem>>, vector<1x64xf32>
    %add3A = vector.broadcast %get3A_12 : vector<1x64xf32> to vector<2048x64xf32>
    %add3A_13 = arith.addf %mul3A_9, %add3A : vector<2048x64xf32>
    %max3A = arith.constant 0.000000e+00 : f32
    %max3A_14 = vector.broadcast %max3A : f32 to vector<2048x64xf32>
    %max3A_15 = arith.maximumf %add3A_13, %max3A_14 : vector<2048x64xf32>
    %get3A_16 = arith.constant 0 : index
    %get3A_17 = arith.constant 0 : index
    %get3A_18 = vector.load %arg5[%get3A_16, %get3A_17] : memref<64x64xf32, #tpu.memory_space<vmem>>, vector<64x64xf32>
    %dot_general3A = arith.constant dense<0.000000e+00> : vector<2048x64xf32>
    %dot_general3A_19 = tpu.matmul %max3A_15, %get3A_18, %dot_general3A {dimension_numbers = #tpu.dot_dimension_numbers<[1], [0], [0], [1], [0, 0, 1, 1], [], []>, transpose_lhs_hint = false} : vector<2048x64xf32>, vector<64x64xf32>, vector<2048x64xf32> -> vector<2048x64xf32>
    %get3A_20 = arith.constant 0 : index
    %get3A_21 = arith.constant 0 : index
    %get3A_22 = vector.load %arg6[%get3A_20, %get3A_21] : memref<1x64xf32, #tpu.memory_space<vmem>>, vector<1x64xf32>
    %add3A_23 = vector.broadcast %get3A_22 : vector<1x64xf32> to vector<2048x64xf32>
    %add3A_24 = arith.addf %dot_general3A_19, %add3A_23 : vector<2048x64xf32>
    %swap3A = arith.constant 0 : index
    %swap3A_25 = arith.constant 0 : index
    %swap3A_26 = vector.load %arg7[%swap3A, %swap3A_25] : memref<2048x64xf32, #tpu.memory_space<vmem>>, vector<2048x64xf32>
    tpu.vector_store %arg7[%swap3A, %swap3A_25], %add3A_24 {strides = array<i32>} : memref<2048x64xf32, #tpu.memory_space<vmem>>, vector<2048x64xf32>,
    %reduce_sum3A = arith.constant dense<0.000000e+00> : vector<64xf32>
    %reduce_sum3A_27 = vector.multi_reduction <add>, %add3A_24, %reduce_sum3A [0] : vector<2048x64xf32> to vector<64xf32>
    %broadcast_in_dim3A = vector.shape_cast %reduce_sum3A_27 : vector<64xf32> to vector<1x64xf32>
    %div3A = arith.constant 2.048000e+03 : f32
    %div3A_28 = vector.broadcast %div3A : f32 to vector<1x64xf32>
    %div3A_29 = arith.divf %broadcast_in_dim3A, %div3A_28 : vector<1x64xf32>
    %sub3A_30 = vector.broadcast %div3A_29 : vector<1x64xf32> to vector<2048x64xf32>
    %sub3A_31 = arith.subf %add3A_24, %sub3A_30 : vector<2048x64xf32>
    %integer_pow3A = arith.mulf %sub3A_31, %sub3A_31 : vector<2048x64xf32>
    %reduce_sum3A_32 = arith.constant dense<0.000000e+00> : vector<64xf32>
    %reduce_sum3A_33 = vector.multi_reduction <add>, %integer_pow3A, %reduce_sum3A_32 [0] : vector<2048x64xf32> to vector<64xf32>
    %broadcast_in_dim3A_34 = vector.shape_cast %reduce_sum3A_33 : vector<64xf32> to vector<1x64xf32>
    %eq3A = arith.constant 0 : i32
    %eq3A_35 = arith.cmpi eq, %arg0, %eq3A : i32
    %convert_element_type3A = arith.extui %eq3A_35 : i1 to i32
    %cond3A = arith.constant 0 : i32
    %cond3A_36 = arith.cmpi ne, %convert_element_type3A, %cond3A : i32
    scf.if %cond3A_36 {
      %swap3A_41 = arith.constant 0 : index
      %swap3A_42 = arith.constant 0 : index
      %swap3A_43 = vector.load %arg8[%swap3A_41, %swap3A_42] : memref<1x64xf32, #tpu.memory_space<vmem>>, vector<1x64xf32>
      tpu.vector_store %arg8[%swap3A_41, %swap3A_42], %div3A_29 {strides = array<i32>} : memref<1x64xf32, #tpu.memory_space<vmem>>, vector<1x64xf32>,
      %swap3A_44 = arith.constant 0 : index
      %swap3A_45 = arith.constant 0 : index
      %swap3A_46 = vector.load %arg9[%swap3A_44, %swap3A_45] : memref<1x64xf32, #tpu.memory_space<vmem>>, vector<1x64xf32>
      tpu.vector_store %arg9[%swap3A_44, %swap3A_45], %broadcast_in_dim3A_34 {strides = array<i32>} : memref<1x64xf32, #tpu.memory_space<vmem>>, vector<1x64xf32>,
    } else {
    }
    %gt3A = arith.constant 0 : i32
    %gt3A_37 = arith.cmpi sgt, %arg0, %gt3A : i32
    %convert_element_type3A_38 = arith.extui %gt3A_37 : i1 to i32
    %cond3A_39 = arith.constant 0 : i32
    %cond3A_40 = arith.cmpi ne, %convert_element_type3A_38, %cond3A_39 : i32
    scf.if %cond3A_40 {
      %mul3A_41 = arith.constant 2048 : i32
      %mul3A_42 = arith.muli %arg0, %mul3A_41 : i32
      %convert_element_type3A_43 = arith.sitofp %mul3A_42 : i32 to f32
      %add3A_44 = arith.constant 2.048000e+03 : f32
      %add3A_45 = arith.addf %convert_element_type3A_43, %add3A_44 : f32
      %get3A_46 = arith.constant 0 : index
      %get3A_47 = arith.constant 0 : index
      %get3A_48 = vector.load %arg8[%get3A_46, %get3A_47] : memref<1x64xf32, #tpu.memory_space<vmem>>, vector<1x64xf32>
      %sub3A_49 = arith.subf %div3A_29, %get3A_48 : vector<1x64xf32>
      %get3A_50 = arith.constant 0 : index
      %get3A_51 = arith.constant 0 : index
      %get3A_52 = vector.load %arg8[%get3A_50, %get3A_51] : memref<1x64xf32, #tpu.memory_space<vmem>>, vector<1x64xf32>
      %div3A_53 = arith.constant 2.048000e+03 : f32
      %div3A_54 = arith.divf %div3A_53, %add3A_45 : f32
      %mul3A_55 = vector.broadcast %div3A_54 : f32 to vector<1x64xf32>
      %mul3A_56 = arith.mulf %sub3A_49, %mul3A_55 : vector<1x64xf32>
      %add3A_57 = arith.addf %get3A_52, %mul3A_56 : vector<1x64xf32>
      %swap3A_58 = arith.constant 0 : index
      %swap3A_59 = arith.constant 0 : index
      %swap3A_60 = vector.load %arg8[%swap3A_58, %swap3A_59] : memref<1x64xf32, #tpu.memory_space<vmem>>, vector<1x64xf32>
      tpu.vector_store %arg8[%swap3A_58, %swap3A_59], %add3A_57 {strides = array<i32>} : memref<1x64xf32, #tpu.memory_space<vmem>>, vector<1x64xf32>,
      %get3A_61 = arith.constant 0 : index
      %get3A_62 = arith.constant 0 : index
      %get3A_63 = vector.load %arg9[%get3A_61, %get3A_62] : memref<1x64xf32, #tpu.memory_space<vmem>>, vector<1x64xf32>
      %mul3A_64 = arith.mulf %sub3A_49, %sub3A_49 : vector<1x64xf32>
      %mul3A_65 = arith.constant 2.048000e+03 : f32
      %mul3A_66 = arith.mulf %convert_element_type3A_43, %mul3A_65 : f32
      %div3A_67 = arith.divf %mul3A_66, %add3A_45 : f32
      %mul3A_68 = vector.broadcast %div3A_67 : f32 to vector<1x64xf32>
      %mul3A_69 = arith.mulf %mul3A_64, %mul3A_68 : vector<1x64xf32>
      %add3A_70 = arith.addf %broadcast_in_dim3A_34, %mul3A_69 : vector<1x64xf32>
      %add3A_71 = arith.addf %get3A_63, %add3A_70 : vector<1x64xf32>
      %swap3A_72 = arith.constant 0 : index
      %swap3A_73 = arith.constant 0 : index
      %swap3A_74 = vector.load %arg9[%swap3A_72, %swap3A_73] : memref<1x64xf32, #tpu.memory_space<vmem>>, vector<1x64xf32>
      tpu.vector_store %arg9[%swap3A_72, %swap3A_73], %add3A_71 {strides = array<i32>} : memref<1x64xf32, #tpu.memory_space<vmem>>, vector<1x64xf32>,
    } else {
    }
    return
  }
  func.func @transform_0(%arg0: i32) -> (i32, i32) {
    %c0_i32 = arith.constant 0 : i32
    %c0_i32_0 = arith.constant 0 : i32
    return %arg0, %c0_i32 : i32, i32
  }
  func.func @transform_1(%arg0: i32) -> (i32, i32) {
    %c0_i32 = arith.constant 0 : i32
    %c0_i32_0 = arith.constant 0 : i32
    %c0_i32_1 = arith.constant 0 : i32
    return %c0_i32, %c0_i32_0 : i32, i32
  }
  func.func @transform_2(%arg0: i32) -> (i32, i32) {
    %c0_i32 = arith.constant 0 : i32
    %c0_i32_0 = arith.constant 0 : i32
    %c0_i32_1 = arith.constant 0 : i32
    return %c0_i32, %c0_i32_0 : i32, i32
  }
  func.func @transform_3(%arg0: i32) -> (i32, i32) {
    %c0_i32 = arith.constant 0 : i32
    %c0_i32_0 = arith.constant 0 : i32
    %c0_i32_1 = arith.constant 0 : i32
    return %c0_i32, %c0_i32_0 : i32, i32
  }
  func.func @transform_4(%arg0: i32) -> (i32, i32) {
    %c0_i32 = arith.constant 0 : i32
    %c0_i32_0 = arith.constant 0 : i32
    %c0_i32_1 = arith.constant 0 : i32
    return %c0_i32, %c0_i32_0 : i32, i32
  }
  func.func @transform_5(%arg0: i32) -> (i32, i32) {
    %c0_i32 = arith.constant 0 : i32
    %c0_i32_0 = arith.constant 0 : i32
    %c0_i32_1 = arith.constant 0 : i32
    return %c0_i32, %c0_i32_0 : i32, i32
  }
  func.func @transform_6(%arg0: i32) -> (i32, i32) {
    %c0_i32 = arith.constant 0 : i32
    %c0_i32_0 = arith.constant 0 : i32
    return %arg0, %c0_i32 : i32, i32
  }
  func.func @transform_7(%arg0: i32) -> (i32, i32) {
    %c0_i32 = arith.constant 0 : i32
    %c0_i32_0 = arith.constant 0 : i32
    %c0_i32_1 = arith.constant 0 : i32
    return %c0_i32, %c0_i32_0 : i32, i32
  }
  func.func @transform_8(%arg0: i32) -> (i32, i32) {
    %c0_i32 = arith.constant 0 : i32
    %c0_i32_0 = arith.constant 0 : i32
    %c0_i32_1 = arith.constant 0 : i32
    return %c0_i32, %c0_i32_0 : i32, i32
  }
}

module attributes {stable_mosaic.version = 14 : i64} {
  func.func @kfn(%arg0: i32, %arg1: memref<2048x64xf32, #tpu.memory_space<vmem>>, %arg2: memref<1x64xf32, #tpu.memory_space<vmem>>, %arg3: memref<1x64xf32, #tpu.memory_space<vmem>>, %arg4: memref<1x64xf32, #tpu.memory_space<vmem>>, %arg5: memref<64x128xf32, #tpu.memory_space<vmem>>, %arg6: memref<1x128xf32, #tpu.memory_space<vmem>>, %arg7: memref<32x64xf32, #tpu.memory_space<vmem>>, %arg8: memref<32x128xf32, #tpu.memory_space<vmem>>) attributes {dimension_semantics = [#tpu.dimension_semantics<arbitrary>], iteration_bounds = array<i64: 256>, scalar_prefetch = 0 : i64, scratch_operands = 0 : i64, tpu.core_type = #tpu.core_type<tc>, window_params = [{transform_indices = @transform_0, window_bounds = array<i64: 2048, 64>}, {pipeline_mode = #tpu.pipeline_mode<synchronous>, transform_indices = @transform_1, window_bounds = array<i64: 1, 64>}, {pipeline_mode = #tpu.pipeline_mode<synchronous>, transform_indices = @transform_2, window_bounds = array<i64: 1, 64>}, {pipeline_mode = #tpu.pipeline_mode<synchronous>, transform_indices = @transform_3, window_bounds = array<i64: 1, 64>}, {pipeline_mode = #tpu.pipeline_mode<synchronous>, transform_indices = @transform_4, window_bounds = array<i64: 64, 128>}, {pipeline_mode = #tpu.pipeline_mode<synchronous>, transform_indices = @transform_5, window_bounds = array<i64: 1, 128>}, {transform_indices = @transform_6, window_bounds = array<i64: 32, 64>}, {transform_indices = @transform_7, window_bounds = array<i64: 32, 128>}]} {
    %get3A = arith.constant 0 : index
    %get3A_0 = arith.constant 0 : index
    %get3A_1 = vector.load %arg1[%get3A, %get3A_0] : memref<2048x64xf32, #tpu.memory_space<vmem>>, vector<2048x64xf32>
    %get3A_2 = arith.constant 0 : index
    %get3A_3 = arith.constant 0 : index
    %get3A_4 = vector.load %arg2[%get3A_2, %get3A_3] : memref<1x64xf32, #tpu.memory_space<vmem>>, vector<1x64xf32>
    %sub3A = vector.broadcast %get3A_4 : vector<1x64xf32> to vector<2048x64xf32>
    %sub3A_5 = arith.subf %get3A_1, %sub3A : vector<2048x64xf32>
    %get3A_6 = arith.constant 0 : index
    %get3A_7 = arith.constant 0 : index
    %get3A_8 = vector.load %arg3[%get3A_6, %get3A_7] : memref<1x64xf32, #tpu.memory_space<vmem>>, vector<1x64xf32>
    %mul3A = vector.broadcast %get3A_8 : vector<1x64xf32> to vector<2048x64xf32>
    %mul3A_9 = arith.mulf %sub3A_5, %mul3A : vector<2048x64xf32>
    %get3A_10 = arith.constant 0 : index
    %get3A_11 = arith.constant 0 : index
    %get3A_12 = vector.load %arg4[%get3A_10, %get3A_11] : memref<1x64xf32, #tpu.memory_space<vmem>>, vector<1x64xf32>
    %add3A = vector.broadcast %get3A_12 : vector<1x64xf32> to vector<2048x64xf32>
    %add3A_13 = arith.addf %mul3A_9, %add3A : vector<2048x64xf32>
    %max3A = arith.constant 0.000000e+00 : f32
    %max3A_14 = vector.broadcast %max3A : f32 to vector<2048x64xf32>
    %max3A_15 = arith.maximumf %add3A_13, %max3A_14 : vector<2048x64xf32>
    %get3A_16 = arith.constant 0 : index
    %get3A_17 = arith.constant 0 : index
    %get3A_18 = vector.load %arg5[%get3A_16, %get3A_17] : memref<64x128xf32, #tpu.memory_space<vmem>>, vector<64x128xf32>
    %dot_general3A = arith.constant dense<0.000000e+00> : vector<2048x128xf32>
    %dot_general3A_19 = tpu.matmul %max3A_15, %get3A_18, %dot_general3A {dimension_numbers = #tpu.dot_dimension_numbers<[1], [0], [0], [1], [0, 0, 1, 1], [], []>, transpose_lhs_hint = false} : vector<2048x64xf32>, vector<64x128xf32>, vector<2048x128xf32> -> vector<2048x128xf32>
    %get3A_20 = arith.constant 0 : index
    %get3A_21 = arith.constant 0 : index
    %get3A_22 = vector.load %arg6[%get3A_20, %get3A_21] : memref<1x128xf32, #tpu.memory_space<vmem>>, vector<1x128xf32>
    %add3A_23 = vector.broadcast %get3A_22 : vector<1x128xf32> to vector<2048x128xf32>
    %add3A_24 = arith.addf %dot_general3A_19, %add3A_23 : vector<2048x128xf32>
    %reshape3A = vector.shape_cast %add3A_24 : vector<2048x128xf32> to vector<32x64x128xf32>
    %get3A_25 = arith.constant 0 : index
    %get3A_26 = arith.constant 0 : index
    %get3A_27 = vector.load %arg7[%get3A_25, %get3A_26] : memref<32x64xf32, #tpu.memory_space<vmem>>, vector<32x64xf32>
    %reshape3A_28 = vector.shape_cast %get3A_27 : vector<32x64xf32> to vector<32x64x1xf32>
    %gt3A = arith.constant 0.000000e+00 : f32
    %gt3A_29 = vector.broadcast %gt3A : f32 to vector<32x64x1xf32>
    %gt3A_30 = arith.cmpf ogt, %reshape3A_28, %gt3A_29 : vector<32x64x1xf32>
    %jit3A = arith.constant -1.000000e+30 : f32
    %broadcast_in_dim3A = vector.shape_cast %gt3A_30 : vector<32x64x1xi1> to vector<32x64x1xi1>
    %broadcast_in_dim3A_31 = vector.broadcast %broadcast_in_dim3A : vector<32x64x1xi1> to vector<32x64x128xi1>
    %broadcast_in_dim3A_32 = vector.broadcast %jit3A : f32 to vector<32x64x128xf32>
    %select_n3A = arith.select %broadcast_in_dim3A_31, %reshape3A, %broadcast_in_dim3A_32 : vector<32x64x128xi1>, vector<32x64x128xf32>
    %reduce_max3A = arith.constant dense<0xFF800000> : vector<32x128xf32>
    %reduce_max3A_33 = vector.multi_reduction <maximumf>, %select_n3A, %reduce_max3A [1] : vector<32x64x128xf32> to vector<32x128xf32>
    %swap3A = arith.constant 0 : index
    %swap3A_34 = arith.constant 0 : index
    %swap3A_35 = vector.load %arg8[%swap3A, %swap3A_34] : memref<32x128xf32, #tpu.memory_space<vmem>>, vector<32x128xf32>
    tpu.vector_store %arg8[%swap3A, %swap3A_34], %reduce_max3A_33 {strides = array<i32>} : memref<32x128xf32, #tpu.memory_space<vmem>>, vector<32x128xf32>,
    return
  }
  func.func @transform_0(%arg0: i32) -> (i32, i32) {
    %c0_i32 = arith.constant 0 : i32
    %c0_i32_0 = arith.constant 0 : i32
    return %arg0, %c0_i32 : i32, i32
  }
  func.func @transform_1(%arg0: i32) -> (i32, i32) {
    %c0_i32 = arith.constant 0 : i32
    %c0_i32_0 = arith.constant 0 : i32
    %c0_i32_1 = arith.constant 0 : i32
    return %c0_i32, %c0_i32_0 : i32, i32
  }
  func.func @transform_2(%arg0: i32) -> (i32, i32) {
    %c0_i32 = arith.constant 0 : i32
    %c0_i32_0 = arith.constant 0 : i32
    %c0_i32_1 = arith.constant 0 : i32
    return %c0_i32, %c0_i32_0 : i32, i32
  }
  func.func @transform_3(%arg0: i32) -> (i32, i32) {
    %c0_i32 = arith.constant 0 : i32
    %c0_i32_0 = arith.constant 0 : i32
    %c0_i32_1 = arith.constant 0 : i32
    return %c0_i32, %c0_i32_0 : i32, i32
  }
  func.func @transform_4(%arg0: i32) -> (i32, i32) {
    %c0_i32 = arith.constant 0 : i32
    %c0_i32_0 = arith.constant 0 : i32
    %c0_i32_1 = arith.constant 0 : i32
    return %c0_i32, %c0_i32_0 : i32, i32
  }
  func.func @transform_5(%arg0: i32) -> (i32, i32) {
    %c0_i32 = arith.constant 0 : i32
    %c0_i32_0 = arith.constant 0 : i32
    %c0_i32_1 = arith.constant 0 : i32
    return %c0_i32, %c0_i32_0 : i32, i32
  }
  func.func @transform_6(%arg0: i32) -> (i32, i32) {
    %c0_i32 = arith.constant 0 : i32
    %c0_i32_0 = arith.constant 0 : i32
    return %arg0, %c0_i32 : i32, i32
  }
  func.func @transform_7(%arg0: i32) -> (i32, i32) {
    %c0_i32 = arith.constant 0 : i32
    %c0_i32_0 = arith.constant 0 : i32
    return %arg0, %c0_i32 : i32, i32
  }
}

module attributes {stable_mosaic.version = 14 : i64} {
  func.func @kfn(%arg0: i32, %arg1: memref<2048x128xf32, #tpu.memory_space<vmem>>, %arg2: memref<128x256xf32, #tpu.memory_space<vmem>>, %arg3: memref<1x256xf32, #tpu.memory_space<vmem>>, %arg4: memref<2048x256xf32, #tpu.memory_space<vmem>>, %arg5: memref<1x256xf32, #tpu.memory_space<vmem>>, %arg6: memref<1x256xf32, #tpu.memory_space<vmem>>) attributes {dimension_semantics = [#tpu.dimension_semantics<arbitrary>], iteration_bounds = array<i64: 4>, scalar_prefetch = 0 : i64, scratch_operands = 0 : i64, tpu.core_type = #tpu.core_type<tc>, window_params = [{transform_indices = @transform_0, window_bounds = array<i64: 2048, 128>}, {pipeline_mode = #tpu.pipeline_mode<synchronous>, transform_indices = @transform_1, window_bounds = array<i64: 128, 256>}, {pipeline_mode = #tpu.pipeline_mode<synchronous>, transform_indices = @transform_2, window_bounds = array<i64: 1, 256>}, {transform_indices = @transform_3, window_bounds = array<i64: 2048, 256>}, {pipeline_mode = #tpu.pipeline_mode<synchronous>, transform_indices = @transform_4, window_bounds = array<i64: 1, 256>}, {pipeline_mode = #tpu.pipeline_mode<synchronous>, transform_indices = @transform_5, window_bounds = array<i64: 1, 256>}]} {
    %get3A = arith.constant 0 : index
    %get3A_0 = arith.constant 0 : index
    %get3A_1 = vector.load %arg1[%get3A, %get3A_0] : memref<2048x128xf32, #tpu.memory_space<vmem>>, vector<2048x128xf32>
    %get3A_2 = arith.constant 0 : index
    %get3A_3 = arith.constant 0 : index
    %get3A_4 = vector.load %arg2[%get3A_2, %get3A_3] : memref<128x256xf32, #tpu.memory_space<vmem>>, vector<128x256xf32>
    %dot_general3A = arith.constant dense<0.000000e+00> : vector<2048x256xf32>
    %dot_general3A_5 = tpu.matmul %get3A_1, %get3A_4, %dot_general3A {dimension_numbers = #tpu.dot_dimension_numbers<[1], [0], [0], [1], [0, 0, 1, 1], [], []>, transpose_lhs_hint = false} : vector<2048x128xf32>, vector<128x256xf32>, vector<2048x256xf32> -> vector<2048x256xf32>
    %get3A_6 = arith.constant 0 : index
    %get3A_7 = arith.constant 0 : index
    %get3A_8 = vector.load %arg3[%get3A_6, %get3A_7] : memref<1x256xf32, #tpu.memory_space<vmem>>, vector<1x256xf32>
    %add3A = vector.broadcast %get3A_8 : vector<1x256xf32> to vector<2048x256xf32>
    %add3A_9 = arith.addf %dot_general3A_5, %add3A : vector<2048x256xf32>
    %swap3A = arith.constant 0 : index
    %swap3A_10 = arith.constant 0 : index
    %swap3A_11 = vector.load %arg4[%swap3A, %swap3A_10] : memref<2048x256xf32, #tpu.memory_space<vmem>>, vector<2048x256xf32>
    tpu.vector_store %arg4[%swap3A, %swap3A_10], %add3A_9 {strides = array<i32>} : memref<2048x256xf32, #tpu.memory_space<vmem>>, vector<2048x256xf32>,
    %reduce_sum3A = arith.constant dense<0.000000e+00> : vector<256xf32>
    %reduce_sum3A_12 = vector.multi_reduction <add>, %add3A_9, %reduce_sum3A [0] : vector<2048x256xf32> to vector<256xf32>
    %broadcast_in_dim3A = vector.shape_cast %reduce_sum3A_12 : vector<256xf32> to vector<1x256xf32>
    %div3A = arith.constant 2.048000e+03 : f32
    %div3A_13 = vector.broadcast %div3A : f32 to vector<1x256xf32>
    %div3A_14 = arith.divf %broadcast_in_dim3A, %div3A_13 : vector<1x256xf32>
    %sub3A = vector.broadcast %div3A_14 : vector<1x256xf32> to vector<2048x256xf32>
    %sub3A_15 = arith.subf %add3A_9, %sub3A : vector<2048x256xf32>
    %integer_pow3A = arith.mulf %sub3A_15, %sub3A_15 : vector<2048x256xf32>
    %reduce_sum3A_16 = arith.constant dense<0.000000e+00> : vector<256xf32>
    %reduce_sum3A_17 = vector.multi_reduction <add>, %integer_pow3A, %reduce_sum3A_16 [0] : vector<2048x256xf32> to vector<256xf32>
    %broadcast_in_dim3A_18 = vector.shape_cast %reduce_sum3A_17 : vector<256xf32> to vector<1x256xf32>
    %eq3A = arith.constant 0 : i32
    %eq3A_19 = arith.cmpi eq, %arg0, %eq3A : i32
    %convert_element_type3A = arith.extui %eq3A_19 : i1 to i32
    %cond3A = arith.constant 0 : i32
    %cond3A_20 = arith.cmpi ne, %convert_element_type3A, %cond3A : i32
    scf.if %cond3A_20 {
      %swap3A_25 = arith.constant 0 : index
      %swap3A_26 = arith.constant 0 : index
      %swap3A_27 = vector.load %arg5[%swap3A_25, %swap3A_26] : memref<1x256xf32, #tpu.memory_space<vmem>>, vector<1x256xf32>
      tpu.vector_store %arg5[%swap3A_25, %swap3A_26], %div3A_14 {strides = array<i32>} : memref<1x256xf32, #tpu.memory_space<vmem>>, vector<1x256xf32>,
      %swap3A_28 = arith.constant 0 : index
      %swap3A_29 = arith.constant 0 : index
      %swap3A_30 = vector.load %arg6[%swap3A_28, %swap3A_29] : memref<1x256xf32, #tpu.memory_space<vmem>>, vector<1x256xf32>
      tpu.vector_store %arg6[%swap3A_28, %swap3A_29], %broadcast_in_dim3A_18 {strides = array<i32>} : memref<1x256xf32, #tpu.memory_space<vmem>>, vector<1x256xf32>,
    } else {
    }
    %gt3A = arith.constant 0 : i32
    %gt3A_21 = arith.cmpi sgt, %arg0, %gt3A : i32
    %convert_element_type3A_22 = arith.extui %gt3A_21 : i1 to i32
    %cond3A_23 = arith.constant 0 : i32
    %cond3A_24 = arith.cmpi ne, %convert_element_type3A_22, %cond3A_23 : i32
    scf.if %cond3A_24 {
      %mul3A = arith.constant 2048 : i32
      %mul3A_25 = arith.muli %arg0, %mul3A : i32
      %convert_element_type3A_26 = arith.sitofp %mul3A_25 : i32 to f32
      %add3A_27 = arith.constant 2.048000e+03 : f32
      %add3A_28 = arith.addf %convert_element_type3A_26, %add3A_27 : f32
      %get3A_29 = arith.constant 0 : index
      %get3A_30 = arith.constant 0 : index
      %get3A_31 = vector.load %arg5[%get3A_29, %get3A_30] : memref<1x256xf32, #tpu.memory_space<vmem>>, vector<1x256xf32>
      %sub3A_32 = arith.subf %div3A_14, %get3A_31 : vector<1x256xf32>
      %get3A_33 = arith.constant 0 : index
      %get3A_34 = arith.constant 0 : index
      %get3A_35 = vector.load %arg5[%get3A_33, %get3A_34] : memref<1x256xf32, #tpu.memory_space<vmem>>, vector<1x256xf32>
      %div3A_36 = arith.constant 2.048000e+03 : f32
      %div3A_37 = arith.divf %div3A_36, %add3A_28 : f32
      %mul3A_38 = vector.broadcast %div3A_37 : f32 to vector<1x256xf32>
      %mul3A_39 = arith.mulf %sub3A_32, %mul3A_38 : vector<1x256xf32>
      %add3A_40 = arith.addf %get3A_35, %mul3A_39 : vector<1x256xf32>
      %swap3A_41 = arith.constant 0 : index
      %swap3A_42 = arith.constant 0 : index
      %swap3A_43 = vector.load %arg5[%swap3A_41, %swap3A_42] : memref<1x256xf32, #tpu.memory_space<vmem>>, vector<1x256xf32>
      tpu.vector_store %arg5[%swap3A_41, %swap3A_42], %add3A_40 {strides = array<i32>} : memref<1x256xf32, #tpu.memory_space<vmem>>, vector<1x256xf32>,
      %get3A_44 = arith.constant 0 : index
      %get3A_45 = arith.constant 0 : index
      %get3A_46 = vector.load %arg6[%get3A_44, %get3A_45] : memref<1x256xf32, #tpu.memory_space<vmem>>, vector<1x256xf32>
      %mul3A_47 = arith.mulf %sub3A_32, %sub3A_32 : vector<1x256xf32>
      %mul3A_48 = arith.constant 2.048000e+03 : f32
      %mul3A_49 = arith.mulf %convert_element_type3A_26, %mul3A_48 : f32
      %div3A_50 = arith.divf %mul3A_49, %add3A_28 : f32
      %mul3A_51 = vector.broadcast %div3A_50 : f32 to vector<1x256xf32>
      %mul3A_52 = arith.mulf %mul3A_47, %mul3A_51 : vector<1x256xf32>
      %add3A_53 = arith.addf %broadcast_in_dim3A_18, %mul3A_52 : vector<1x256xf32>
      %add3A_54 = arith.addf %get3A_46, %add3A_53 : vector<1x256xf32>
      %swap3A_55 = arith.constant 0 : index
      %swap3A_56 = arith.constant 0 : index
      %swap3A_57 = vector.load %arg6[%swap3A_55, %swap3A_56] : memref<1x256xf32, #tpu.memory_space<vmem>>, vector<1x256xf32>
      tpu.vector_store %arg6[%swap3A_55, %swap3A_56], %add3A_54 {strides = array<i32>} : memref<1x256xf32, #tpu.memory_space<vmem>>, vector<1x256xf32>,
    } else {
    }
    return
  }
  func.func @transform_0(%arg0: i32) -> (i32, i32) {
    %c0_i32 = arith.constant 0 : i32
    %c0_i32_0 = arith.constant 0 : i32
    return %arg0, %c0_i32 : i32, i32
  }
  func.func @transform_1(%arg0: i32) -> (i32, i32) {
    %c0_i32 = arith.constant 0 : i32
    %c0_i32_0 = arith.constant 0 : i32
    %c0_i32_1 = arith.constant 0 : i32
    return %c0_i32, %c0_i32_0 : i32, i32
  }
  func.func @transform_2(%arg0: i32) -> (i32, i32) {
    %c0_i32 = arith.constant 0 : i32
    %c0_i32_0 = arith.constant 0 : i32
    %c0_i32_1 = arith.constant 0 : i32
    return %c0_i32, %c0_i32_0 : i32, i32
  }
  func.func @transform_3(%arg0: i32) -> (i32, i32) {
    %c0_i32 = arith.constant 0 : i32
    %c0_i32_0 = arith.constant 0 : i32
    return %arg0, %c0_i32 : i32, i32
  }
  func.func @transform_4(%arg0: i32) -> (i32, i32) {
    %c0_i32 = arith.constant 0 : i32
    %c0_i32_0 = arith.constant 0 : i32
    %c0_i32_1 = arith.constant 0 : i32
    return %c0_i32, %c0_i32_0 : i32, i32
  }
  func.func @transform_5(%arg0: i32) -> (i32, i32) {
    %c0_i32 = arith.constant 0 : i32
    %c0_i32_0 = arith.constant 0 : i32
    %c0_i32_1 = arith.constant 0 : i32
    return %c0_i32, %c0_i32_0 : i32, i32
  }
}

module attributes {stable_mosaic.version = 14 : i64} {
  func.func @kfn(%arg0: i32, %arg1: memref<2048x256xf32, #tpu.memory_space<vmem>>, %arg2: memref<1x256xf32, #tpu.memory_space<vmem>>, %arg3: memref<1x256xf32, #tpu.memory_space<vmem>>, %arg4: memref<1x256xf32, #tpu.memory_space<vmem>>, %arg5: memref<128x256xf32, #tpu.memory_space<vmem>>) attributes {dimension_semantics = [#tpu.dimension_semantics<arbitrary>], iteration_bounds = array<i64: 16>, scalar_prefetch = 0 : i64, scratch_operands = 0 : i64, tpu.core_type = #tpu.core_type<tc>, window_params = [{transform_indices = @transform_0, window_bounds = array<i64: 2048, 256>}, {pipeline_mode = #tpu.pipeline_mode<synchronous>, transform_indices = @transform_1, window_bounds = array<i64: 1, 256>}, {pipeline_mode = #tpu.pipeline_mode<synchronous>, transform_indices = @transform_2, window_bounds = array<i64: 1, 256>}, {pipeline_mode = #tpu.pipeline_mode<synchronous>, transform_indices = @transform_3, window_bounds = array<i64: 1, 256>}, {transform_indices = @transform_4, window_bounds = array<i64: 128, 256>}]} {
    %get3A = arith.constant 0 : index
    %get3A_0 = arith.constant 0 : index
    %get3A_1 = vector.load %arg1[%get3A, %get3A_0] : memref<2048x256xf32, #tpu.memory_space<vmem>>, vector<2048x256xf32>
    %get3A_2 = arith.constant 0 : index
    %get3A_3 = arith.constant 0 : index
    %get3A_4 = vector.load %arg2[%get3A_2, %get3A_3] : memref<1x256xf32, #tpu.memory_space<vmem>>, vector<1x256xf32>
    %sub3A = vector.broadcast %get3A_4 : vector<1x256xf32> to vector<2048x256xf32>
    %sub3A_5 = arith.subf %get3A_1, %sub3A : vector<2048x256xf32>
    %get3A_6 = arith.constant 0 : index
    %get3A_7 = arith.constant 0 : index
    %get3A_8 = vector.load %arg3[%get3A_6, %get3A_7] : memref<1x256xf32, #tpu.memory_space<vmem>>, vector<1x256xf32>
    %mul3A = vector.broadcast %get3A_8 : vector<1x256xf32> to vector<2048x256xf32>
    %mul3A_9 = arith.mulf %sub3A_5, %mul3A : vector<2048x256xf32>
    %get3A_10 = arith.constant 0 : index
    %get3A_11 = arith.constant 0 : index
    %get3A_12 = vector.load %arg4[%get3A_10, %get3A_11] : memref<1x256xf32, #tpu.memory_space<vmem>>, vector<1x256xf32>
    %add3A = vector.broadcast %get3A_12 : vector<1x256xf32> to vector<2048x256xf32>
    %add3A_13 = arith.addf %mul3A_9, %add3A : vector<2048x256xf32>
    %max3A = arith.constant 0.000000e+00 : f32
    %max3A_14 = vector.broadcast %max3A : f32 to vector<2048x256xf32>
    %max3A_15 = arith.maximumf %add3A_13, %max3A_14 : vector<2048x256xf32>
    %reshape3A = vector.shape_cast %max3A_15 : vector<2048x256xf32> to vector<128x16x256xf32>
    %reduce_max3A = arith.constant dense<0xFF800000> : vector<128x256xf32>
    %reduce_max3A_16 = vector.multi_reduction <maximumf>, %reshape3A, %reduce_max3A [1] : vector<128x16x256xf32> to vector<128x256xf32>
    %swap3A = arith.constant 0 : index
    %swap3A_17 = arith.constant 0 : index
    %swap3A_18 = vector.load %arg5[%swap3A, %swap3A_17] : memref<128x256xf32, #tpu.memory_space<vmem>>, vector<128x256xf32>
    tpu.vector_store %arg5[%swap3A, %swap3A_17], %reduce_max3A_16 {strides = array<i32>} : memref<128x256xf32, #tpu.memory_space<vmem>>, vector<128x256xf32>,
    return
  }
  func.func @transform_0(%arg0: i32) -> (i32, i32) {
    %c0_i32 = arith.constant 0 : i32
    %c0_i32_0 = arith.constant 0 : i32
    return %arg0, %c0_i32 : i32, i32
  }
  func.func @transform_1(%arg0: i32) -> (i32, i32) {
    %c0_i32 = arith.constant 0 : i32
    %c0_i32_0 = arith.constant 0 : i32
    %c0_i32_1 = arith.constant 0 : i32
    return %c0_i32, %c0_i32_0 : i32, i32
  }
  func.func @transform_2(%arg0: i32) -> (i32, i32) {
    %c0_i32 = arith.constant 0 : i32
    %c0_i32_0 = arith.constant 0 : i32
    %c0_i32_1 = arith.constant 0 : i32
    return %c0_i32, %c0_i32_0 : i32, i32
  }
  func.func @transform_3(%arg0: i32) -> (i32, i32) {
    %c0_i32 = arith.constant 0 : i32
    %c0_i32_0 = arith.constant 0 : i32
    %c0_i32_1 = arith.constant 0 : i32
    return %c0_i32, %c0_i32_0 : i32, i32
  }
  func.func @transform_4(%arg0: i32) -> (i32, i32) {
    %c0_i32 = arith.constant 0 : i32
    %c0_i32_0 = arith.constant 0 : i32
    return %arg0, %c0_i32 : i32, i32
  }
}

module attributes {stable_mosaic.version = 14 : i64} {
  func.func @kfn(%arg0: i32, %arg1: memref<2048x259xf32, #tpu.memory_space<vmem>>, %arg2: memref<259x128xf32, #tpu.memory_space<vmem>>, %arg3: memref<1x128xf32, #tpu.memory_space<vmem>>, %arg4: memref<2048x128xf32, #tpu.memory_space<vmem>>, %arg5: memref<1x128xf32, #tpu.memory_space<vmem>>, %arg6: memref<1x128xf32, #tpu.memory_space<vmem>>) attributes {dimension_semantics = [#tpu.dimension_semantics<arbitrary>], iteration_bounds = array<i64: 16>, scalar_prefetch = 0 : i64, scratch_operands = 0 : i64, tpu.core_type = #tpu.core_type<tc>, window_params = [{transform_indices = @transform_0, window_bounds = array<i64: 2048, 259>}, {pipeline_mode = #tpu.pipeline_mode<synchronous>, transform_indices = @transform_1, window_bounds = array<i64: 259, 128>}, {pipeline_mode = #tpu.pipeline_mode<synchronous>, transform_indices = @transform_2, window_bounds = array<i64: 1, 128>}, {transform_indices = @transform_3, window_bounds = array<i64: 2048, 128>}, {pipeline_mode = #tpu.pipeline_mode<synchronous>, transform_indices = @transform_4, window_bounds = array<i64: 1, 128>}, {pipeline_mode = #tpu.pipeline_mode<synchronous>, transform_indices = @transform_5, window_bounds = array<i64: 1, 128>}]} {
    %get3A = arith.constant 0 : index
    %get3A_0 = arith.constant 0 : index
    %get3A_1 = vector.load %arg1[%get3A, %get3A_0] : memref<2048x259xf32, #tpu.memory_space<vmem>>, vector<2048x259xf32>
    %get3A_2 = arith.constant 0 : index
    %get3A_3 = arith.constant 0 : index
    %get3A_4 = vector.load %arg2[%get3A_2, %get3A_3] : memref<259x128xf32, #tpu.memory_space<vmem>>, vector<259x128xf32>
    %dot_general3A = arith.constant dense<0.000000e+00> : vector<2048x128xf32>
    %dot_general3A_5 = tpu.matmul %get3A_1, %get3A_4, %dot_general3A {dimension_numbers = #tpu.dot_dimension_numbers<[1], [0], [0], [1], [0, 0, 1, 1], [], []>, transpose_lhs_hint = false} : vector<2048x259xf32>, vector<259x128xf32>, vector<2048x128xf32> -> vector<2048x128xf32>
    %get3A_6 = arith.constant 0 : index
    %get3A_7 = arith.constant 0 : index
    %get3A_8 = vector.load %arg3[%get3A_6, %get3A_7] : memref<1x128xf32, #tpu.memory_space<vmem>>, vector<1x128xf32>
    %add3A = vector.broadcast %get3A_8 : vector<1x128xf32> to vector<2048x128xf32>
    %add3A_9 = arith.addf %dot_general3A_5, %add3A : vector<2048x128xf32>
    %swap3A = arith.constant 0 : index
    %swap3A_10 = arith.constant 0 : index
    %swap3A_11 = vector.load %arg4[%swap3A, %swap3A_10] : memref<2048x128xf32, #tpu.memory_space<vmem>>, vector<2048x128xf32>
    tpu.vector_store %arg4[%swap3A, %swap3A_10], %add3A_9 {strides = array<i32>} : memref<2048x128xf32, #tpu.memory_space<vmem>>, vector<2048x128xf32>,
    %reduce_sum3A = arith.constant dense<0.000000e+00> : vector<128xf32>
    %reduce_sum3A_12 = vector.multi_reduction <add>, %add3A_9, %reduce_sum3A [0] : vector<2048x128xf32> to vector<128xf32>
    %broadcast_in_dim3A = vector.shape_cast %reduce_sum3A_12 : vector<128xf32> to vector<1x128xf32>
    %div3A = arith.constant 2.048000e+03 : f32
    %div3A_13 = vector.broadcast %div3A : f32 to vector<1x128xf32>
    %div3A_14 = arith.divf %broadcast_in_dim3A, %div3A_13 : vector<1x128xf32>
    %sub3A = vector.broadcast %div3A_14 : vector<1x128xf32> to vector<2048x128xf32>
    %sub3A_15 = arith.subf %add3A_9, %sub3A : vector<2048x128xf32>
    %integer_pow3A = arith.mulf %sub3A_15, %sub3A_15 : vector<2048x128xf32>
    %reduce_sum3A_16 = arith.constant dense<0.000000e+00> : vector<128xf32>
    %reduce_sum3A_17 = vector.multi_reduction <add>, %integer_pow3A, %reduce_sum3A_16 [0] : vector<2048x128xf32> to vector<128xf32>
    %broadcast_in_dim3A_18 = vector.shape_cast %reduce_sum3A_17 : vector<128xf32> to vector<1x128xf32>
    %eq3A = arith.constant 0 : i32
    %eq3A_19 = arith.cmpi eq, %arg0, %eq3A : i32
    %convert_element_type3A = arith.extui %eq3A_19 : i1 to i32
    %cond3A = arith.constant 0 : i32
    %cond3A_20 = arith.cmpi ne, %convert_element_type3A, %cond3A : i32
    scf.if %cond3A_20 {
      %swap3A_25 = arith.constant 0 : index
      %swap3A_26 = arith.constant 0 : index
      %swap3A_27 = vector.load %arg5[%swap3A_25, %swap3A_26] : memref<1x128xf32, #tpu.memory_space<vmem>>, vector<1x128xf32>
      tpu.vector_store %arg5[%swap3A_25, %swap3A_26], %div3A_14 {strides = array<i32>} : memref<1x128xf32, #tpu.memory_space<vmem>>, vector<1x128xf32>,
      %swap3A_28 = arith.constant 0 : index
      %swap3A_29 = arith.constant 0 : index
      %swap3A_30 = vector.load %arg6[%swap3A_28, %swap3A_29] : memref<1x128xf32, #tpu.memory_space<vmem>>, vector<1x128xf32>
      tpu.vector_store %arg6[%swap3A_28, %swap3A_29], %broadcast_in_dim3A_18 {strides = array<i32>} : memref<1x128xf32, #tpu.memory_space<vmem>>, vector<1x128xf32>,
    } else {
    }
    %gt3A = arith.constant 0 : i32
    %gt3A_21 = arith.cmpi sgt, %arg0, %gt3A : i32
    %convert_element_type3A_22 = arith.extui %gt3A_21 : i1 to i32
    %cond3A_23 = arith.constant 0 : i32
    %cond3A_24 = arith.cmpi ne, %convert_element_type3A_22, %cond3A_23 : i32
    scf.if %cond3A_24 {
      %mul3A = arith.constant 2048 : i32
      %mul3A_25 = arith.muli %arg0, %mul3A : i32
      %convert_element_type3A_26 = arith.sitofp %mul3A_25 : i32 to f32
      %add3A_27 = arith.constant 2.048000e+03 : f32
      %add3A_28 = arith.addf %convert_element_type3A_26, %add3A_27 : f32
      %get3A_29 = arith.constant 0 : index
      %get3A_30 = arith.constant 0 : index
      %get3A_31 = vector.load %arg5[%get3A_29, %get3A_30] : memref<1x128xf32, #tpu.memory_space<vmem>>, vector<1x128xf32>
      %sub3A_32 = arith.subf %div3A_14, %get3A_31 : vector<1x128xf32>
      %get3A_33 = arith.constant 0 : index
      %get3A_34 = arith.constant 0 : index
      %get3A_35 = vector.load %arg5[%get3A_33, %get3A_34] : memref<1x128xf32, #tpu.memory_space<vmem>>, vector<1x128xf32>
      %div3A_36 = arith.constant 2.048000e+03 : f32
      %div3A_37 = arith.divf %div3A_36, %add3A_28 : f32
      %mul3A_38 = vector.broadcast %div3A_37 : f32 to vector<1x128xf32>
      %mul3A_39 = arith.mulf %sub3A_32, %mul3A_38 : vector<1x128xf32>
      %add3A_40 = arith.addf %get3A_35, %mul3A_39 : vector<1x128xf32>
      %swap3A_41 = arith.constant 0 : index
      %swap3A_42 = arith.constant 0 : index
      %swap3A_43 = vector.load %arg5[%swap3A_41, %swap3A_42] : memref<1x128xf32, #tpu.memory_space<vmem>>, vector<1x128xf32>
      tpu.vector_store %arg5[%swap3A_41, %swap3A_42], %add3A_40 {strides = array<i32>} : memref<1x128xf32, #tpu.memory_space<vmem>>, vector<1x128xf32>,
      %get3A_44 = arith.constant 0 : index
      %get3A_45 = arith.constant 0 : index
      %get3A_46 = vector.load %arg6[%get3A_44, %get3A_45] : memref<1x128xf32, #tpu.memory_space<vmem>>, vector<1x128xf32>
      %mul3A_47 = arith.mulf %sub3A_32, %sub3A_32 : vector<1x128xf32>
      %mul3A_48 = arith.constant 2.048000e+03 : f32
      %mul3A_49 = arith.mulf %convert_element_type3A_26, %mul3A_48 : f32
      %div3A_50 = arith.divf %mul3A_49, %add3A_28 : f32
      %mul3A_51 = vector.broadcast %div3A_50 : f32 to vector<1x128xf32>
      %mul3A_52 = arith.mulf %mul3A_47, %mul3A_51 : vector<1x128xf32>
      %add3A_53 = arith.addf %broadcast_in_dim3A_18, %mul3A_52 : vector<1x128xf32>
      %add3A_54 = arith.addf %get3A_46, %add3A_53 : vector<1x128xf32>
      %swap3A_55 = arith.constant 0 : index
      %swap3A_56 = arith.constant 0 : index
      %swap3A_57 = vector.load %arg6[%swap3A_55, %swap3A_56] : memref<1x128xf32, #tpu.memory_space<vmem>>, vector<1x128xf32>
      tpu.vector_store %arg6[%swap3A_55, %swap3A_56], %add3A_54 {strides = array<i32>} : memref<1x128xf32, #tpu.memory_space<vmem>>, vector<1x128xf32>,
    } else {
    }
    return
  }
  func.func @transform_0(%arg0: i32) -> (i32, i32) {
    %c0_i32 = arith.constant 0 : i32
    %c0_i32_0 = arith.constant 0 : i32
    return %arg0, %c0_i32 : i32, i32
  }
  func.func @transform_1(%arg0: i32) -> (i32, i32) {
    %c0_i32 = arith.constant 0 : i32
    %c0_i32_0 = arith.constant 0 : i32
    %c0_i32_1 = arith.constant 0 : i32
    return %c0_i32, %c0_i32_0 : i32, i32
  }
  func.func @transform_2(%arg0: i32) -> (i32, i32) {
    %c0_i32 = arith.constant 0 : i32
    %c0_i32_0 = arith.constant 0 : i32
    %c0_i32_1 = arith.constant 0 : i32
    return %c0_i32, %c0_i32_0 : i32, i32
  }
  func.func @transform_3(%arg0: i32) -> (i32, i32) {
    %c0_i32 = arith.constant 0 : i32
    %c0_i32_0 = arith.constant 0 : i32
    return %arg0, %c0_i32 : i32, i32
  }
  func.func @transform_4(%arg0: i32) -> (i32, i32) {
    %c0_i32 = arith.constant 0 : i32
    %c0_i32_0 = arith.constant 0 : i32
    %c0_i32_1 = arith.constant 0 : i32
    return %c0_i32, %c0_i32_0 : i32, i32
  }
  func.func @transform_5(%arg0: i32) -> (i32, i32) {
    %c0_i32 = arith.constant 0 : i32
    %c0_i32_0 = arith.constant 0 : i32
    %c0_i32_1 = arith.constant 0 : i32
    return %c0_i32, %c0_i32_0 : i32, i32
  }
}

module attributes {stable_mosaic.version = 14 : i64} {
  func.func @kfn(%arg0: i32, %arg1: memref<2048x128xf32, #tpu.memory_space<vmem>>, %arg2: memref<1x128xf32, #tpu.memory_space<vmem>>, %arg3: memref<1x128xf32, #tpu.memory_space<vmem>>, %arg4: memref<1x128xf32, #tpu.memory_space<vmem>>, %arg5: memref<128x128xf32, #tpu.memory_space<vmem>>, %arg6: memref<1x128xf32, #tpu.memory_space<vmem>>, %arg7: memref<2048x128xf32, #tpu.memory_space<vmem>>, %arg8: memref<1x128xf32, #tpu.memory_space<vmem>>, %arg9: memref<1x128xf32, #tpu.memory_space<vmem>>) attributes {dimension_semantics = [#tpu.dimension_semantics<arbitrary>], iteration_bounds = array<i64: 16>, scalar_prefetch = 0 : i64, scratch_operands = 0 : i64, tpu.core_type = #tpu.core_type<tc>, window_params = [{transform_indices = @transform_0, window_bounds = array<i64: 2048, 128>}, {pipeline_mode = #tpu.pipeline_mode<synchronous>, transform_indices = @transform_1, window_bounds = array<i64: 1, 128>}, {pipeline_mode = #tpu.pipeline_mode<synchronous>, transform_indices = @transform_2, window_bounds = array<i64: 1, 128>}, {pipeline_mode = #tpu.pipeline_mode<synchronous>, transform_indices = @transform_3, window_bounds = array<i64: 1, 128>}, {pipeline_mode = #tpu.pipeline_mode<synchronous>, transform_indices = @transform_4, window_bounds = array<i64: 128, 128>}, {pipeline_mode = #tpu.pipeline_mode<synchronous>, transform_indices = @transform_5, window_bounds = array<i64: 1, 128>}, {transform_indices = @transform_6, window_bounds = array<i64: 2048, 128>}, {pipeline_mode = #tpu.pipeline_mode<synchronous>, transform_indices = @transform_7, window_bounds = array<i64: 1, 128>}, {pipeline_mode = #tpu.pipeline_mode<synchronous>, transform_indices = @transform_8, window_bounds = array<i64: 1, 128>}]} {
    %get3A = arith.constant 0 : index
    %get3A_0 = arith.constant 0 : index
    %get3A_1 = vector.load %arg1[%get3A, %get3A_0] : memref<2048x128xf32, #tpu.memory_space<vmem>>, vector<2048x128xf32>
    %get3A_2 = arith.constant 0 : index
    %get3A_3 = arith.constant 0 : index
    %get3A_4 = vector.load %arg2[%get3A_2, %get3A_3] : memref<1x128xf32, #tpu.memory_space<vmem>>, vector<1x128xf32>
    %sub3A = vector.broadcast %get3A_4 : vector<1x128xf32> to vector<2048x128xf32>
    %sub3A_5 = arith.subf %get3A_1, %sub3A : vector<2048x128xf32>
    %get3A_6 = arith.constant 0 : index
    %get3A_7 = arith.constant 0 : index
    %get3A_8 = vector.load %arg3[%get3A_6, %get3A_7] : memref<1x128xf32, #tpu.memory_space<vmem>>, vector<1x128xf32>
    %mul3A = vector.broadcast %get3A_8 : vector<1x128xf32> to vector<2048x128xf32>
    %mul3A_9 = arith.mulf %sub3A_5, %mul3A : vector<2048x128xf32>
    %get3A_10 = arith.constant 0 : index
    %get3A_11 = arith.constant 0 : index
    %get3A_12 = vector.load %arg4[%get3A_10, %get3A_11] : memref<1x128xf32, #tpu.memory_space<vmem>>, vector<1x128xf32>
    %add3A = vector.broadcast %get3A_12 : vector<1x128xf32> to vector<2048x128xf32>
    %add3A_13 = arith.addf %mul3A_9, %add3A : vector<2048x128xf32>
    %max3A = arith.constant 0.000000e+00 : f32
    %max3A_14 = vector.broadcast %max3A : f32 to vector<2048x128xf32>
    %max3A_15 = arith.maximumf %add3A_13, %max3A_14 : vector<2048x128xf32>
    %get3A_16 = arith.constant 0 : index
    %get3A_17 = arith.constant 0 : index
    %get3A_18 = vector.load %arg5[%get3A_16, %get3A_17] : memref<128x128xf32, #tpu.memory_space<vmem>>, vector<128x128xf32>
    %dot_general3A = arith.constant dense<0.000000e+00> : vector<2048x128xf32>
    %dot_general3A_19 = tpu.matmul %max3A_15, %get3A_18, %dot_general3A {dimension_numbers = #tpu.dot_dimension_numbers<[1], [0], [0], [1], [0, 0, 1, 1], [], []>, transpose_lhs_hint = false} : vector<2048x128xf32>, vector<128x128xf32>, vector<2048x128xf32> -> vector<2048x128xf32>
    %get3A_20 = arith.constant 0 : index
    %get3A_21 = arith.constant 0 : index
    %get3A_22 = vector.load %arg6[%get3A_20, %get3A_21] : memref<1x128xf32, #tpu.memory_space<vmem>>, vector<1x128xf32>
    %add3A_23 = vector.broadcast %get3A_22 : vector<1x128xf32> to vector<2048x128xf32>
    %add3A_24 = arith.addf %dot_general3A_19, %add3A_23 : vector<2048x128xf32>
    %swap3A = arith.constant 0 : index
    %swap3A_25 = arith.constant 0 : index
    %swap3A_26 = vector.load %arg7[%swap3A, %swap3A_25] : memref<2048x128xf32, #tpu.memory_space<vmem>>, vector<2048x128xf32>
    tpu.vector_store %arg7[%swap3A, %swap3A_25], %add3A_24 {strides = array<i32>} : memref<2048x128xf32, #tpu.memory_space<vmem>>, vector<2048x128xf32>,
    %reduce_sum3A = arith.constant dense<0.000000e+00> : vector<128xf32>
    %reduce_sum3A_27 = vector.multi_reduction <add>, %add3A_24, %reduce_sum3A [0] : vector<2048x128xf32> to vector<128xf32>
    %broadcast_in_dim3A = vector.shape_cast %reduce_sum3A_27 : vector<128xf32> to vector<1x128xf32>
    %div3A = arith.constant 2.048000e+03 : f32
    %div3A_28 = vector.broadcast %div3A : f32 to vector<1x128xf32>
    %div3A_29 = arith.divf %broadcast_in_dim3A, %div3A_28 : vector<1x128xf32>
    %sub3A_30 = vector.broadcast %div3A_29 : vector<1x128xf32> to vector<2048x128xf32>
    %sub3A_31 = arith.subf %add3A_24, %sub3A_30 : vector<2048x128xf32>
    %integer_pow3A = arith.mulf %sub3A_31, %sub3A_31 : vector<2048x128xf32>
    %reduce_sum3A_32 = arith.constant dense<0.000000e+00> : vector<128xf32>
    %reduce_sum3A_33 = vector.multi_reduction <add>, %integer_pow3A, %reduce_sum3A_32 [0] : vector<2048x128xf32> to vector<128xf32>
    %broadcast_in_dim3A_34 = vector.shape_cast %reduce_sum3A_33 : vector<128xf32> to vector<1x128xf32>
    %eq3A = arith.constant 0 : i32
    %eq3A_35 = arith.cmpi eq, %arg0, %eq3A : i32
    %convert_element_type3A = arith.extui %eq3A_35 : i1 to i32
    %cond3A = arith.constant 0 : i32
    %cond3A_36 = arith.cmpi ne, %convert_element_type3A, %cond3A : i32
    scf.if %cond3A_36 {
      %swap3A_41 = arith.constant 0 : index
      %swap3A_42 = arith.constant 0 : index
      %swap3A_43 = vector.load %arg8[%swap3A_41, %swap3A_42] : memref<1x128xf32, #tpu.memory_space<vmem>>, vector<1x128xf32>
      tpu.vector_store %arg8[%swap3A_41, %swap3A_42], %div3A_29 {strides = array<i32>} : memref<1x128xf32, #tpu.memory_space<vmem>>, vector<1x128xf32>,
      %swap3A_44 = arith.constant 0 : index
      %swap3A_45 = arith.constant 0 : index
      %swap3A_46 = vector.load %arg9[%swap3A_44, %swap3A_45] : memref<1x128xf32, #tpu.memory_space<vmem>>, vector<1x128xf32>
      tpu.vector_store %arg9[%swap3A_44, %swap3A_45], %broadcast_in_dim3A_34 {strides = array<i32>} : memref<1x128xf32, #tpu.memory_space<vmem>>, vector<1x128xf32>,
    } else {
    }
    %gt3A = arith.constant 0 : i32
    %gt3A_37 = arith.cmpi sgt, %arg0, %gt3A : i32
    %convert_element_type3A_38 = arith.extui %gt3A_37 : i1 to i32
    %cond3A_39 = arith.constant 0 : i32
    %cond3A_40 = arith.cmpi ne, %convert_element_type3A_38, %cond3A_39 : i32
    scf.if %cond3A_40 {
      %mul3A_41 = arith.constant 2048 : i32
      %mul3A_42 = arith.muli %arg0, %mul3A_41 : i32
      %convert_element_type3A_43 = arith.sitofp %mul3A_42 : i32 to f32
      %add3A_44 = arith.constant 2.048000e+03 : f32
      %add3A_45 = arith.addf %convert_element_type3A_43, %add3A_44 : f32
      %get3A_46 = arith.constant 0 : index
      %get3A_47 = arith.constant 0 : index
      %get3A_48 = vector.load %arg8[%get3A_46, %get3A_47] : memref<1x128xf32, #tpu.memory_space<vmem>>, vector<1x128xf32>
      %sub3A_49 = arith.subf %div3A_29, %get3A_48 : vector<1x128xf32>
      %get3A_50 = arith.constant 0 : index
      %get3A_51 = arith.constant 0 : index
      %get3A_52 = vector.load %arg8[%get3A_50, %get3A_51] : memref<1x128xf32, #tpu.memory_space<vmem>>, vector<1x128xf32>
      %div3A_53 = arith.constant 2.048000e+03 : f32
      %div3A_54 = arith.divf %div3A_53, %add3A_45 : f32
      %mul3A_55 = vector.broadcast %div3A_54 : f32 to vector<1x128xf32>
      %mul3A_56 = arith.mulf %sub3A_49, %mul3A_55 : vector<1x128xf32>
      %add3A_57 = arith.addf %get3A_52, %mul3A_56 : vector<1x128xf32>
      %swap3A_58 = arith.constant 0 : index
      %swap3A_59 = arith.constant 0 : index
      %swap3A_60 = vector.load %arg8[%swap3A_58, %swap3A_59] : memref<1x128xf32, #tpu.memory_space<vmem>>, vector<1x128xf32>
      tpu.vector_store %arg8[%swap3A_58, %swap3A_59], %add3A_57 {strides = array<i32>} : memref<1x128xf32, #tpu.memory_space<vmem>>, vector<1x128xf32>,
      %get3A_61 = arith.constant 0 : index
      %get3A_62 = arith.constant 0 : index
      %get3A_63 = vector.load %arg9[%get3A_61, %get3A_62] : memref<1x128xf32, #tpu.memory_space<vmem>>, vector<1x128xf32>
      %mul3A_64 = arith.mulf %sub3A_49, %sub3A_49 : vector<1x128xf32>
      %mul3A_65 = arith.constant 2.048000e+03 : f32
      %mul3A_66 = arith.mulf %convert_element_type3A_43, %mul3A_65 : f32
      %div3A_67 = arith.divf %mul3A_66, %add3A_45 : f32
      %mul3A_68 = vector.broadcast %div3A_67 : f32 to vector<1x128xf32>
      %mul3A_69 = arith.mulf %mul3A_64, %mul3A_68 : vector<1x128xf32>
      %add3A_70 = arith.addf %broadcast_in_dim3A_34, %mul3A_69 : vector<1x128xf32>
      %add3A_71 = arith.addf %get3A_63, %add3A_70 : vector<1x128xf32>
      %swap3A_72 = arith.constant 0 : index
      %swap3A_73 = arith.constant 0 : index
      %swap3A_74 = vector.load %arg9[%swap3A_72, %swap3A_73] : memref<1x128xf32, #tpu.memory_space<vmem>>, vector<1x128xf32>
      tpu.vector_store %arg9[%swap3A_72, %swap3A_73], %add3A_71 {strides = array<i32>} : memref<1x128xf32, #tpu.memory_space<vmem>>, vector<1x128xf32>,
    } else {
    }
    return
  }
  func.func @transform_0(%arg0: i32) -> (i32, i32) {
    %c0_i32 = arith.constant 0 : i32
    %c0_i32_0 = arith.constant 0 : i32
    return %arg0, %c0_i32 : i32, i32
  }
  func.func @transform_1(%arg0: i32) -> (i32, i32) {
    %c0_i32 = arith.constant 0 : i32
    %c0_i32_0 = arith.constant 0 : i32
    %c0_i32_1 = arith.constant 0 : i32
    return %c0_i32, %c0_i32_0 : i32, i32
  }
  func.func @transform_2(%arg0: i32) -> (i32, i32) {
    %c0_i32 = arith.constant 0 : i32
    %c0_i32_0 = arith.constant 0 : i32
    %c0_i32_1 = arith.constant 0 : i32
    return %c0_i32, %c0_i32_0 : i32, i32
  }
  func.func @transform_3(%arg0: i32) -> (i32, i32) {
    %c0_i32 = arith.constant 0 : i32
    %c0_i32_0 = arith.constant 0 : i32
    %c0_i32_1 = arith.constant 0 : i32
    return %c0_i32, %c0_i32_0 : i32, i32
  }
  func.func @transform_4(%arg0: i32) -> (i32, i32) {
    %c0_i32 = arith.constant 0 : i32
    %c0_i32_0 = arith.constant 0 : i32
    %c0_i32_1 = arith.constant 0 : i32
    return %c0_i32, %c0_i32_0 : i32, i32
  }
  func.func @transform_5(%arg0: i32) -> (i32, i32) {
    %c0_i32 = arith.constant 0 : i32
    %c0_i32_0 = arith.constant 0 : i32
    %c0_i32_1 = arith.constant 0 : i32
    return %c0_i32, %c0_i32_0 : i32, i32
  }
  func.func @transform_6(%arg0: i32) -> (i32, i32) {
    %c0_i32 = arith.constant 0 : i32
    %c0_i32_0 = arith.constant 0 : i32
    return %arg0, %c0_i32 : i32, i32
  }
  func.func @transform_7(%arg0: i32) -> (i32, i32) {
    %c0_i32 = arith.constant 0 : i32
    %c0_i32_0 = arith.constant 0 : i32
    %c0_i32_1 = arith.constant 0 : i32
    return %c0_i32, %c0_i32_0 : i32, i32
  }
  func.func @transform_8(%arg0: i32) -> (i32, i32) {
    %c0_i32 = arith.constant 0 : i32
    %c0_i32_0 = arith.constant 0 : i32
    %c0_i32_1 = arith.constant 0 : i32
    return %c0_i32, %c0_i32_0 : i32, i32
  }
}

module attributes {stable_mosaic.version = 14 : i64} {
  func.func @kfn(%arg0: i32, %arg1: memref<2048x128xf32, #tpu.memory_space<vmem>>, %arg2: memref<1x128xf32, #tpu.memory_space<vmem>>, %arg3: memref<1x128xf32, #tpu.memory_space<vmem>>, %arg4: memref<1x128xf32, #tpu.memory_space<vmem>>, %arg5: memref<128x256xf32, #tpu.memory_space<vmem>>, %arg6: memref<1x256xf32, #tpu.memory_space<vmem>>, %arg7: memref<32x64xf32, #tpu.memory_space<vmem>>, %arg8: memref<32x256xf32, #tpu.memory_space<vmem>>) attributes {dimension_semantics = [#tpu.dimension_semantics<arbitrary>], iteration_bounds = array<i64: 16>, scalar_prefetch = 0 : i64, scratch_operands = 0 : i64, tpu.core_type = #tpu.core_type<tc>, window_params = [{transform_indices = @transform_0, window_bounds = array<i64: 2048, 128>}, {pipeline_mode = #tpu.pipeline_mode<synchronous>, transform_indices = @transform_1, window_bounds = array<i64: 1, 128>}, {pipeline_mode = #tpu.pipeline_mode<synchronous>, transform_indices = @transform_2, window_bounds = array<i64: 1, 128>}, {pipeline_mode = #tpu.pipeline_mode<synchronous>, transform_indices = @transform_3, window_bounds = array<i64: 1, 128>}, {pipeline_mode = #tpu.pipeline_mode<synchronous>, transform_indices = @transform_4, window_bounds = array<i64: 128, 256>}, {pipeline_mode = #tpu.pipeline_mode<synchronous>, transform_indices = @transform_5, window_bounds = array<i64: 1, 256>}, {transform_indices = @transform_6, window_bounds = array<i64: 32, 64>}, {transform_indices = @transform_7, window_bounds = array<i64: 32, 256>}]} {
    %get3A = arith.constant 0 : index
    %get3A_0 = arith.constant 0 : index
    %get3A_1 = vector.load %arg1[%get3A, %get3A_0] : memref<2048x128xf32, #tpu.memory_space<vmem>>, vector<2048x128xf32>
    %get3A_2 = arith.constant 0 : index
    %get3A_3 = arith.constant 0 : index
    %get3A_4 = vector.load %arg2[%get3A_2, %get3A_3] : memref<1x128xf32, #tpu.memory_space<vmem>>, vector<1x128xf32>
    %sub3A = vector.broadcast %get3A_4 : vector<1x128xf32> to vector<2048x128xf32>
    %sub3A_5 = arith.subf %get3A_1, %sub3A : vector<2048x128xf32>
    %get3A_6 = arith.constant 0 : index
    %get3A_7 = arith.constant 0 : index
    %get3A_8 = vector.load %arg3[%get3A_6, %get3A_7] : memref<1x128xf32, #tpu.memory_space<vmem>>, vector<1x128xf32>
    %mul3A = vector.broadcast %get3A_8 : vector<1x128xf32> to vector<2048x128xf32>
    %mul3A_9 = arith.mulf %sub3A_5, %mul3A : vector<2048x128xf32>
    %get3A_10 = arith.constant 0 : index
    %get3A_11 = arith.constant 0 : index
    %get3A_12 = vector.load %arg4[%get3A_10, %get3A_11] : memref<1x128xf32, #tpu.memory_space<vmem>>, vector<1x128xf32>
    %add3A = vector.broadcast %get3A_12 : vector<1x128xf32> to vector<2048x128xf32>
    %add3A_13 = arith.addf %mul3A_9, %add3A : vector<2048x128xf32>
    %max3A = arith.constant 0.000000e+00 : f32
    %max3A_14 = vector.broadcast %max3A : f32 to vector<2048x128xf32>
    %max3A_15 = arith.maximumf %add3A_13, %max3A_14 : vector<2048x128xf32>
    %get3A_16 = arith.constant 0 : index
    %get3A_17 = arith.constant 0 : index
    %get3A_18 = vector.load %arg5[%get3A_16, %get3A_17] : memref<128x256xf32, #tpu.memory_space<vmem>>, vector<128x256xf32>
    %dot_general3A = arith.constant dense<0.000000e+00> : vector<2048x256xf32>
    %dot_general3A_19 = tpu.matmul %max3A_15, %get3A_18, %dot_general3A {dimension_numbers = #tpu.dot_dimension_numbers<[1], [0], [0], [1], [0, 0, 1, 1], [], []>, transpose_lhs_hint = false} : vector<2048x128xf32>, vector<128x256xf32>, vector<2048x256xf32> -> vector<2048x256xf32>
    %get3A_20 = arith.constant 0 : index
    %get3A_21 = arith.constant 0 : index
    %get3A_22 = vector.load %arg6[%get3A_20, %get3A_21] : memref<1x256xf32, #tpu.memory_space<vmem>>, vector<1x256xf32>
    %add3A_23 = vector.broadcast %get3A_22 : vector<1x256xf32> to vector<2048x256xf32>
    %add3A_24 = arith.addf %dot_general3A_19, %add3A_23 : vector<2048x256xf32>
    %reshape3A = vector.shape_cast %add3A_24 : vector<2048x256xf32> to vector<32x64x256xf32>
    %get3A_25 = arith.constant 0 : index
    %get3A_26 = arith.constant 0 : index
    %get3A_27 = vector.load %arg7[%get3A_25, %get3A_26] : memref<32x64xf32, #tpu.memory_space<vmem>>, vector<32x64xf32>
    %reshape3A_28 = vector.shape_cast %get3A_27 : vector<32x64xf32> to vector<32x64x1xf32>
    %gt3A = arith.constant 0.000000e+00 : f32
    %gt3A_29 = vector.broadcast %gt3A : f32 to vector<32x64x1xf32>
    %gt3A_30 = arith.cmpf ogt, %reshape3A_28, %gt3A_29 : vector<32x64x1xf32>
    %jit3A = arith.constant -1.000000e+30 : f32
    %broadcast_in_dim3A = vector.shape_cast %gt3A_30 : vector<32x64x1xi1> to vector<32x64x1xi1>
    %broadcast_in_dim3A_31 = vector.broadcast %broadcast_in_dim3A : vector<32x64x1xi1> to vector<32x64x256xi1>
    %broadcast_in_dim3A_32 = vector.broadcast %jit3A : f32 to vector<32x64x256xf32>
    %select_n3A = arith.select %broadcast_in_dim3A_31, %reshape3A, %broadcast_in_dim3A_32 : vector<32x64x256xi1>, vector<32x64x256xf32>
    %reduce_max3A = arith.constant dense<0xFF800000> : vector<32x256xf32>
    %reduce_max3A_33 = vector.multi_reduction <maximumf>, %select_n3A, %reduce_max3A [1] : vector<32x64x256xf32> to vector<32x256xf32>
    %swap3A = arith.constant 0 : index
    %swap3A_34 = arith.constant 0 : index
    %swap3A_35 = vector.load %arg8[%swap3A, %swap3A_34] : memref<32x256xf32, #tpu.memory_space<vmem>>, vector<32x256xf32>
    tpu.vector_store %arg8[%swap3A, %swap3A_34], %reduce_max3A_33 {strides = array<i32>} : memref<32x256xf32, #tpu.memory_space<vmem>>, vector<32x256xf32>,
    return
  }
  func.func @transform_0(%arg0: i32) -> (i32, i32) {
    %c0_i32 = arith.constant 0 : i32
    %c0_i32_0 = arith.constant 0 : i32
    return %arg0, %c0_i32 : i32, i32
  }
  func.func @transform_1(%arg0: i32) -> (i32, i32) {
    %c0_i32 = arith.constant 0 : i32
    %c0_i32_0 = arith.constant 0 : i32
    %c0_i32_1 = arith.constant 0 : i32
    return %c0_i32, %c0_i32_0 : i32, i32
  }
  func.func @transform_2(%arg0: i32) -> (i32, i32) {
    %c0_i32 = arith.constant 0 : i32
    %c0_i32_0 = arith.constant 0 : i32
    %c0_i32_1 = arith.constant 0 : i32
    return %c0_i32, %c0_i32_0 : i32, i32
  }
  func.func @transform_3(%arg0: i32) -> (i32, i32) {
    %c0_i32 = arith.constant 0 : i32
    %c0_i32_0 = arith.constant 0 : i32
    %c0_i32_1 = arith.constant 0 : i32
    return %c0_i32, %c0_i32_0 : i32, i32
  }
  func.func @transform_4(%arg0: i32) -> (i32, i32) {
    %c0_i32 = arith.constant 0 : i32
    %c0_i32_0 = arith.constant 0 : i32
    %c0_i32_1 = arith.constant 0 : i32
    return %c0_i32, %c0_i32_0 : i32, i32
  }
  func.func @transform_5(%arg0: i32) -> (i32, i32) {
    %c0_i32 = arith.constant 0 : i32
    %c0_i32_0 = arith.constant 0 : i32
    %c0_i32_1 = arith.constant 0 : i32
    return %c0_i32, %c0_i32_0 : i32, i32
  }
  func.func @transform_6(%arg0: i32) -> (i32, i32) {
    %c0_i32 = arith.constant 0 : i32
    %c0_i32_0 = arith.constant 0 : i32
    return %arg0, %c0_i32 : i32, i32
  }
  func.func @transform_7(%arg0: i32) -> (i32, i32) {
    %c0_i32 = arith.constant 0 : i32
    %c0_i32_0 = arith.constant 0 : i32
    return %arg0, %c0_i32 : i32, i32
  }
}

module attributes {stable_mosaic.version = 14 : i64} {
  func.func @kfn(%arg0: i32, %arg1: memref<512x256xf32, #tpu.memory_space<vmem>>, %arg2: memref<256x512xf32, #tpu.memory_space<vmem>>, %arg3: memref<1x512xf32, #tpu.memory_space<vmem>>, %arg4: memref<512x512xf32, #tpu.memory_space<vmem>>, %arg5: memref<1x512xf32, #tpu.memory_space<vmem>>, %arg6: memref<1x512xf32, #tpu.memory_space<vmem>>) attributes {dimension_semantics = [#tpu.dimension_semantics<arbitrary>], iteration_bounds = array<i64: 1>, scalar_prefetch = 0 : i64, scratch_operands = 0 : i64, tpu.core_type = #tpu.core_type<tc>, window_params = [{transform_indices = @transform_0, window_bounds = array<i64: 512, 256>}, {pipeline_mode = #tpu.pipeline_mode<synchronous>, transform_indices = @transform_1, window_bounds = array<i64: 256, 512>}, {pipeline_mode = #tpu.pipeline_mode<synchronous>, transform_indices = @transform_2, window_bounds = array<i64: 1, 512>}, {transform_indices = @transform_3, window_bounds = array<i64: 512, 512>}, {pipeline_mode = #tpu.pipeline_mode<synchronous>, transform_indices = @transform_4, window_bounds = array<i64: 1, 512>}, {pipeline_mode = #tpu.pipeline_mode<synchronous>, transform_indices = @transform_5, window_bounds = array<i64: 1, 512>}]} {
    %get3A = arith.constant 0 : index
    %get3A_0 = arith.constant 0 : index
    %get3A_1 = vector.load %arg1[%get3A, %get3A_0] : memref<512x256xf32, #tpu.memory_space<vmem>>, vector<512x256xf32>
    %get3A_2 = arith.constant 0 : index
    %get3A_3 = arith.constant 0 : index
    %get3A_4 = vector.load %arg2[%get3A_2, %get3A_3] : memref<256x512xf32, #tpu.memory_space<vmem>>, vector<256x512xf32>
    %dot_general3A = arith.constant dense<0.000000e+00> : vector<512x512xf32>
    %dot_general3A_5 = tpu.matmul %get3A_1, %get3A_4, %dot_general3A {dimension_numbers = #tpu.dot_dimension_numbers<[1], [0], [0], [1], [0, 0, 1, 1], [], []>, transpose_lhs_hint = false} : vector<512x256xf32>, vector<256x512xf32>, vector<512x512xf32> -> vector<512x512xf32>
    %get3A_6 = arith.constant 0 : index
    %get3A_7 = arith.constant 0 : index
    %get3A_8 = vector.load %arg3[%get3A_6, %get3A_7] : memref<1x512xf32, #tpu.memory_space<vmem>>, vector<1x512xf32>
    %add3A = vector.broadcast %get3A_8 : vector<1x512xf32> to vector<512x512xf32>
    %add3A_9 = arith.addf %dot_general3A_5, %add3A : vector<512x512xf32>
    %swap3A = arith.constant 0 : index
    %swap3A_10 = arith.constant 0 : index
    %swap3A_11 = vector.load %arg4[%swap3A, %swap3A_10] : memref<512x512xf32, #tpu.memory_space<vmem>>, vector<512x512xf32>
    tpu.vector_store %arg4[%swap3A, %swap3A_10], %add3A_9 {strides = array<i32>} : memref<512x512xf32, #tpu.memory_space<vmem>>, vector<512x512xf32>,
    %reduce_sum3A = arith.constant dense<0.000000e+00> : vector<512xf32>
    %reduce_sum3A_12 = vector.multi_reduction <add>, %add3A_9, %reduce_sum3A [0] : vector<512x512xf32> to vector<512xf32>
    %broadcast_in_dim3A = vector.shape_cast %reduce_sum3A_12 : vector<512xf32> to vector<1x512xf32>
    %div3A = arith.constant 5.120000e+02 : f32
    %div3A_13 = vector.broadcast %div3A : f32 to vector<1x512xf32>
    %div3A_14 = arith.divf %broadcast_in_dim3A, %div3A_13 : vector<1x512xf32>
    %sub3A = vector.broadcast %div3A_14 : vector<1x512xf32> to vector<512x512xf32>
    %sub3A_15 = arith.subf %add3A_9, %sub3A : vector<512x512xf32>
    %integer_pow3A = arith.mulf %sub3A_15, %sub3A_15 : vector<512x512xf32>
    %reduce_sum3A_16 = arith.constant dense<0.000000e+00> : vector<512xf32>
    %reduce_sum3A_17 = vector.multi_reduction <add>, %integer_pow3A, %reduce_sum3A_16 [0] : vector<512x512xf32> to vector<512xf32>
    %broadcast_in_dim3A_18 = vector.shape_cast %reduce_sum3A_17 : vector<512xf32> to vector<1x512xf32>
    %eq3A = arith.constant 0 : i32
    %eq3A_19 = arith.cmpi eq, %arg0, %eq3A : i32
    %convert_element_type3A = arith.extui %eq3A_19 : i1 to i32
    %cond3A = arith.constant 0 : i32
    %cond3A_20 = arith.cmpi ne, %convert_element_type3A, %cond3A : i32
    scf.if %cond3A_20 {
      %swap3A_25 = arith.constant 0 : index
      %swap3A_26 = arith.constant 0 : index
      %swap3A_27 = vector.load %arg5[%swap3A_25, %swap3A_26] : memref<1x512xf32, #tpu.memory_space<vmem>>, vector<1x512xf32>
      tpu.vector_store %arg5[%swap3A_25, %swap3A_26], %div3A_14 {strides = array<i32>} : memref<1x512xf32, #tpu.memory_space<vmem>>, vector<1x512xf32>,
      %swap3A_28 = arith.constant 0 : index
      %swap3A_29 = arith.constant 0 : index
      %swap3A_30 = vector.load %arg6[%swap3A_28, %swap3A_29] : memref<1x512xf32, #tpu.memory_space<vmem>>, vector<1x512xf32>
      tpu.vector_store %arg6[%swap3A_28, %swap3A_29], %broadcast_in_dim3A_18 {strides = array<i32>} : memref<1x512xf32, #tpu.memory_space<vmem>>, vector<1x512xf32>,
    } else {
    }
    %gt3A = arith.constant 0 : i32
    %gt3A_21 = arith.cmpi sgt, %arg0, %gt3A : i32
    %convert_element_type3A_22 = arith.extui %gt3A_21 : i1 to i32
    %cond3A_23 = arith.constant 0 : i32
    %cond3A_24 = arith.cmpi ne, %convert_element_type3A_22, %cond3A_23 : i32
    scf.if %cond3A_24 {
      %mul3A = arith.constant 512 : i32
      %mul3A_25 = arith.muli %arg0, %mul3A : i32
      %convert_element_type3A_26 = arith.sitofp %mul3A_25 : i32 to f32
      %add3A_27 = arith.constant 5.120000e+02 : f32
      %add3A_28 = arith.addf %convert_element_type3A_26, %add3A_27 : f32
      %get3A_29 = arith.constant 0 : index
      %get3A_30 = arith.constant 0 : index
      %get3A_31 = vector.load %arg5[%get3A_29, %get3A_30] : memref<1x512xf32, #tpu.memory_space<vmem>>, vector<1x512xf32>
      %sub3A_32 = arith.subf %div3A_14, %get3A_31 : vector<1x512xf32>
      %get3A_33 = arith.constant 0 : index
      %get3A_34 = arith.constant 0 : index
      %get3A_35 = vector.load %arg5[%get3A_33, %get3A_34] : memref<1x512xf32, #tpu.memory_space<vmem>>, vector<1x512xf32>
      %div3A_36 = arith.constant 5.120000e+02 : f32
      %div3A_37 = arith.divf %div3A_36, %add3A_28 : f32
      %mul3A_38 = vector.broadcast %div3A_37 : f32 to vector<1x512xf32>
      %mul3A_39 = arith.mulf %sub3A_32, %mul3A_38 : vector<1x512xf32>
      %add3A_40 = arith.addf %get3A_35, %mul3A_39 : vector<1x512xf32>
      %swap3A_41 = arith.constant 0 : index
      %swap3A_42 = arith.constant 0 : index
      %swap3A_43 = vector.load %arg5[%swap3A_41, %swap3A_42] : memref<1x512xf32, #tpu.memory_space<vmem>>, vector<1x512xf32>
      tpu.vector_store %arg5[%swap3A_41, %swap3A_42], %add3A_40 {strides = array<i32>} : memref<1x512xf32, #tpu.memory_space<vmem>>, vector<1x512xf32>,
      %get3A_44 = arith.constant 0 : index
      %get3A_45 = arith.constant 0 : index
      %get3A_46 = vector.load %arg6[%get3A_44, %get3A_45] : memref<1x512xf32, #tpu.memory_space<vmem>>, vector<1x512xf32>
      %mul3A_47 = arith.mulf %sub3A_32, %sub3A_32 : vector<1x512xf32>
      %mul3A_48 = arith.constant 5.120000e+02 : f32
      %mul3A_49 = arith.mulf %convert_element_type3A_26, %mul3A_48 : f32
      %div3A_50 = arith.divf %mul3A_49, %add3A_28 : f32
      %mul3A_51 = vector.broadcast %div3A_50 : f32 to vector<1x512xf32>
      %mul3A_52 = arith.mulf %mul3A_47, %mul3A_51 : vector<1x512xf32>
      %add3A_53 = arith.addf %broadcast_in_dim3A_18, %mul3A_52 : vector<1x512xf32>
      %add3A_54 = arith.addf %get3A_46, %add3A_53 : vector<1x512xf32>
      %swap3A_55 = arith.constant 0 : index
      %swap3A_56 = arith.constant 0 : index
      %swap3A_57 = vector.load %arg6[%swap3A_55, %swap3A_56] : memref<1x512xf32, #tpu.memory_space<vmem>>, vector<1x512xf32>
      tpu.vector_store %arg6[%swap3A_55, %swap3A_56], %add3A_54 {strides = array<i32>} : memref<1x512xf32, #tpu.memory_space<vmem>>, vector<1x512xf32>,
    } else {
    }
    return
  }
  func.func @transform_0(%arg0: i32) -> (i32, i32) {
    %c0_i32 = arith.constant 0 : i32
    %c0_i32_0 = arith.constant 0 : i32
    return %arg0, %c0_i32 : i32, i32
  }
  func.func @transform_1(%arg0: i32) -> (i32, i32) {
    %c0_i32 = arith.constant 0 : i32
    %c0_i32_0 = arith.constant 0 : i32
    %c0_i32_1 = arith.constant 0 : i32
    return %c0_i32, %c0_i32_0 : i32, i32
  }
  func.func @transform_2(%arg0: i32) -> (i32, i32) {
    %c0_i32 = arith.constant 0 : i32
    %c0_i32_0 = arith.constant 0 : i32
    %c0_i32_1 = arith.constant 0 : i32
    return %c0_i32, %c0_i32_0 : i32, i32
  }
  func.func @transform_3(%arg0: i32) -> (i32, i32) {
    %c0_i32 = arith.constant 0 : i32
    %c0_i32_0 = arith.constant 0 : i32
    return %arg0, %c0_i32 : i32, i32
  }
  func.func @transform_4(%arg0: i32) -> (i32, i32) {
    %c0_i32 = arith.constant 0 : i32
    %c0_i32_0 = arith.constant 0 : i32
    %c0_i32_1 = arith.constant 0 : i32
    return %c0_i32, %c0_i32_0 : i32, i32
  }
  func.func @transform_5(%arg0: i32) -> (i32, i32) {
    %c0_i32 = arith.constant 0 : i32
    %c0_i32_0 = arith.constant 0 : i32
    %c0_i32_1 = arith.constant 0 : i32
    return %c0_i32, %c0_i32_0 : i32, i32
  }
}

module attributes {stable_mosaic.version = 14 : i64} {
  func.func @kfn(%arg0: i32, %arg1: memref<2048x512xf32, #tpu.memory_space<vmem>>, %arg2: memref<1x512xf32, #tpu.memory_space<vmem>>, %arg3: memref<1x512xf32, #tpu.memory_space<vmem>>, %arg4: memref<1x512xf32, #tpu.memory_space<vmem>>, %arg5: memref<128x512xf32, #tpu.memory_space<vmem>>) attributes {dimension_semantics = [#tpu.dimension_semantics<arbitrary>], iteration_bounds = array<i64: 1>, scalar_prefetch = 0 : i64, scratch_operands = 0 : i64, tpu.core_type = #tpu.core_type<tc>, window_params = [{transform_indices = @transform_0, window_bounds = array<i64: 2048, 512>}, {pipeline_mode = #tpu.pipeline_mode<synchronous>, transform_indices = @transform_1, window_bounds = array<i64: 1, 512>}, {pipeline_mode = #tpu.pipeline_mode<synchronous>, transform_indices = @transform_2, window_bounds = array<i64: 1, 512>}, {pipeline_mode = #tpu.pipeline_mode<synchronous>, transform_indices = @transform_3, window_bounds = array<i64: 1, 512>}, {transform_indices = @transform_4, window_bounds = array<i64: 128, 512>}]} {
    %get3A = arith.constant 0 : index
    %get3A_0 = arith.constant 0 : index
    %get3A_1 = vector.load %arg1[%get3A, %get3A_0] : memref<2048x512xf32, #tpu.memory_space<vmem>>, vector<2048x512xf32>
    %get3A_2 = arith.constant 0 : index
    %get3A_3 = arith.constant 0 : index
    %get3A_4 = vector.load %arg2[%get3A_2, %get3A_3] : memref<1x512xf32, #tpu.memory_space<vmem>>, vector<1x512xf32>
    %sub3A = vector.broadcast %get3A_4 : vector<1x512xf32> to vector<2048x512xf32>
    %sub3A_5 = arith.subf %get3A_1, %sub3A : vector<2048x512xf32>
    %get3A_6 = arith.constant 0 : index
    %get3A_7 = arith.constant 0 : index
    %get3A_8 = vector.load %arg3[%get3A_6, %get3A_7] : memref<1x512xf32, #tpu.memory_space<vmem>>, vector<1x512xf32>
    %mul3A = vector.broadcast %get3A_8 : vector<1x512xf32> to vector<2048x512xf32>
    %mul3A_9 = arith.mulf %sub3A_5, %mul3A : vector<2048x512xf32>
    %get3A_10 = arith.constant 0 : index
    %get3A_11 = arith.constant 0 : index
    %get3A_12 = vector.load %arg4[%get3A_10, %get3A_11] : memref<1x512xf32, #tpu.memory_space<vmem>>, vector<1x512xf32>
    %add3A = vector.broadcast %get3A_12 : vector<1x512xf32> to vector<2048x512xf32>
    %add3A_13 = arith.addf %mul3A_9, %add3A : vector<2048x512xf32>
    %max3A = arith.constant 0.000000e+00 : f32
    %max3A_14 = vector.broadcast %max3A : f32 to vector<2048x512xf32>
    %max3A_15 = arith.maximumf %add3A_13, %max3A_14 : vector<2048x512xf32>
    %reshape3A = vector.shape_cast %max3A_15 : vector<2048x512xf32> to vector<128x16x512xf32>
    %reduce_max3A = arith.constant dense<0xFF800000> : vector<128x512xf32>
    %reduce_max3A_16 = vector.multi_reduction <maximumf>, %reshape3A, %reduce_max3A [1] : vector<128x16x512xf32> to vector<128x512xf32>
    %swap3A = arith.constant 0 : index
    %swap3A_17 = arith.constant 0 : index
    %swap3A_18 = vector.load %arg5[%swap3A, %swap3A_17] : memref<128x512xf32, #tpu.memory_space<vmem>>, vector<128x512xf32>
    tpu.vector_store %arg5[%swap3A, %swap3A_17], %reduce_max3A_16 {strides = array<i32>} : memref<128x512xf32, #tpu.memory_space<vmem>>, vector<128x512xf32>,
    return
  }
  func.func @transform_0(%arg0: i32) -> (i32, i32) {
    %c0_i32 = arith.constant 0 : i32
    %c0_i32_0 = arith.constant 0 : i32
    return %arg0, %c0_i32 : i32, i32
  }
  func.func @transform_1(%arg0: i32) -> (i32, i32) {
    %c0_i32 = arith.constant 0 : i32
    %c0_i32_0 = arith.constant 0 : i32
    %c0_i32_1 = arith.constant 0 : i32
    return %c0_i32, %c0_i32_0 : i32, i32
  }
  func.func @transform_2(%arg0: i32) -> (i32, i32) {
    %c0_i32 = arith.constant 0 : i32
    %c0_i32_0 = arith.constant 0 : i32
    %c0_i32_1 = arith.constant 0 : i32
    return %c0_i32, %c0_i32_0 : i32, i32
  }
  func.func @transform_3(%arg0: i32) -> (i32, i32) {
    %c0_i32 = arith.constant 0 : i32
    %c0_i32_0 = arith.constant 0 : i32
    %c0_i32_1 = arith.constant 0 : i32
    return %c0_i32, %c0_i32_0 : i32, i32
  }
  func.func @transform_4(%arg0: i32) -> (i32, i32) {
    %c0_i32 = arith.constant 0 : i32
    %c0_i32_0 = arith.constant 0 : i32
    return %arg0, %c0_i32 : i32, i32
  }
}

module attributes {stable_mosaic.version = 14 : i64} {
  func.func @kfn(%arg0: i32, %arg1: memref<128x515xf32, #tpu.memory_space<vmem>>, %arg2: memref<515x256xf32, #tpu.memory_space<vmem>>, %arg3: memref<1x256xf32, #tpu.memory_space<vmem>>, %arg4: memref<128x256xf32, #tpu.memory_space<vmem>>, %arg5: memref<1x256xf32, #tpu.memory_space<vmem>>, %arg6: memref<1x256xf32, #tpu.memory_space<vmem>>) attributes {dimension_semantics = [#tpu.dimension_semantics<arbitrary>], iteration_bounds = array<i64: 1>, scalar_prefetch = 0 : i64, scratch_operands = 0 : i64, tpu.core_type = #tpu.core_type<tc>, window_params = [{transform_indices = @transform_0, window_bounds = array<i64: 128, 515>}, {pipeline_mode = #tpu.pipeline_mode<synchronous>, transform_indices = @transform_1, window_bounds = array<i64: 515, 256>}, {pipeline_mode = #tpu.pipeline_mode<synchronous>, transform_indices = @transform_2, window_bounds = array<i64: 1, 256>}, {transform_indices = @transform_3, window_bounds = array<i64: 128, 256>}, {pipeline_mode = #tpu.pipeline_mode<synchronous>, transform_indices = @transform_4, window_bounds = array<i64: 1, 256>}, {pipeline_mode = #tpu.pipeline_mode<synchronous>, transform_indices = @transform_5, window_bounds = array<i64: 1, 256>}]} {
    %get3A = arith.constant 0 : index
    %get3A_0 = arith.constant 0 : index
    %get3A_1 = vector.load %arg1[%get3A, %get3A_0] : memref<128x515xf32, #tpu.memory_space<vmem>>, vector<128x515xf32>
    %get3A_2 = arith.constant 0 : index
    %get3A_3 = arith.constant 0 : index
    %get3A_4 = vector.load %arg2[%get3A_2, %get3A_3] : memref<515x256xf32, #tpu.memory_space<vmem>>, vector<515x256xf32>
    %dot_general3A = arith.constant dense<0.000000e+00> : vector<128x256xf32>
    %dot_general3A_5 = tpu.matmul %get3A_1, %get3A_4, %dot_general3A {dimension_numbers = #tpu.dot_dimension_numbers<[1], [0], [0], [1], [0, 0, 1, 1], [], []>, transpose_lhs_hint = false} : vector<128x515xf32>, vector<515x256xf32>, vector<128x256xf32> -> vector<128x256xf32>
    %get3A_6 = arith.constant 0 : index
    %get3A_7 = arith.constant 0 : index
    %get3A_8 = vector.load %arg3[%get3A_6, %get3A_7] : memref<1x256xf32, #tpu.memory_space<vmem>>, vector<1x256xf32>
    %add3A = vector.broadcast %get3A_8 : vector<1x256xf32> to vector<128x256xf32>
    %add3A_9 = arith.addf %dot_general3A_5, %add3A : vector<128x256xf32>
    %swap3A = arith.constant 0 : index
    %swap3A_10 = arith.constant 0 : index
    %swap3A_11 = vector.load %arg4[%swap3A, %swap3A_10] : memref<128x256xf32, #tpu.memory_space<vmem>>, vector<128x256xf32>
    tpu.vector_store %arg4[%swap3A, %swap3A_10], %add3A_9 {strides = array<i32>} : memref<128x256xf32, #tpu.memory_space<vmem>>, vector<128x256xf32>,
    %reduce_sum3A = arith.constant dense<0.000000e+00> : vector<256xf32>
    %reduce_sum3A_12 = vector.multi_reduction <add>, %add3A_9, %reduce_sum3A [0] : vector<128x256xf32> to vector<256xf32>
    %broadcast_in_dim3A = vector.shape_cast %reduce_sum3A_12 : vector<256xf32> to vector<1x256xf32>
    %div3A = arith.constant 1.280000e+02 : f32
    %div3A_13 = vector.broadcast %div3A : f32 to vector<1x256xf32>
    %div3A_14 = arith.divf %broadcast_in_dim3A, %div3A_13 : vector<1x256xf32>
    %sub3A = vector.broadcast %div3A_14 : vector<1x256xf32> to vector<128x256xf32>
    %sub3A_15 = arith.subf %add3A_9, %sub3A : vector<128x256xf32>
    %integer_pow3A = arith.mulf %sub3A_15, %sub3A_15 : vector<128x256xf32>
    %reduce_sum3A_16 = arith.constant dense<0.000000e+00> : vector<256xf32>
    %reduce_sum3A_17 = vector.multi_reduction <add>, %integer_pow3A, %reduce_sum3A_16 [0] : vector<128x256xf32> to vector<256xf32>
    %broadcast_in_dim3A_18 = vector.shape_cast %reduce_sum3A_17 : vector<256xf32> to vector<1x256xf32>
    %eq3A = arith.constant 0 : i32
    %eq3A_19 = arith.cmpi eq, %arg0, %eq3A : i32
    %convert_element_type3A = arith.extui %eq3A_19 : i1 to i32
    %cond3A = arith.constant 0 : i32
    %cond3A_20 = arith.cmpi ne, %convert_element_type3A, %cond3A : i32
    scf.if %cond3A_20 {
      %swap3A_25 = arith.constant 0 : index
      %swap3A_26 = arith.constant 0 : index
      %swap3A_27 = vector.load %arg5[%swap3A_25, %swap3A_26] : memref<1x256xf32, #tpu.memory_space<vmem>>, vector<1x256xf32>
      tpu.vector_store %arg5[%swap3A_25, %swap3A_26], %div3A_14 {strides = array<i32>} : memref<1x256xf32, #tpu.memory_space<vmem>>, vector<1x256xf32>,
      %swap3A_28 = arith.constant 0 : index
      %swap3A_29 = arith.constant 0 : index
      %swap3A_30 = vector.load %arg6[%swap3A_28, %swap3A_29] : memref<1x256xf32, #tpu.memory_space<vmem>>, vector<1x256xf32>
      tpu.vector_store %arg6[%swap3A_28, %swap3A_29], %broadcast_in_dim3A_18 {strides = array<i32>} : memref<1x256xf32, #tpu.memory_space<vmem>>, vector<1x256xf32>,
    } else {
    }
    %gt3A = arith.constant 0 : i32
    %gt3A_21 = arith.cmpi sgt, %arg0, %gt3A : i32
    %convert_element_type3A_22 = arith.extui %gt3A_21 : i1 to i32
    %cond3A_23 = arith.constant 0 : i32
    %cond3A_24 = arith.cmpi ne, %convert_element_type3A_22, %cond3A_23 : i32
    scf.if %cond3A_24 {
      %mul3A = arith.constant 128 : i32
      %mul3A_25 = arith.muli %arg0, %mul3A : i32
      %convert_element_type3A_26 = arith.sitofp %mul3A_25 : i32 to f32
      %add3A_27 = arith.constant 1.280000e+02 : f32
      %add3A_28 = arith.addf %convert_element_type3A_26, %add3A_27 : f32
      %get3A_29 = arith.constant 0 : index
      %get3A_30 = arith.constant 0 : index
      %get3A_31 = vector.load %arg5[%get3A_29, %get3A_30] : memref<1x256xf32, #tpu.memory_space<vmem>>, vector<1x256xf32>
      %sub3A_32 = arith.subf %div3A_14, %get3A_31 : vector<1x256xf32>
      %get3A_33 = arith.constant 0 : index
      %get3A_34 = arith.constant 0 : index
      %get3A_35 = vector.load %arg5[%get3A_33, %get3A_34] : memref<1x256xf32, #tpu.memory_space<vmem>>, vector<1x256xf32>
      %div3A_36 = arith.constant 1.280000e+02 : f32
      %div3A_37 = arith.divf %div3A_36, %add3A_28 : f32
      %mul3A_38 = vector.broadcast %div3A_37 : f32 to vector<1x256xf32>
      %mul3A_39 = arith.mulf %sub3A_32, %mul3A_38 : vector<1x256xf32>
      %add3A_40 = arith.addf %get3A_35, %mul3A_39 : vector<1x256xf32>
      %swap3A_41 = arith.constant 0 : index
      %swap3A_42 = arith.constant 0 : index
      %swap3A_43 = vector.load %arg5[%swap3A_41, %swap3A_42] : memref<1x256xf32, #tpu.memory_space<vmem>>, vector<1x256xf32>
      tpu.vector_store %arg5[%swap3A_41, %swap3A_42], %add3A_40 {strides = array<i32>} : memref<1x256xf32, #tpu.memory_space<vmem>>, vector<1x256xf32>,
      %get3A_44 = arith.constant 0 : index
      %get3A_45 = arith.constant 0 : index
      %get3A_46 = vector.load %arg6[%get3A_44, %get3A_45] : memref<1x256xf32, #tpu.memory_space<vmem>>, vector<1x256xf32>
      %mul3A_47 = arith.mulf %sub3A_32, %sub3A_32 : vector<1x256xf32>
      %mul3A_48 = arith.constant 1.280000e+02 : f32
      %mul3A_49 = arith.mulf %convert_element_type3A_26, %mul3A_48 : f32
      %div3A_50 = arith.divf %mul3A_49, %add3A_28 : f32
      %mul3A_51 = vector.broadcast %div3A_50 : f32 to vector<1x256xf32>
      %mul3A_52 = arith.mulf %mul3A_47, %mul3A_51 : vector<1x256xf32>
      %add3A_53 = arith.addf %broadcast_in_dim3A_18, %mul3A_52 : vector<1x256xf32>
      %add3A_54 = arith.addf %get3A_46, %add3A_53 : vector<1x256xf32>
      %swap3A_55 = arith.constant 0 : index
      %swap3A_56 = arith.constant 0 : index
      %swap3A_57 = vector.load %arg6[%swap3A_55, %swap3A_56] : memref<1x256xf32, #tpu.memory_space<vmem>>, vector<1x256xf32>
      tpu.vector_store %arg6[%swap3A_55, %swap3A_56], %add3A_54 {strides = array<i32>} : memref<1x256xf32, #tpu.memory_space<vmem>>, vector<1x256xf32>,
    } else {
    }
    return
  }
  func.func @transform_0(%arg0: i32) -> (i32, i32) {
    %c0_i32 = arith.constant 0 : i32
    %c0_i32_0 = arith.constant 0 : i32
    return %arg0, %c0_i32 : i32, i32
  }
  func.func @transform_1(%arg0: i32) -> (i32, i32) {
    %c0_i32 = arith.constant 0 : i32
    %c0_i32_0 = arith.constant 0 : i32
    %c0_i32_1 = arith.constant 0 : i32
    return %c0_i32, %c0_i32_0 : i32, i32
  }
  func.func @transform_2(%arg0: i32) -> (i32, i32) {
    %c0_i32 = arith.constant 0 : i32
    %c0_i32_0 = arith.constant 0 : i32
    %c0_i32_1 = arith.constant 0 : i32
    return %c0_i32, %c0_i32_0 : i32, i32
  }
  func.func @transform_3(%arg0: i32) -> (i32, i32) {
    %c0_i32 = arith.constant 0 : i32
    %c0_i32_0 = arith.constant 0 : i32
    return %arg0, %c0_i32 : i32, i32
  }
  func.func @transform_4(%arg0: i32) -> (i32, i32) {
    %c0_i32 = arith.constant 0 : i32
    %c0_i32_0 = arith.constant 0 : i32
    %c0_i32_1 = arith.constant 0 : i32
    return %c0_i32, %c0_i32_0 : i32, i32
  }
  func.func @transform_5(%arg0: i32) -> (i32, i32) {
    %c0_i32 = arith.constant 0 : i32
    %c0_i32_0 = arith.constant 0 : i32
    %c0_i32_1 = arith.constant 0 : i32
    return %c0_i32, %c0_i32_0 : i32, i32
  }
}

module attributes {stable_mosaic.version = 14 : i64} {
  func.func @kfn(%arg0: i32, %arg1: memref<128x256xf32, #tpu.memory_space<vmem>>, %arg2: memref<1x256xf32, #tpu.memory_space<vmem>>, %arg3: memref<1x256xf32, #tpu.memory_space<vmem>>, %arg4: memref<1x256xf32, #tpu.memory_space<vmem>>, %arg5: memref<256x512xf32, #tpu.memory_space<vmem>>, %arg6: memref<1x512xf32, #tpu.memory_space<vmem>>, %arg7: memref<128x512xf32, #tpu.memory_space<vmem>>, %arg8: memref<1x512xf32, #tpu.memory_space<vmem>>, %arg9: memref<1x512xf32, #tpu.memory_space<vmem>>) attributes {dimension_semantics = [#tpu.dimension_semantics<arbitrary>], iteration_bounds = array<i64: 1>, scalar_prefetch = 0 : i64, scratch_operands = 0 : i64, tpu.core_type = #tpu.core_type<tc>, window_params = [{transform_indices = @transform_0, window_bounds = array<i64: 128, 256>}, {pipeline_mode = #tpu.pipeline_mode<synchronous>, transform_indices = @transform_1, window_bounds = array<i64: 1, 256>}, {pipeline_mode = #tpu.pipeline_mode<synchronous>, transform_indices = @transform_2, window_bounds = array<i64: 1, 256>}, {pipeline_mode = #tpu.pipeline_mode<synchronous>, transform_indices = @transform_3, window_bounds = array<i64: 1, 256>}, {pipeline_mode = #tpu.pipeline_mode<synchronous>, transform_indices = @transform_4, window_bounds = array<i64: 256, 512>}, {pipeline_mode = #tpu.pipeline_mode<synchronous>, transform_indices = @transform_5, window_bounds = array<i64: 1, 512>}, {transform_indices = @transform_6, window_bounds = array<i64: 128, 512>}, {pipeline_mode = #tpu.pipeline_mode<synchronous>, transform_indices = @transform_7, window_bounds = array<i64: 1, 512>}, {pipeline_mode = #tpu.pipeline_mode<synchronous>, transform_indices = @transform_8, window_bounds = array<i64: 1, 512>}]} {
    %get3A = arith.constant 0 : index
    %get3A_0 = arith.constant 0 : index
    %get3A_1 = vector.load %arg1[%get3A, %get3A_0] : memref<128x256xf32, #tpu.memory_space<vmem>>, vector<128x256xf32>
    %get3A_2 = arith.constant 0 : index
    %get3A_3 = arith.constant 0 : index
    %get3A_4 = vector.load %arg2[%get3A_2, %get3A_3] : memref<1x256xf32, #tpu.memory_space<vmem>>, vector<1x256xf32>
    %sub3A = vector.broadcast %get3A_4 : vector<1x256xf32> to vector<128x256xf32>
    %sub3A_5 = arith.subf %get3A_1, %sub3A : vector<128x256xf32>
    %get3A_6 = arith.constant 0 : index
    %get3A_7 = arith.constant 0 : index
    %get3A_8 = vector.load %arg3[%get3A_6, %get3A_7] : memref<1x256xf32, #tpu.memory_space<vmem>>, vector<1x256xf32>
    %mul3A = vector.broadcast %get3A_8 : vector<1x256xf32> to vector<128x256xf32>
    %mul3A_9 = arith.mulf %sub3A_5, %mul3A : vector<128x256xf32>
    %get3A_10 = arith.constant 0 : index
    %get3A_11 = arith.constant 0 : index
    %get3A_12 = vector.load %arg4[%get3A_10, %get3A_11] : memref<1x256xf32, #tpu.memory_space<vmem>>, vector<1x256xf32>
    %add3A = vector.broadcast %get3A_12 : vector<1x256xf32> to vector<128x256xf32>
    %add3A_13 = arith.addf %mul3A_9, %add3A : vector<128x256xf32>
    %max3A = arith.constant 0.000000e+00 : f32
    %max3A_14 = vector.broadcast %max3A : f32 to vector<128x256xf32>
    %max3A_15 = arith.maximumf %add3A_13, %max3A_14 : vector<128x256xf32>
    %get3A_16 = arith.constant 0 : index
    %get3A_17 = arith.constant 0 : index
    %get3A_18 = vector.load %arg5[%get3A_16, %get3A_17] : memref<256x512xf32, #tpu.memory_space<vmem>>, vector<256x512xf32>
    %dot_general3A = arith.constant dense<0.000000e+00> : vector<128x512xf32>
    %dot_general3A_19 = tpu.matmul %max3A_15, %get3A_18, %dot_general3A {dimension_numbers = #tpu.dot_dimension_numbers<[1], [0], [0], [1], [0, 0, 1, 1], [], []>, transpose_lhs_hint = false} : vector<128x256xf32>, vector<256x512xf32>, vector<128x512xf32> -> vector<128x512xf32>
    %get3A_20 = arith.constant 0 : index
    %get3A_21 = arith.constant 0 : index
    %get3A_22 = vector.load %arg6[%get3A_20, %get3A_21] : memref<1x512xf32, #tpu.memory_space<vmem>>, vector<1x512xf32>
    %add3A_23 = vector.broadcast %get3A_22 : vector<1x512xf32> to vector<128x512xf32>
    %add3A_24 = arith.addf %dot_general3A_19, %add3A_23 : vector<128x512xf32>
    %swap3A = arith.constant 0 : index
    %swap3A_25 = arith.constant 0 : index
    %swap3A_26 = vector.load %arg7[%swap3A, %swap3A_25] : memref<128x512xf32, #tpu.memory_space<vmem>>, vector<128x512xf32>
    tpu.vector_store %arg7[%swap3A, %swap3A_25], %add3A_24 {strides = array<i32>} : memref<128x512xf32, #tpu.memory_space<vmem>>, vector<128x512xf32>,
    %reduce_sum3A = arith.constant dense<0.000000e+00> : vector<512xf32>
    %reduce_sum3A_27 = vector.multi_reduction <add>, %add3A_24, %reduce_sum3A [0] : vector<128x512xf32> to vector<512xf32>
    %broadcast_in_dim3A = vector.shape_cast %reduce_sum3A_27 : vector<512xf32> to vector<1x512xf32>
    %div3A = arith.constant 1.280000e+02 : f32
    %div3A_28 = vector.broadcast %div3A : f32 to vector<1x512xf32>
    %div3A_29 = arith.divf %broadcast_in_dim3A, %div3A_28 : vector<1x512xf32>
    %sub3A_30 = vector.broadcast %div3A_29 : vector<1x512xf32> to vector<128x512xf32>
    %sub3A_31 = arith.subf %add3A_24, %sub3A_30 : vector<128x512xf32>
    %integer_pow3A = arith.mulf %sub3A_31, %sub3A_31 : vector<128x512xf32>
    %reduce_sum3A_32 = arith.constant dense<0.000000e+00> : vector<512xf32>
    %reduce_sum3A_33 = vector.multi_reduction <add>, %integer_pow3A, %reduce_sum3A_32 [0] : vector<128x512xf32> to vector<512xf32>
    %broadcast_in_dim3A_34 = vector.shape_cast %reduce_sum3A_33 : vector<512xf32> to vector<1x512xf32>
    %eq3A = arith.constant 0 : i32
    %eq3A_35 = arith.cmpi eq, %arg0, %eq3A : i32
    %convert_element_type3A = arith.extui %eq3A_35 : i1 to i32
    %cond3A = arith.constant 0 : i32
    %cond3A_36 = arith.cmpi ne, %convert_element_type3A, %cond3A : i32
    scf.if %cond3A_36 {
      %swap3A_41 = arith.constant 0 : index
      %swap3A_42 = arith.constant 0 : index
      %swap3A_43 = vector.load %arg8[%swap3A_41, %swap3A_42] : memref<1x512xf32, #tpu.memory_space<vmem>>, vector<1x512xf32>
      tpu.vector_store %arg8[%swap3A_41, %swap3A_42], %div3A_29 {strides = array<i32>} : memref<1x512xf32, #tpu.memory_space<vmem>>, vector<1x512xf32>,
      %swap3A_44 = arith.constant 0 : index
      %swap3A_45 = arith.constant 0 : index
      %swap3A_46 = vector.load %arg9[%swap3A_44, %swap3A_45] : memref<1x512xf32, #tpu.memory_space<vmem>>, vector<1x512xf32>
      tpu.vector_store %arg9[%swap3A_44, %swap3A_45], %broadcast_in_dim3A_34 {strides = array<i32>} : memref<1x512xf32, #tpu.memory_space<vmem>>, vector<1x512xf32>,
    } else {
    }
    %gt3A = arith.constant 0 : i32
    %gt3A_37 = arith.cmpi sgt, %arg0, %gt3A : i32
    %convert_element_type3A_38 = arith.extui %gt3A_37 : i1 to i32
    %cond3A_39 = arith.constant 0 : i32
    %cond3A_40 = arith.cmpi ne, %convert_element_type3A_38, %cond3A_39 : i32
    scf.if %cond3A_40 {
      %mul3A_41 = arith.constant 128 : i32
      %mul3A_42 = arith.muli %arg0, %mul3A_41 : i32
      %convert_element_type3A_43 = arith.sitofp %mul3A_42 : i32 to f32
      %add3A_44 = arith.constant 1.280000e+02 : f32
      %add3A_45 = arith.addf %convert_element_type3A_43, %add3A_44 : f32
      %get3A_46 = arith.constant 0 : index
      %get3A_47 = arith.constant 0 : index
      %get3A_48 = vector.load %arg8[%get3A_46, %get3A_47] : memref<1x512xf32, #tpu.memory_space<vmem>>, vector<1x512xf32>
      %sub3A_49 = arith.subf %div3A_29, %get3A_48 : vector<1x512xf32>
      %get3A_50 = arith.constant 0 : index
      %get3A_51 = arith.constant 0 : index
      %get3A_52 = vector.load %arg8[%get3A_50, %get3A_51] : memref<1x512xf32, #tpu.memory_space<vmem>>, vector<1x512xf32>
      %div3A_53 = arith.constant 1.280000e+02 : f32
      %div3A_54 = arith.divf %div3A_53, %add3A_45 : f32
      %mul3A_55 = vector.broadcast %div3A_54 : f32 to vector<1x512xf32>
      %mul3A_56 = arith.mulf %sub3A_49, %mul3A_55 : vector<1x512xf32>
      %add3A_57 = arith.addf %get3A_52, %mul3A_56 : vector<1x512xf32>
      %swap3A_58 = arith.constant 0 : index
      %swap3A_59 = arith.constant 0 : index
      %swap3A_60 = vector.load %arg8[%swap3A_58, %swap3A_59] : memref<1x512xf32, #tpu.memory_space<vmem>>, vector<1x512xf32>
      tpu.vector_store %arg8[%swap3A_58, %swap3A_59], %add3A_57 {strides = array<i32>} : memref<1x512xf32, #tpu.memory_space<vmem>>, vector<1x512xf32>,
      %get3A_61 = arith.constant 0 : index
      %get3A_62 = arith.constant 0 : index
      %get3A_63 = vector.load %arg9[%get3A_61, %get3A_62] : memref<1x512xf32, #tpu.memory_space<vmem>>, vector<1x512xf32>
      %mul3A_64 = arith.mulf %sub3A_49, %sub3A_49 : vector<1x512xf32>
      %mul3A_65 = arith.constant 1.280000e+02 : f32
      %mul3A_66 = arith.mulf %convert_element_type3A_43, %mul3A_65 : f32
      %div3A_67 = arith.divf %mul3A_66, %add3A_45 : f32
      %mul3A_68 = vector.broadcast %div3A_67 : f32 to vector<1x512xf32>
      %mul3A_69 = arith.mulf %mul3A_64, %mul3A_68 : vector<1x512xf32>
      %add3A_70 = arith.addf %broadcast_in_dim3A_34, %mul3A_69 : vector<1x512xf32>
      %add3A_71 = arith.addf %get3A_63, %add3A_70 : vector<1x512xf32>
      %swap3A_72 = arith.constant 0 : index
      %swap3A_73 = arith.constant 0 : index
      %swap3A_74 = vector.load %arg9[%swap3A_72, %swap3A_73] : memref<1x512xf32, #tpu.memory_space<vmem>>, vector<1x512xf32>
      tpu.vector_store %arg9[%swap3A_72, %swap3A_73], %add3A_71 {strides = array<i32>} : memref<1x512xf32, #tpu.memory_space<vmem>>, vector<1x512xf32>,
    } else {
    }
    return
  }
  func.func @transform_0(%arg0: i32) -> (i32, i32) {
    %c0_i32 = arith.constant 0 : i32
    %c0_i32_0 = arith.constant 0 : i32
    return %arg0, %c0_i32 : i32, i32
  }
  func.func @transform_1(%arg0: i32) -> (i32, i32) {
    %c0_i32 = arith.constant 0 : i32
    %c0_i32_0 = arith.constant 0 : i32
    %c0_i32_1 = arith.constant 0 : i32
    return %c0_i32, %c0_i32_0 : i32, i32
  }
  func.func @transform_2(%arg0: i32) -> (i32, i32) {
    %c0_i32 = arith.constant 0 : i32
    %c0_i32_0 = arith.constant 0 : i32
    %c0_i32_1 = arith.constant 0 : i32
    return %c0_i32, %c0_i32_0 : i32, i32
  }
  func.func @transform_3(%arg0: i32) -> (i32, i32) {
    %c0_i32 = arith.constant 0 : i32
    %c0_i32_0 = arith.constant 0 : i32
    %c0_i32_1 = arith.constant 0 : i32
    return %c0_i32, %c0_i32_0 : i32, i32
  }
  func.func @transform_4(%arg0: i32) -> (i32, i32) {
    %c0_i32 = arith.constant 0 : i32
    %c0_i32_0 = arith.constant 0 : i32
    %c0_i32_1 = arith.constant 0 : i32
    return %c0_i32, %c0_i32_0 : i32, i32
  }
  func.func @transform_5(%arg0: i32) -> (i32, i32) {
    %c0_i32 = arith.constant 0 : i32
    %c0_i32_0 = arith.constant 0 : i32
    %c0_i32_1 = arith.constant 0 : i32
    return %c0_i32, %c0_i32_0 : i32, i32
  }
  func.func @transform_6(%arg0: i32) -> (i32, i32) {
    %c0_i32 = arith.constant 0 : i32
    %c0_i32_0 = arith.constant 0 : i32
    return %arg0, %c0_i32 : i32, i32
  }
  func.func @transform_7(%arg0: i32) -> (i32, i32) {
    %c0_i32 = arith.constant 0 : i32
    %c0_i32_0 = arith.constant 0 : i32
    %c0_i32_1 = arith.constant 0 : i32
    return %c0_i32, %c0_i32_0 : i32, i32
  }
  func.func @transform_8(%arg0: i32) -> (i32, i32) {
    %c0_i32 = arith.constant 0 : i32
    %c0_i32_0 = arith.constant 0 : i32
    %c0_i32_1 = arith.constant 0 : i32
    return %c0_i32, %c0_i32_0 : i32, i32
  }
}

module attributes {stable_mosaic.version = 14 : i64} {
  func.func @kfn(%arg0: i32, %arg1: memref<128x512xf32, #tpu.memory_space<vmem>>, %arg2: memref<1x512xf32, #tpu.memory_space<vmem>>, %arg3: memref<1x512xf32, #tpu.memory_space<vmem>>, %arg4: memref<1x512xf32, #tpu.memory_space<vmem>>, %arg5: memref<512x1024xf32, #tpu.memory_space<vmem>>, %arg6: memref<1x1024xf32, #tpu.memory_space<vmem>>, %arg7: memref<128x1024xf32, #tpu.memory_space<vmem>>, %arg8: memref<1x1024xf32, #tpu.memory_space<vmem>>, %arg9: memref<1x1024xf32, #tpu.memory_space<vmem>>) attributes {dimension_semantics = [#tpu.dimension_semantics<arbitrary>], iteration_bounds = array<i64: 1>, scalar_prefetch = 0 : i64, scratch_operands = 0 : i64, tpu.core_type = #tpu.core_type<tc>, window_params = [{transform_indices = @transform_0, window_bounds = array<i64: 128, 512>}, {pipeline_mode = #tpu.pipeline_mode<synchronous>, transform_indices = @transform_1, window_bounds = array<i64: 1, 512>}, {pipeline_mode = #tpu.pipeline_mode<synchronous>, transform_indices = @transform_2, window_bounds = array<i64: 1, 512>}, {pipeline_mode = #tpu.pipeline_mode<synchronous>, transform_indices = @transform_3, window_bounds = array<i64: 1, 512>}, {pipeline_mode = #tpu.pipeline_mode<synchronous>, transform_indices = @transform_4, window_bounds = array<i64: 512, 1024>}, {pipeline_mode = #tpu.pipeline_mode<synchronous>, transform_indices = @transform_5, window_bounds = array<i64: 1, 1024>}, {transform_indices = @transform_6, window_bounds = array<i64: 128, 1024>}, {pipeline_mode = #tpu.pipeline_mode<synchronous>, transform_indices = @transform_7, window_bounds = array<i64: 1, 1024>}, {pipeline_mode = #tpu.pipeline_mode<synchronous>, transform_indices = @transform_8, window_bounds = array<i64: 1, 1024>}]} {
    %get3A = arith.constant 0 : index
    %get3A_0 = arith.constant 0 : index
    %get3A_1 = vector.load %arg1[%get3A, %get3A_0] : memref<128x512xf32, #tpu.memory_space<vmem>>, vector<128x512xf32>
    %get3A_2 = arith.constant 0 : index
    %get3A_3 = arith.constant 0 : index
    %get3A_4 = vector.load %arg2[%get3A_2, %get3A_3] : memref<1x512xf32, #tpu.memory_space<vmem>>, vector<1x512xf32>
    %sub3A = vector.broadcast %get3A_4 : vector<1x512xf32> to vector<128x512xf32>
    %sub3A_5 = arith.subf %get3A_1, %sub3A : vector<128x512xf32>
    %get3A_6 = arith.constant 0 : index
    %get3A_7 = arith.constant 0 : index
    %get3A_8 = vector.load %arg3[%get3A_6, %get3A_7] : memref<1x512xf32, #tpu.memory_space<vmem>>, vector<1x512xf32>
    %mul3A = vector.broadcast %get3A_8 : vector<1x512xf32> to vector<128x512xf32>
    %mul3A_9 = arith.mulf %sub3A_5, %mul3A : vector<128x512xf32>
    %get3A_10 = arith.constant 0 : index
    %get3A_11 = arith.constant 0 : index
    %get3A_12 = vector.load %arg4[%get3A_10, %get3A_11] : memref<1x512xf32, #tpu.memory_space<vmem>>, vector<1x512xf32>
    %add3A = vector.broadcast %get3A_12 : vector<1x512xf32> to vector<128x512xf32>
    %add3A_13 = arith.addf %mul3A_9, %add3A : vector<128x512xf32>
    %max3A = arith.constant 0.000000e+00 : f32
    %max3A_14 = vector.broadcast %max3A : f32 to vector<128x512xf32>
    %max3A_15 = arith.maximumf %add3A_13, %max3A_14 : vector<128x512xf32>
    %get3A_16 = arith.constant 0 : index
    %get3A_17 = arith.constant 0 : index
    %get3A_18 = vector.load %arg5[%get3A_16, %get3A_17] : memref<512x1024xf32, #tpu.memory_space<vmem>>, vector<512x1024xf32>
    %dot_general3A = arith.constant dense<0.000000e+00> : vector<128x1024xf32>
    %dot_general3A_19 = tpu.matmul %max3A_15, %get3A_18, %dot_general3A {dimension_numbers = #tpu.dot_dimension_numbers<[1], [0], [0], [1], [0, 0, 1, 1], [], []>, transpose_lhs_hint = false} : vector<128x512xf32>, vector<512x1024xf32>, vector<128x1024xf32> -> vector<128x1024xf32>
    %get3A_20 = arith.constant 0 : index
    %get3A_21 = arith.constant 0 : index
    %get3A_22 = vector.load %arg6[%get3A_20, %get3A_21] : memref<1x1024xf32, #tpu.memory_space<vmem>>, vector<1x1024xf32>
    %add3A_23 = vector.broadcast %get3A_22 : vector<1x1024xf32> to vector<128x1024xf32>
    %add3A_24 = arith.addf %dot_general3A_19, %add3A_23 : vector<128x1024xf32>
    %swap3A = arith.constant 0 : index
    %swap3A_25 = arith.constant 0 : index
    %swap3A_26 = vector.load %arg7[%swap3A, %swap3A_25] : memref<128x1024xf32, #tpu.memory_space<vmem>>, vector<128x1024xf32>
    tpu.vector_store %arg7[%swap3A, %swap3A_25], %add3A_24 {strides = array<i32>} : memref<128x1024xf32, #tpu.memory_space<vmem>>, vector<128x1024xf32>,
    %reduce_sum3A = arith.constant dense<0.000000e+00> : vector<1024xf32>
    %reduce_sum3A_27 = vector.multi_reduction <add>, %add3A_24, %reduce_sum3A [0] : vector<128x1024xf32> to vector<1024xf32>
    %broadcast_in_dim3A = vector.shape_cast %reduce_sum3A_27 : vector<1024xf32> to vector<1x1024xf32>
    %div3A = arith.constant 1.280000e+02 : f32
    %div3A_28 = vector.broadcast %div3A : f32 to vector<1x1024xf32>
    %div3A_29 = arith.divf %broadcast_in_dim3A, %div3A_28 : vector<1x1024xf32>
    %sub3A_30 = vector.broadcast %div3A_29 : vector<1x1024xf32> to vector<128x1024xf32>
    %sub3A_31 = arith.subf %add3A_24, %sub3A_30 : vector<128x1024xf32>
    %integer_pow3A = arith.mulf %sub3A_31, %sub3A_31 : vector<128x1024xf32>
    %reduce_sum3A_32 = arith.constant dense<0.000000e+00> : vector<1024xf32>
    %reduce_sum3A_33 = vector.multi_reduction <add>, %integer_pow3A, %reduce_sum3A_32 [0] : vector<128x1024xf32> to vector<1024xf32>
    %broadcast_in_dim3A_34 = vector.shape_cast %reduce_sum3A_33 : vector<1024xf32> to vector<1x1024xf32>
    %eq3A = arith.constant 0 : i32
    %eq3A_35 = arith.cmpi eq, %arg0, %eq3A : i32
    %convert_element_type3A = arith.extui %eq3A_35 : i1 to i32
    %cond3A = arith.constant 0 : i32
    %cond3A_36 = arith.cmpi ne, %convert_element_type3A, %cond3A : i32
    scf.if %cond3A_36 {
      %swap3A_41 = arith.constant 0 : index
      %swap3A_42 = arith.constant 0 : index
      %swap3A_43 = vector.load %arg8[%swap3A_41, %swap3A_42] : memref<1x1024xf32, #tpu.memory_space<vmem>>, vector<1x1024xf32>
      tpu.vector_store %arg8[%swap3A_41, %swap3A_42], %div3A_29 {strides = array<i32>} : memref<1x1024xf32, #tpu.memory_space<vmem>>, vector<1x1024xf32>,
      %swap3A_44 = arith.constant 0 : index
      %swap3A_45 = arith.constant 0 : index
      %swap3A_46 = vector.load %arg9[%swap3A_44, %swap3A_45] : memref<1x1024xf32, #tpu.memory_space<vmem>>, vector<1x1024xf32>
      tpu.vector_store %arg9[%swap3A_44, %swap3A_45], %broadcast_in_dim3A_34 {strides = array<i32>} : memref<1x1024xf32, #tpu.memory_space<vmem>>, vector<1x1024xf32>,
    } else {
    }
    %gt3A = arith.constant 0 : i32
    %gt3A_37 = arith.cmpi sgt, %arg0, %gt3A : i32
    %convert_element_type3A_38 = arith.extui %gt3A_37 : i1 to i32
    %cond3A_39 = arith.constant 0 : i32
    %cond3A_40 = arith.cmpi ne, %convert_element_type3A_38, %cond3A_39 : i32
    scf.if %cond3A_40 {
      %mul3A_41 = arith.constant 128 : i32
      %mul3A_42 = arith.muli %arg0, %mul3A_41 : i32
      %convert_element_type3A_43 = arith.sitofp %mul3A_42 : i32 to f32
      %add3A_44 = arith.constant 1.280000e+02 : f32
      %add3A_45 = arith.addf %convert_element_type3A_43, %add3A_44 : f32
      %get3A_46 = arith.constant 0 : index
      %get3A_47 = arith.constant 0 : index
      %get3A_48 = vector.load %arg8[%get3A_46, %get3A_47] : memref<1x1024xf32, #tpu.memory_space<vmem>>, vector<1x1024xf32>
      %sub3A_49 = arith.subf %div3A_29, %get3A_48 : vector<1x1024xf32>
      %get3A_50 = arith.constant 0 : index
      %get3A_51 = arith.constant 0 : index
      %get3A_52 = vector.load %arg8[%get3A_50, %get3A_51] : memref<1x1024xf32, #tpu.memory_space<vmem>>, vector<1x1024xf32>
      %div3A_53 = arith.constant 1.280000e+02 : f32
      %div3A_54 = arith.divf %div3A_53, %add3A_45 : f32
      %mul3A_55 = vector.broadcast %div3A_54 : f32 to vector<1x1024xf32>
      %mul3A_56 = arith.mulf %sub3A_49, %mul3A_55 : vector<1x1024xf32>
      %add3A_57 = arith.addf %get3A_52, %mul3A_56 : vector<1x1024xf32>
      %swap3A_58 = arith.constant 0 : index
      %swap3A_59 = arith.constant 0 : index
      %swap3A_60 = vector.load %arg8[%swap3A_58, %swap3A_59] : memref<1x1024xf32, #tpu.memory_space<vmem>>, vector<1x1024xf32>
      tpu.vector_store %arg8[%swap3A_58, %swap3A_59], %add3A_57 {strides = array<i32>} : memref<1x1024xf32, #tpu.memory_space<vmem>>, vector<1x1024xf32>,
      %get3A_61 = arith.constant 0 : index
      %get3A_62 = arith.constant 0 : index
      %get3A_63 = vector.load %arg9[%get3A_61, %get3A_62] : memref<1x1024xf32, #tpu.memory_space<vmem>>, vector<1x1024xf32>
      %mul3A_64 = arith.mulf %sub3A_49, %sub3A_49 : vector<1x1024xf32>
      %mul3A_65 = arith.constant 1.280000e+02 : f32
      %mul3A_66 = arith.mulf %convert_element_type3A_43, %mul3A_65 : f32
      %div3A_67 = arith.divf %mul3A_66, %add3A_45 : f32
      %mul3A_68 = vector.broadcast %div3A_67 : f32 to vector<1x1024xf32>
      %mul3A_69 = arith.mulf %mul3A_64, %mul3A_68 : vector<1x1024xf32>
      %add3A_70 = arith.addf %broadcast_in_dim3A_34, %mul3A_69 : vector<1x1024xf32>
      %add3A_71 = arith.addf %get3A_63, %add3A_70 : vector<1x1024xf32>
      %swap3A_72 = arith.constant 0 : index
      %swap3A_73 = arith.constant 0 : index
      %swap3A_74 = vector.load %arg9[%swap3A_72, %swap3A_73] : memref<1x1024xf32, #tpu.memory_space<vmem>>, vector<1x1024xf32>
      tpu.vector_store %arg9[%swap3A_72, %swap3A_73], %add3A_71 {strides = array<i32>} : memref<1x1024xf32, #tpu.memory_space<vmem>>, vector<1x1024xf32>,
    } else {
    }
    return
  }
  func.func @transform_0(%arg0: i32) -> (i32, i32) {
    %c0_i32 = arith.constant 0 : i32
    %c0_i32_0 = arith.constant 0 : i32
    return %arg0, %c0_i32 : i32, i32
  }
  func.func @transform_1(%arg0: i32) -> (i32, i32) {
    %c0_i32 = arith.constant 0 : i32
    %c0_i32_0 = arith.constant 0 : i32
    %c0_i32_1 = arith.constant 0 : i32
    return %c0_i32, %c0_i32_0 : i32, i32
  }
  func.func @transform_2(%arg0: i32) -> (i32, i32) {
    %c0_i32 = arith.constant 0 : i32
    %c0_i32_0 = arith.constant 0 : i32
    %c0_i32_1 = arith.constant 0 : i32
    return %c0_i32, %c0_i32_0 : i32, i32
  }
  func.func @transform_3(%arg0: i32) -> (i32, i32) {
    %c0_i32 = arith.constant 0 : i32
    %c0_i32_0 = arith.constant 0 : i32
    %c0_i32_1 = arith.constant 0 : i32
    return %c0_i32, %c0_i32_0 : i32, i32
  }
  func.func @transform_4(%arg0: i32) -> (i32, i32) {
    %c0_i32 = arith.constant 0 : i32
    %c0_i32_0 = arith.constant 0 : i32
    %c0_i32_1 = arith.constant 0 : i32
    return %c0_i32, %c0_i32_0 : i32, i32
  }
  func.func @transform_5(%arg0: i32) -> (i32, i32) {
    %c0_i32 = arith.constant 0 : i32
    %c0_i32_0 = arith.constant 0 : i32
    %c0_i32_1 = arith.constant 0 : i32
    return %c0_i32, %c0_i32_0 : i32, i32
  }
  func.func @transform_6(%arg0: i32) -> (i32, i32) {
    %c0_i32 = arith.constant 0 : i32
    %c0_i32_0 = arith.constant 0 : i32
    return %arg0, %c0_i32 : i32, i32
  }
  func.func @transform_7(%arg0: i32) -> (i32, i32) {
    %c0_i32 = arith.constant 0 : i32
    %c0_i32_0 = arith.constant 0 : i32
    %c0_i32_1 = arith.constant 0 : i32
    return %c0_i32, %c0_i32_0 : i32, i32
  }
  func.func @transform_8(%arg0: i32) -> (i32, i32) {
    %c0_i32 = arith.constant 0 : i32
    %c0_i32_0 = arith.constant 0 : i32
    %c0_i32_1 = arith.constant 0 : i32
    return %c0_i32, %c0_i32_0 : i32, i32
  }
}

module attributes {stable_mosaic.version = 14 : i64} {
  func.func @kfn(%arg0: i32, %arg1: memref<4x1024xf32, #tpu.memory_space<vmem>>, %arg2: memref<1024x512xf32, #tpu.memory_space<vmem>>, %arg3: memref<1x512xf32, #tpu.memory_space<vmem>>, %arg4: memref<4x512xf32, #tpu.memory_space<vmem>>, %arg5: memref<1x512xf32, #tpu.memory_space<vmem>>, %arg6: memref<1x512xf32, #tpu.memory_space<vmem>>) attributes {dimension_semantics = [#tpu.dimension_semantics<arbitrary>], iteration_bounds = array<i64: 1>, scalar_prefetch = 0 : i64, scratch_operands = 0 : i64, tpu.core_type = #tpu.core_type<tc>, window_params = [{transform_indices = @transform_0, window_bounds = array<i64: 4, 1024>}, {pipeline_mode = #tpu.pipeline_mode<synchronous>, transform_indices = @transform_1, window_bounds = array<i64: 1024, 512>}, {pipeline_mode = #tpu.pipeline_mode<synchronous>, transform_indices = @transform_2, window_bounds = array<i64: 1, 512>}, {transform_indices = @transform_3, window_bounds = array<i64: 4, 512>}, {pipeline_mode = #tpu.pipeline_mode<synchronous>, transform_indices = @transform_4, window_bounds = array<i64: 1, 512>}, {pipeline_mode = #tpu.pipeline_mode<synchronous>, transform_indices = @transform_5, window_bounds = array<i64: 1, 512>}]} {
    %get3A = arith.constant 0 : index
    %get3A_0 = arith.constant 0 : index
    %get3A_1 = vector.load %arg1[%get3A, %get3A_0] : memref<4x1024xf32, #tpu.memory_space<vmem>>, vector<4x1024xf32>
    %get3A_2 = arith.constant 0 : index
    %get3A_3 = arith.constant 0 : index
    %get3A_4 = vector.load %arg2[%get3A_2, %get3A_3] : memref<1024x512xf32, #tpu.memory_space<vmem>>, vector<1024x512xf32>
    %dot_general3A = arith.constant dense<0.000000e+00> : vector<4x512xf32>
    %dot_general3A_5 = tpu.matmul %get3A_1, %get3A_4, %dot_general3A {dimension_numbers = #tpu.dot_dimension_numbers<[1], [0], [0], [1], [0, 0, 1, 1], [], []>, transpose_lhs_hint = false} : vector<4x1024xf32>, vector<1024x512xf32>, vector<4x512xf32> -> vector<4x512xf32>
    %get3A_6 = arith.constant 0 : index
    %get3A_7 = arith.constant 0 : index
    %get3A_8 = vector.load %arg3[%get3A_6, %get3A_7] : memref<1x512xf32, #tpu.memory_space<vmem>>, vector<1x512xf32>
    %add3A = vector.broadcast %get3A_8 : vector<1x512xf32> to vector<4x512xf32>
    %add3A_9 = arith.addf %dot_general3A_5, %add3A : vector<4x512xf32>
    %swap3A = arith.constant 0 : index
    %swap3A_10 = arith.constant 0 : index
    %swap3A_11 = vector.load %arg4[%swap3A, %swap3A_10] : memref<4x512xf32, #tpu.memory_space<vmem>>, vector<4x512xf32>
    tpu.vector_store %arg4[%swap3A, %swap3A_10], %add3A_9 {strides = array<i32>} : memref<4x512xf32, #tpu.memory_space<vmem>>, vector<4x512xf32>,
    %reduce_sum3A = arith.constant dense<0.000000e+00> : vector<512xf32>
    %reduce_sum3A_12 = vector.multi_reduction <add>, %add3A_9, %reduce_sum3A [0] : vector<4x512xf32> to vector<512xf32>
    %broadcast_in_dim3A = vector.shape_cast %reduce_sum3A_12 : vector<512xf32> to vector<1x512xf32>
    %div3A = arith.constant 4.000000e+00 : f32
    %div3A_13 = vector.broadcast %div3A : f32 to vector<1x512xf32>
    %div3A_14 = arith.divf %broadcast_in_dim3A, %div3A_13 : vector<1x512xf32>
    %sub3A = vector.broadcast %div3A_14 : vector<1x512xf32> to vector<4x512xf32>
    %sub3A_15 = arith.subf %add3A_9, %sub3A : vector<4x512xf32>
    %integer_pow3A = arith.mulf %sub3A_15, %sub3A_15 : vector<4x512xf32>
    %reduce_sum3A_16 = arith.constant dense<0.000000e+00> : vector<512xf32>
    %reduce_sum3A_17 = vector.multi_reduction <add>, %integer_pow3A, %reduce_sum3A_16 [0] : vector<4x512xf32> to vector<512xf32>
    %broadcast_in_dim3A_18 = vector.shape_cast %reduce_sum3A_17 : vector<512xf32> to vector<1x512xf32>
    %eq3A = arith.constant 0 : i32
    %eq3A_19 = arith.cmpi eq, %arg0, %eq3A : i32
    %convert_element_type3A = arith.extui %eq3A_19 : i1 to i32
    %cond3A = arith.constant 0 : i32
    %cond3A_20 = arith.cmpi ne, %convert_element_type3A, %cond3A : i32
    scf.if %cond3A_20 {
      %swap3A_25 = arith.constant 0 : index
      %swap3A_26 = arith.constant 0 : index
      %swap3A_27 = vector.load %arg5[%swap3A_25, %swap3A_26] : memref<1x512xf32, #tpu.memory_space<vmem>>, vector<1x512xf32>
      tpu.vector_store %arg5[%swap3A_25, %swap3A_26], %div3A_14 {strides = array<i32>} : memref<1x512xf32, #tpu.memory_space<vmem>>, vector<1x512xf32>,
      %swap3A_28 = arith.constant 0 : index
      %swap3A_29 = arith.constant 0 : index
      %swap3A_30 = vector.load %arg6[%swap3A_28, %swap3A_29] : memref<1x512xf32, #tpu.memory_space<vmem>>, vector<1x512xf32>
      tpu.vector_store %arg6[%swap3A_28, %swap3A_29], %broadcast_in_dim3A_18 {strides = array<i32>} : memref<1x512xf32, #tpu.memory_space<vmem>>, vector<1x512xf32>,
    } else {
    }
    %gt3A = arith.constant 0 : i32
    %gt3A_21 = arith.cmpi sgt, %arg0, %gt3A : i32
    %convert_element_type3A_22 = arith.extui %gt3A_21 : i1 to i32
    %cond3A_23 = arith.constant 0 : i32
    %cond3A_24 = arith.cmpi ne, %convert_element_type3A_22, %cond3A_23 : i32
    scf.if %cond3A_24 {
      %mul3A = arith.constant 4 : i32
      %mul3A_25 = arith.muli %arg0, %mul3A : i32
      %convert_element_type3A_26 = arith.sitofp %mul3A_25 : i32 to f32
      %add3A_27 = arith.constant 4.000000e+00 : f32
      %add3A_28 = arith.addf %convert_element_type3A_26, %add3A_27 : f32
      %get3A_29 = arith.constant 0 : index
      %get3A_30 = arith.constant 0 : index
      %get3A_31 = vector.load %arg5[%get3A_29, %get3A_30] : memref<1x512xf32, #tpu.memory_space<vmem>>, vector<1x512xf32>
      %sub3A_32 = arith.subf %div3A_14, %get3A_31 : vector<1x512xf32>
      %get3A_33 = arith.constant 0 : index
      %get3A_34 = arith.constant 0 : index
      %get3A_35 = vector.load %arg5[%get3A_33, %get3A_34] : memref<1x512xf32, #tpu.memory_space<vmem>>, vector<1x512xf32>
      %div3A_36 = arith.constant 4.000000e+00 : f32
      %div3A_37 = arith.divf %div3A_36, %add3A_28 : f32
      %mul3A_38 = vector.broadcast %div3A_37 : f32 to vector<1x512xf32>
      %mul3A_39 = arith.mulf %sub3A_32, %mul3A_38 : vector<1x512xf32>
      %add3A_40 = arith.addf %get3A_35, %mul3A_39 : vector<1x512xf32>
      %swap3A_41 = arith.constant 0 : index
      %swap3A_42 = arith.constant 0 : index
      %swap3A_43 = vector.load %arg5[%swap3A_41, %swap3A_42] : memref<1x512xf32, #tpu.memory_space<vmem>>, vector<1x512xf32>
      tpu.vector_store %arg5[%swap3A_41, %swap3A_42], %add3A_40 {strides = array<i32>} : memref<1x512xf32, #tpu.memory_space<vmem>>, vector<1x512xf32>,
      %get3A_44 = arith.constant 0 : index
      %get3A_45 = arith.constant 0 : index
      %get3A_46 = vector.load %arg6[%get3A_44, %get3A_45] : memref<1x512xf32, #tpu.memory_space<vmem>>, vector<1x512xf32>
      %mul3A_47 = arith.mulf %sub3A_32, %sub3A_32 : vector<1x512xf32>
      %mul3A_48 = arith.constant 4.000000e+00 : f32
      %mul3A_49 = arith.mulf %convert_element_type3A_26, %mul3A_48 : f32
      %div3A_50 = arith.divf %mul3A_49, %add3A_28 : f32
      %mul3A_51 = vector.broadcast %div3A_50 : f32 to vector<1x512xf32>
      %mul3A_52 = arith.mulf %mul3A_47, %mul3A_51 : vector<1x512xf32>
      %add3A_53 = arith.addf %broadcast_in_dim3A_18, %mul3A_52 : vector<1x512xf32>
      %add3A_54 = arith.addf %get3A_46, %add3A_53 : vector<1x512xf32>
      %swap3A_55 = arith.constant 0 : index
      %swap3A_56 = arith.constant 0 : index
      %swap3A_57 = vector.load %arg6[%swap3A_55, %swap3A_56] : memref<1x512xf32, #tpu.memory_space<vmem>>, vector<1x512xf32>
      tpu.vector_store %arg6[%swap3A_55, %swap3A_56], %add3A_54 {strides = array<i32>} : memref<1x512xf32, #tpu.memory_space<vmem>>, vector<1x512xf32>,
    } else {
    }
    return
  }
  func.func @transform_0(%arg0: i32) -> (i32, i32) {
    %c0_i32 = arith.constant 0 : i32
    %c0_i32_0 = arith.constant 0 : i32
    return %arg0, %c0_i32 : i32, i32
  }
  func.func @transform_1(%arg0: i32) -> (i32, i32) {
    %c0_i32 = arith.constant 0 : i32
    %c0_i32_0 = arith.constant 0 : i32
    %c0_i32_1 = arith.constant 0 : i32
    return %c0_i32, %c0_i32_0 : i32, i32
  }
  func.func @transform_2(%arg0: i32) -> (i32, i32) {
    %c0_i32 = arith.constant 0 : i32
    %c0_i32_0 = arith.constant 0 : i32
    %c0_i32_1 = arith.constant 0 : i32
    return %c0_i32, %c0_i32_0 : i32, i32
  }
  func.func @transform_3(%arg0: i32) -> (i32, i32) {
    %c0_i32 = arith.constant 0 : i32
    %c0_i32_0 = arith.constant 0 : i32
    return %arg0, %c0_i32 : i32, i32
  }
  func.func @transform_4(%arg0: i32) -> (i32, i32) {
    %c0_i32 = arith.constant 0 : i32
    %c0_i32_0 = arith.constant 0 : i32
    %c0_i32_1 = arith.constant 0 : i32
    return %c0_i32, %c0_i32_0 : i32, i32
  }
  func.func @transform_5(%arg0: i32) -> (i32, i32) {
    %c0_i32 = arith.constant 0 : i32
    %c0_i32_0 = arith.constant 0 : i32
    %c0_i32_1 = arith.constant 0 : i32
    return %c0_i32, %c0_i32_0 : i32, i32
  }
}

module attributes {stable_mosaic.version = 14 : i64} {
  func.func @kfn(%arg0: i32, %arg1: memref<4x512xf32, #tpu.memory_space<vmem>>, %arg2: memref<1x512xf32, #tpu.memory_space<vmem>>, %arg3: memref<1x512xf32, #tpu.memory_space<vmem>>, %arg4: memref<1x512xf32, #tpu.memory_space<vmem>>, %arg5: memref<512x256xf32, #tpu.memory_space<vmem>>, %arg6: memref<1x256xf32, #tpu.memory_space<vmem>>, %arg7: memref<4x256xf32, #tpu.memory_space<vmem>>, %arg8: memref<1x256xf32, #tpu.memory_space<vmem>>, %arg9: memref<1x256xf32, #tpu.memory_space<vmem>>) attributes {dimension_semantics = [#tpu.dimension_semantics<arbitrary>], iteration_bounds = array<i64: 1>, scalar_prefetch = 0 : i64, scratch_operands = 0 : i64, tpu.core_type = #tpu.core_type<tc>, window_params = [{transform_indices = @transform_0, window_bounds = array<i64: 4, 512>}, {pipeline_mode = #tpu.pipeline_mode<synchronous>, transform_indices = @transform_1, window_bounds = array<i64: 1, 512>}, {pipeline_mode = #tpu.pipeline_mode<synchronous>, transform_indices = @transform_2, window_bounds = array<i64: 1, 512>}, {pipeline_mode = #tpu.pipeline_mode<synchronous>, transform_indices = @transform_3, window_bounds = array<i64: 1, 512>}, {pipeline_mode = #tpu.pipeline_mode<synchronous>, transform_indices = @transform_4, window_bounds = array<i64: 512, 256>}, {pipeline_mode = #tpu.pipeline_mode<synchronous>, transform_indices = @transform_5, window_bounds = array<i64: 1, 256>}, {transform_indices = @transform_6, window_bounds = array<i64: 4, 256>}, {pipeline_mode = #tpu.pipeline_mode<synchronous>, transform_indices = @transform_7, window_bounds = array<i64: 1, 256>}, {pipeline_mode = #tpu.pipeline_mode<synchronous>, transform_indices = @transform_8, window_bounds = array<i64: 1, 256>}]} {
    %get3A = arith.constant 0 : index
    %get3A_0 = arith.constant 0 : index
    %get3A_1 = vector.load %arg1[%get3A, %get3A_0] : memref<4x512xf32, #tpu.memory_space<vmem>>, vector<4x512xf32>
    %get3A_2 = arith.constant 0 : index
    %get3A_3 = arith.constant 0 : index
    %get3A_4 = vector.load %arg2[%get3A_2, %get3A_3] : memref<1x512xf32, #tpu.memory_space<vmem>>, vector<1x512xf32>
    %sub3A = vector.broadcast %get3A_4 : vector<1x512xf32> to vector<4x512xf32>
    %sub3A_5 = arith.subf %get3A_1, %sub3A : vector<4x512xf32>
    %get3A_6 = arith.constant 0 : index
    %get3A_7 = arith.constant 0 : index
    %get3A_8 = vector.load %arg3[%get3A_6, %get3A_7] : memref<1x512xf32, #tpu.memory_space<vmem>>, vector<1x512xf32>
    %mul3A = vector.broadcast %get3A_8 : vector<1x512xf32> to vector<4x512xf32>
    %mul3A_9 = arith.mulf %sub3A_5, %mul3A : vector<4x512xf32>
    %get3A_10 = arith.constant 0 : index
    %get3A_11 = arith.constant 0 : index
    %get3A_12 = vector.load %arg4[%get3A_10, %get3A_11] : memref<1x512xf32, #tpu.memory_space<vmem>>, vector<1x512xf32>
    %add3A = vector.broadcast %get3A_12 : vector<1x512xf32> to vector<4x512xf32>
    %add3A_13 = arith.addf %mul3A_9, %add3A : vector<4x512xf32>
    %max3A = arith.constant 0.000000e+00 : f32
    %max3A_14 = vector.broadcast %max3A : f32 to vector<4x512xf32>
    %max3A_15 = arith.maximumf %add3A_13, %max3A_14 : vector<4x512xf32>
    %get3A_16 = arith.constant 0 : index
    %get3A_17 = arith.constant 0 : index
    %get3A_18 = vector.load %arg5[%get3A_16, %get3A_17] : memref<512x256xf32, #tpu.memory_space<vmem>>, vector<512x256xf32>
    %dot_general3A = arith.constant dense<0.000000e+00> : vector<4x256xf32>
    %dot_general3A_19 = tpu.matmul %max3A_15, %get3A_18, %dot_general3A {dimension_numbers = #tpu.dot_dimension_numbers<[1], [0], [0], [1], [0, 0, 1, 1], [], []>, transpose_lhs_hint = false} : vector<4x512xf32>, vector<512x256xf32>, vector<4x256xf32> -> vector<4x256xf32>
    %get3A_20 = arith.constant 0 : index
    %get3A_21 = arith.constant 0 : index
    %get3A_22 = vector.load %arg6[%get3A_20, %get3A_21] : memref<1x256xf32, #tpu.memory_space<vmem>>, vector<1x256xf32>
    %add3A_23 = vector.broadcast %get3A_22 : vector<1x256xf32> to vector<4x256xf32>
    %add3A_24 = arith.addf %dot_general3A_19, %add3A_23 : vector<4x256xf32>
    %swap3A = arith.constant 0 : index
    %swap3A_25 = arith.constant 0 : index
    %swap3A_26 = vector.load %arg7[%swap3A, %swap3A_25] : memref<4x256xf32, #tpu.memory_space<vmem>>, vector<4x256xf32>
    tpu.vector_store %arg7[%swap3A, %swap3A_25], %add3A_24 {strides = array<i32>} : memref<4x256xf32, #tpu.memory_space<vmem>>, vector<4x256xf32>,
    %reduce_sum3A = arith.constant dense<0.000000e+00> : vector<256xf32>
    %reduce_sum3A_27 = vector.multi_reduction <add>, %add3A_24, %reduce_sum3A [0] : vector<4x256xf32> to vector<256xf32>
    %broadcast_in_dim3A = vector.shape_cast %reduce_sum3A_27 : vector<256xf32> to vector<1x256xf32>
    %div3A = arith.constant 4.000000e+00 : f32
    %div3A_28 = vector.broadcast %div3A : f32 to vector<1x256xf32>
    %div3A_29 = arith.divf %broadcast_in_dim3A, %div3A_28 : vector<1x256xf32>
    %sub3A_30 = vector.broadcast %div3A_29 : vector<1x256xf32> to vector<4x256xf32>
    %sub3A_31 = arith.subf %add3A_24, %sub3A_30 : vector<4x256xf32>
    %integer_pow3A = arith.mulf %sub3A_31, %sub3A_31 : vector<4x256xf32>
    %reduce_sum3A_32 = arith.constant dense<0.000000e+00> : vector<256xf32>
    %reduce_sum3A_33 = vector.multi_reduction <add>, %integer_pow3A, %reduce_sum3A_32 [0] : vector<4x256xf32> to vector<256xf32>
    %broadcast_in_dim3A_34 = vector.shape_cast %reduce_sum3A_33 : vector<256xf32> to vector<1x256xf32>
    %eq3A = arith.constant 0 : i32
    %eq3A_35 = arith.cmpi eq, %arg0, %eq3A : i32
    %convert_element_type3A = arith.extui %eq3A_35 : i1 to i32
    %cond3A = arith.constant 0 : i32
    %cond3A_36 = arith.cmpi ne, %convert_element_type3A, %cond3A : i32
    scf.if %cond3A_36 {
      %swap3A_41 = arith.constant 0 : index
      %swap3A_42 = arith.constant 0 : index
      %swap3A_43 = vector.load %arg8[%swap3A_41, %swap3A_42] : memref<1x256xf32, #tpu.memory_space<vmem>>, vector<1x256xf32>
      tpu.vector_store %arg8[%swap3A_41, %swap3A_42], %div3A_29 {strides = array<i32>} : memref<1x256xf32, #tpu.memory_space<vmem>>, vector<1x256xf32>,
      %swap3A_44 = arith.constant 0 : index
      %swap3A_45 = arith.constant 0 : index
      %swap3A_46 = vector.load %arg9[%swap3A_44, %swap3A_45] : memref<1x256xf32, #tpu.memory_space<vmem>>, vector<1x256xf32>
      tpu.vector_store %arg9[%swap3A_44, %swap3A_45], %broadcast_in_dim3A_34 {strides = array<i32>} : memref<1x256xf32, #tpu.memory_space<vmem>>, vector<1x256xf32>,
    } else {
    }
    %gt3A = arith.constant 0 : i32
    %gt3A_37 = arith.cmpi sgt, %arg0, %gt3A : i32
    %convert_element_type3A_38 = arith.extui %gt3A_37 : i1 to i32
    %cond3A_39 = arith.constant 0 : i32
    %cond3A_40 = arith.cmpi ne, %convert_element_type3A_38, %cond3A_39 : i32
    scf.if %cond3A_40 {
      %mul3A_41 = arith.constant 4 : i32
      %mul3A_42 = arith.muli %arg0, %mul3A_41 : i32
      %convert_element_type3A_43 = arith.sitofp %mul3A_42 : i32 to f32
      %add3A_44 = arith.constant 4.000000e+00 : f32
      %add3A_45 = arith.addf %convert_element_type3A_43, %add3A_44 : f32
      %get3A_46 = arith.constant 0 : index
      %get3A_47 = arith.constant 0 : index
      %get3A_48 = vector.load %arg8[%get3A_46, %get3A_47] : memref<1x256xf32, #tpu.memory_space<vmem>>, vector<1x256xf32>
      %sub3A_49 = arith.subf %div3A_29, %get3A_48 : vector<1x256xf32>
      %get3A_50 = arith.constant 0 : index
      %get3A_51 = arith.constant 0 : index
      %get3A_52 = vector.load %arg8[%get3A_50, %get3A_51] : memref<1x256xf32, #tpu.memory_space<vmem>>, vector<1x256xf32>
      %div3A_53 = arith.constant 4.000000e+00 : f32
      %div3A_54 = arith.divf %div3A_53, %add3A_45 : f32
      %mul3A_55 = vector.broadcast %div3A_54 : f32 to vector<1x256xf32>
      %mul3A_56 = arith.mulf %sub3A_49, %mul3A_55 : vector<1x256xf32>
      %add3A_57 = arith.addf %get3A_52, %mul3A_56 : vector<1x256xf32>
      %swap3A_58 = arith.constant 0 : index
      %swap3A_59 = arith.constant 0 : index
      %swap3A_60 = vector.load %arg8[%swap3A_58, %swap3A_59] : memref<1x256xf32, #tpu.memory_space<vmem>>, vector<1x256xf32>
      tpu.vector_store %arg8[%swap3A_58, %swap3A_59], %add3A_57 {strides = array<i32>} : memref<1x256xf32, #tpu.memory_space<vmem>>, vector<1x256xf32>,
      %get3A_61 = arith.constant 0 : index
      %get3A_62 = arith.constant 0 : index
      %get3A_63 = vector.load %arg9[%get3A_61, %get3A_62] : memref<1x256xf32, #tpu.memory_space<vmem>>, vector<1x256xf32>
      %mul3A_64 = arith.mulf %sub3A_49, %sub3A_49 : vector<1x256xf32>
      %mul3A_65 = arith.constant 4.000000e+00 : f32
      %mul3A_66 = arith.mulf %convert_element_type3A_43, %mul3A_65 : f32
      %div3A_67 = arith.divf %mul3A_66, %add3A_45 : f32
      %mul3A_68 = vector.broadcast %div3A_67 : f32 to vector<1x256xf32>
      %mul3A_69 = arith.mulf %mul3A_64, %mul3A_68 : vector<1x256xf32>
      %add3A_70 = arith.addf %broadcast_in_dim3A_34, %mul3A_69 : vector<1x256xf32>
      %add3A_71 = arith.addf %get3A_63, %add3A_70 : vector<1x256xf32>
      %swap3A_72 = arith.constant 0 : index
      %swap3A_73 = arith.constant 0 : index
      %swap3A_74 = vector.load %arg9[%swap3A_72, %swap3A_73] : memref<1x256xf32, #tpu.memory_space<vmem>>, vector<1x256xf32>
      tpu.vector_store %arg9[%swap3A_72, %swap3A_73], %add3A_71 {strides = array<i32>} : memref<1x256xf32, #tpu.memory_space<vmem>>, vector<1x256xf32>,
    } else {
    }
    return
  }
  func.func @transform_0(%arg0: i32) -> (i32, i32) {
    %c0_i32 = arith.constant 0 : i32
    %c0_i32_0 = arith.constant 0 : i32
    return %arg0, %c0_i32 : i32, i32
  }
  func.func @transform_1(%arg0: i32) -> (i32, i32) {
    %c0_i32 = arith.constant 0 : i32
    %c0_i32_0 = arith.constant 0 : i32
    %c0_i32_1 = arith.constant 0 : i32
    return %c0_i32, %c0_i32_0 : i32, i32
  }
  func.func @transform_2(%arg0: i32) -> (i32, i32) {
    %c0_i32 = arith.constant 0 : i32
    %c0_i32_0 = arith.constant 0 : i32
    %c0_i32_1 = arith.constant 0 : i32
    return %c0_i32, %c0_i32_0 : i32, i32
  }
  func.func @transform_3(%arg0: i32) -> (i32, i32) {
    %c0_i32 = arith.constant 0 : i32
    %c0_i32_0 = arith.constant 0 : i32
    %c0_i32_1 = arith.constant 0 : i32
    return %c0_i32, %c0_i32_0 : i32, i32
  }
  func.func @transform_4(%arg0: i32) -> (i32, i32) {
    %c0_i32 = arith.constant 0 : i32
    %c0_i32_0 = arith.constant 0 : i32
    %c0_i32_1 = arith.constant 0 : i32
    return %c0_i32, %c0_i32_0 : i32, i32
  }
  func.func @transform_5(%arg0: i32) -> (i32, i32) {
    %c0_i32 = arith.constant 0 : i32
    %c0_i32_0 = arith.constant 0 : i32
    %c0_i32_1 = arith.constant 0 : i32
    return %c0_i32, %c0_i32_0 : i32, i32
  }
  func.func @transform_6(%arg0: i32) -> (i32, i32) {
    %c0_i32 = arith.constant 0 : i32
    %c0_i32_0 = arith.constant 0 : i32
    return %arg0, %c0_i32 : i32, i32
  }
  func.func @transform_7(%arg0: i32) -> (i32, i32) {
    %c0_i32 = arith.constant 0 : i32
    %c0_i32_0 = arith.constant 0 : i32
    %c0_i32_1 = arith.constant 0 : i32
    return %c0_i32, %c0_i32_0 : i32, i32
  }
  func.func @transform_8(%arg0: i32) -> (i32, i32) {
    %c0_i32 = arith.constant 0 : i32
    %c0_i32_0 = arith.constant 0 : i32
    %c0_i32_1 = arith.constant 0 : i32
    return %c0_i32, %c0_i32_0 : i32, i32
  }
}

module attributes {stable_mosaic.version = 14 : i64} {
  func.func @kfn(%arg0: i32, %arg1: memref<4x256xf32, #tpu.memory_space<vmem>>, %arg2: memref<1x256xf32, #tpu.memory_space<vmem>>, %arg3: memref<1x256xf32, #tpu.memory_space<vmem>>, %arg4: memref<1x256xf32, #tpu.memory_space<vmem>>, %arg5: memref<256x13xf32, #tpu.memory_space<vmem>>, %arg6: memref<1x13xf32, #tpu.memory_space<vmem>>, %arg7: memref<4x13xf32, #tpu.memory_space<vmem>>, %arg8: memref<1x13xf32, #tpu.memory_space<vmem>>, %arg9: memref<1x13xf32, #tpu.memory_space<vmem>>) attributes {dimension_semantics = [#tpu.dimension_semantics<arbitrary>], iteration_bounds = array<i64: 1>, scalar_prefetch = 0 : i64, scratch_operands = 0 : i64, tpu.core_type = #tpu.core_type<tc>, window_params = [{transform_indices = @transform_0, window_bounds = array<i64: 4, 256>}, {pipeline_mode = #tpu.pipeline_mode<synchronous>, transform_indices = @transform_1, window_bounds = array<i64: 1, 256>}, {pipeline_mode = #tpu.pipeline_mode<synchronous>, transform_indices = @transform_2, window_bounds = array<i64: 1, 256>}, {pipeline_mode = #tpu.pipeline_mode<synchronous>, transform_indices = @transform_3, window_bounds = array<i64: 1, 256>}, {pipeline_mode = #tpu.pipeline_mode<synchronous>, transform_indices = @transform_4, window_bounds = array<i64: 256, 13>}, {pipeline_mode = #tpu.pipeline_mode<synchronous>, transform_indices = @transform_5, window_bounds = array<i64: 1, 13>}, {transform_indices = @transform_6, window_bounds = array<i64: 4, 13>}, {pipeline_mode = #tpu.pipeline_mode<synchronous>, transform_indices = @transform_7, window_bounds = array<i64: 1, 13>}, {pipeline_mode = #tpu.pipeline_mode<synchronous>, transform_indices = @transform_8, window_bounds = array<i64: 1, 13>}]} {
    %get3A = arith.constant 0 : index
    %get3A_0 = arith.constant 0 : index
    %get3A_1 = vector.load %arg1[%get3A, %get3A_0] : memref<4x256xf32, #tpu.memory_space<vmem>>, vector<4x256xf32>
    %get3A_2 = arith.constant 0 : index
    %get3A_3 = arith.constant 0 : index
    %get3A_4 = vector.load %arg2[%get3A_2, %get3A_3] : memref<1x256xf32, #tpu.memory_space<vmem>>, vector<1x256xf32>
    %sub3A = vector.broadcast %get3A_4 : vector<1x256xf32> to vector<4x256xf32>
    %sub3A_5 = arith.subf %get3A_1, %sub3A : vector<4x256xf32>
    %get3A_6 = arith.constant 0 : index
    %get3A_7 = arith.constant 0 : index
    %get3A_8 = vector.load %arg3[%get3A_6, %get3A_7] : memref<1x256xf32, #tpu.memory_space<vmem>>, vector<1x256xf32>
    %mul3A = vector.broadcast %get3A_8 : vector<1x256xf32> to vector<4x256xf32>
    %mul3A_9 = arith.mulf %sub3A_5, %mul3A : vector<4x256xf32>
    %get3A_10 = arith.constant 0 : index
    %get3A_11 = arith.constant 0 : index
    %get3A_12 = vector.load %arg4[%get3A_10, %get3A_11] : memref<1x256xf32, #tpu.memory_space<vmem>>, vector<1x256xf32>
    %add3A = vector.broadcast %get3A_12 : vector<1x256xf32> to vector<4x256xf32>
    %add3A_13 = arith.addf %mul3A_9, %add3A : vector<4x256xf32>
    %max3A = arith.constant 0.000000e+00 : f32
    %max3A_14 = vector.broadcast %max3A : f32 to vector<4x256xf32>
    %max3A_15 = arith.maximumf %add3A_13, %max3A_14 : vector<4x256xf32>
    %get3A_16 = arith.constant 0 : index
    %get3A_17 = arith.constant 0 : index
    %get3A_18 = vector.load %arg5[%get3A_16, %get3A_17] : memref<256x13xf32, #tpu.memory_space<vmem>>, vector<256x13xf32>
    %dot_general3A = arith.constant dense<0.000000e+00> : vector<4x13xf32>
    %dot_general3A_19 = tpu.matmul %max3A_15, %get3A_18, %dot_general3A {dimension_numbers = #tpu.dot_dimension_numbers<[1], [0], [0], [1], [0, 0, 1, 1], [], []>, transpose_lhs_hint = false} : vector<4x256xf32>, vector<256x13xf32>, vector<4x13xf32> -> vector<4x13xf32>
    %get3A_20 = arith.constant 0 : index
    %get3A_21 = arith.constant 0 : index
    %get3A_22 = vector.load %arg6[%get3A_20, %get3A_21] : memref<1x13xf32, #tpu.memory_space<vmem>>, vector<1x13xf32>
    %add3A_23 = vector.broadcast %get3A_22 : vector<1x13xf32> to vector<4x13xf32>
    %add3A_24 = arith.addf %dot_general3A_19, %add3A_23 : vector<4x13xf32>
    %swap3A = arith.constant 0 : index
    %swap3A_25 = arith.constant 0 : index
    %swap3A_26 = vector.load %arg7[%swap3A, %swap3A_25] : memref<4x13xf32, #tpu.memory_space<vmem>>, vector<4x13xf32>
    tpu.vector_store %arg7[%swap3A, %swap3A_25], %add3A_24 {strides = array<i32>} : memref<4x13xf32, #tpu.memory_space<vmem>>, vector<4x13xf32>,
    %reduce_sum3A = arith.constant dense<0.000000e+00> : vector<13xf32>
    %reduce_sum3A_27 = vector.multi_reduction <add>, %add3A_24, %reduce_sum3A [0] : vector<4x13xf32> to vector<13xf32>
    %broadcast_in_dim3A = vector.shape_cast %reduce_sum3A_27 : vector<13xf32> to vector<1x13xf32>
    %div3A = arith.constant 4.000000e+00 : f32
    %div3A_28 = vector.broadcast %div3A : f32 to vector<1x13xf32>
    %div3A_29 = arith.divf %broadcast_in_dim3A, %div3A_28 : vector<1x13xf32>
    %sub3A_30 = vector.broadcast %div3A_29 : vector<1x13xf32> to vector<4x13xf32>
    %sub3A_31 = arith.subf %add3A_24, %sub3A_30 : vector<4x13xf32>
    %integer_pow3A = arith.mulf %sub3A_31, %sub3A_31 : vector<4x13xf32>
    %reduce_sum3A_32 = arith.constant dense<0.000000e+00> : vector<13xf32>
    %reduce_sum3A_33 = vector.multi_reduction <add>, %integer_pow3A, %reduce_sum3A_32 [0] : vector<4x13xf32> to vector<13xf32>
    %broadcast_in_dim3A_34 = vector.shape_cast %reduce_sum3A_33 : vector<13xf32> to vector<1x13xf32>
    %eq3A = arith.constant 0 : i32
    %eq3A_35 = arith.cmpi eq, %arg0, %eq3A : i32
    %convert_element_type3A = arith.extui %eq3A_35 : i1 to i32
    %cond3A = arith.constant 0 : i32
    %cond3A_36 = arith.cmpi ne, %convert_element_type3A, %cond3A : i32
    scf.if %cond3A_36 {
      %swap3A_41 = arith.constant 0 : index
      %swap3A_42 = arith.constant 0 : index
      %swap3A_43 = vector.load %arg8[%swap3A_41, %swap3A_42] : memref<1x13xf32, #tpu.memory_space<vmem>>, vector<1x13xf32>
      tpu.vector_store %arg8[%swap3A_41, %swap3A_42], %div3A_29 {strides = array<i32>} : memref<1x13xf32, #tpu.memory_space<vmem>>, vector<1x13xf32>,
      %swap3A_44 = arith.constant 0 : index
      %swap3A_45 = arith.constant 0 : index
      %swap3A_46 = vector.load %arg9[%swap3A_44, %swap3A_45] : memref<1x13xf32, #tpu.memory_space<vmem>>, vector<1x13xf32>
      tpu.vector_store %arg9[%swap3A_44, %swap3A_45], %broadcast_in_dim3A_34 {strides = array<i32>} : memref<1x13xf32, #tpu.memory_space<vmem>>, vector<1x13xf32>,
    } else {
    }
    %gt3A = arith.constant 0 : i32
    %gt3A_37 = arith.cmpi sgt, %arg0, %gt3A : i32
    %convert_element_type3A_38 = arith.extui %gt3A_37 : i1 to i32
    %cond3A_39 = arith.constant 0 : i32
    %cond3A_40 = arith.cmpi ne, %convert_element_type3A_38, %cond3A_39 : i32
    scf.if %cond3A_40 {
      %mul3A_41 = arith.constant 4 : i32
      %mul3A_42 = arith.muli %arg0, %mul3A_41 : i32
      %convert_element_type3A_43 = arith.sitofp %mul3A_42 : i32 to f32
      %add3A_44 = arith.constant 4.000000e+00 : f32
      %add3A_45 = arith.addf %convert_element_type3A_43, %add3A_44 : f32
      %get3A_46 = arith.constant 0 : index
      %get3A_47 = arith.constant 0 : index
      %get3A_48 = vector.load %arg8[%get3A_46, %get3A_47] : memref<1x13xf32, #tpu.memory_space<vmem>>, vector<1x13xf32>
      %sub3A_49 = arith.subf %div3A_29, %get3A_48 : vector<1x13xf32>
      %get3A_50 = arith.constant 0 : index
      %get3A_51 = arith.constant 0 : index
      %get3A_52 = vector.load %arg8[%get3A_50, %get3A_51] : memref<1x13xf32, #tpu.memory_space<vmem>>, vector<1x13xf32>
      %div3A_53 = arith.constant 4.000000e+00 : f32
      %div3A_54 = arith.divf %div3A_53, %add3A_45 : f32
      %mul3A_55 = vector.broadcast %div3A_54 : f32 to vector<1x13xf32>
      %mul3A_56 = arith.mulf %sub3A_49, %mul3A_55 : vector<1x13xf32>
      %add3A_57 = arith.addf %get3A_52, %mul3A_56 : vector<1x13xf32>
      %swap3A_58 = arith.constant 0 : index
      %swap3A_59 = arith.constant 0 : index
      %swap3A_60 = vector.load %arg8[%swap3A_58, %swap3A_59] : memref<1x13xf32, #tpu.memory_space<vmem>>, vector<1x13xf32>
      tpu.vector_store %arg8[%swap3A_58, %swap3A_59], %add3A_57 {strides = array<i32>} : memref<1x13xf32, #tpu.memory_space<vmem>>, vector<1x13xf32>,
      %get3A_61 = arith.constant 0 : index
      %get3A_62 = arith.constant 0 : index
      %get3A_63 = vector.load %arg9[%get3A_61, %get3A_62] : memref<1x13xf32, #tpu.memory_space<vmem>>, vector<1x13xf32>
      %mul3A_64 = arith.mulf %sub3A_49, %sub3A_49 : vector<1x13xf32>
      %mul3A_65 = arith.constant 4.000000e+00 : f32
      %mul3A_66 = arith.mulf %convert_element_type3A_43, %mul3A_65 : f32
      %div3A_67 = arith.divf %mul3A_66, %add3A_45 : f32
      %mul3A_68 = vector.broadcast %div3A_67 : f32 to vector<1x13xf32>
      %mul3A_69 = arith.mulf %mul3A_64, %mul3A_68 : vector<1x13xf32>
      %add3A_70 = arith.addf %broadcast_in_dim3A_34, %mul3A_69 : vector<1x13xf32>
      %add3A_71 = arith.addf %get3A_63, %add3A_70 : vector<1x13xf32>
      %swap3A_72 = arith.constant 0 : index
      %swap3A_73 = arith.constant 0 : index
      %swap3A_74 = vector.load %arg9[%swap3A_72, %swap3A_73] : memref<1x13xf32, #tpu.memory_space<vmem>>, vector<1x13xf32>
      tpu.vector_store %arg9[%swap3A_72, %swap3A_73], %add3A_71 {strides = array<i32>} : memref<1x13xf32, #tpu.memory_space<vmem>>, vector<1x13xf32>,
    } else {
    }
    return
  }
  func.func @transform_0(%arg0: i32) -> (i32, i32) {
    %c0_i32 = arith.constant 0 : i32
    %c0_i32_0 = arith.constant 0 : i32
    return %arg0, %c0_i32 : i32, i32
  }
  func.func @transform_1(%arg0: i32) -> (i32, i32) {
    %c0_i32 = arith.constant 0 : i32
    %c0_i32_0 = arith.constant 0 : i32
    %c0_i32_1 = arith.constant 0 : i32
    return %c0_i32, %c0_i32_0 : i32, i32
  }
  func.func @transform_2(%arg0: i32) -> (i32, i32) {
    %c0_i32 = arith.constant 0 : i32
    %c0_i32_0 = arith.constant 0 : i32
    %c0_i32_1 = arith.constant 0 : i32
    return %c0_i32, %c0_i32_0 : i32, i32
  }
  func.func @transform_3(%arg0: i32) -> (i32, i32) {
    %c0_i32 = arith.constant 0 : i32
    %c0_i32_0 = arith.constant 0 : i32
    %c0_i32_1 = arith.constant 0 : i32
    return %c0_i32, %c0_i32_0 : i32, i32
  }
  func.func @transform_4(%arg0: i32) -> (i32, i32) {
    %c0_i32 = arith.constant 0 : i32
    %c0_i32_0 = arith.constant 0 : i32
    %c0_i32_1 = arith.constant 0 : i32
    return %c0_i32, %c0_i32_0 : i32, i32
  }
  func.func @transform_5(%arg0: i32) -> (i32, i32) {
    %c0_i32 = arith.constant 0 : i32
    %c0_i32_0 = arith.constant 0 : i32
    %c0_i32_1 = arith.constant 0 : i32
    return %c0_i32, %c0_i32_0 : i32, i32
  }
  func.func @transform_6(%arg0: i32) -> (i32, i32) {
    %c0_i32 = arith.constant 0 : i32
    %c0_i32_0 = arith.constant 0 : i32
    return %arg0, %c0_i32 : i32, i32
  }
  func.func @transform_7(%arg0: i32) -> (i32, i32) {
    %c0_i32 = arith.constant 0 : i32
    %c0_i32_0 = arith.constant 0 : i32
    %c0_i32_1 = arith.constant 0 : i32
    return %c0_i32, %c0_i32_0 : i32, i32
  }
  func.func @transform_8(%arg0: i32) -> (i32, i32) {
    %c0_i32 = arith.constant 0 : i32
    %c0_i32_0 = arith.constant 0 : i32
    %c0_i32_1 = arith.constant 0 : i32
    return %c0_i32, %c0_i32_0 : i32, i32
  }
}

</mosaic_0001>

<sc_bundles>
// kernel: gather_offload_async_start.1
scs
__scs_entry_jumppad:
0x0: {  	(pc) =	sbr.rel $0x88, $3  }
0x1: {  	(tag) =	ssettag $0x0;
	lr =	simm.s32 $0x1  }
0x2: {  	[smem:$0x3F74] =	sst lr;
	_ =	strace $0xD0000000  }
0x3: {  	_ = 	snop  }
0x4: {  	_ = 	snop  }
0x5: {  	_ = 	snop  }
0x6: {  	_ = 	snop  }
0x7: {  	_ = 	snop  }
__scs_overlays_trampoline_lowered:
0x8: {  	[smem:$0x3F83] =	sst s0  }
0x9: {  	[smem:$0x3F84] =	sst s1  }
0xa: {  	[smem:$0x3F85] =	sst s2  }
0xb: {  	[smem:$0x3F86] =	sst s3  }
0xc: {  	[smem:$0x3F87] =	sst s4  }
0xd: {  	[smem:$0x3F88] =	sst s5  }
0xe: {  	[smem:$0x3F89] =	sst s6  }
0xf: {  	[smem:$0x3F8A] =	sst s7  }
0x10: {  	[smem:$0x3F8B] =	sst s8  }
0x11: {  	[smem:$0x3F8C] =	sst s9;
	s0 =	simm.s32 @!p0 $0x0  }
0x12: {  	s1 =	sld [smem:$0x3F72];
	s0 =	simm.s32 @p0 $0x1  }
0x13: {  	[smem:$0x3F8D] =	sst s0;
	s0 =	simm.s32 @!p1 $0x0  }
0x14: {  	s2 =	sld [smem:$0x3F71];
	s0 =	simm.s32 @p1 $0x1  }
0x15: {  	[smem:$0x3F8E] =	sst s0;
	s0 =	simm.s32 @!p2 $0x0  }
0x16: {  	s3 =	sld [smem:$0x3FDB];
	s0 =	simm.s32 @p2 $0x1  }
0x17: {  	s4 =	simm.s32 $0x1BF5;
	[smem:$0x3F90] =	sst s0  }
0x18: {  	s0 =	sld [smem:$0x3F73];
	_ =	swait.ge [sflag:s4], $0x0  }
0x19: {  	s7 =	sld [smem:$0x3F74]  }
0x1a: {  	s8 =	sadd.s32 $0xFFFFE003, lr  }
0x1b: {  	s9 =	sadd.s32 $0xFFFFFEF7, lr;
	s5 =	simm.s32 $0xFFFFFFFF;
	p2 =	slt.u32 s8, $0xFFFFF086  }
0x1c: {  	p1 =	slt.u32 s9, $0xF7A;
	s5 =	simm.s32 @!p2 $0x0  }
0x1d: {  	s5 =	simm.s32 @p1 $0x1;
	p0 =	seq.s32 s7, s2  }
0x1e: {  	s7 =	smul.u32 @!p0 $0xF7A, s2;
	p2 =	seq.s32 @!p0 s5, $0x0  }
0x1f: {  	s9 =	smul.u32 $0xF7A, s1;
	s8 =	simm.s32 @!p0 $0x1BF5;
	p2 =	por !p2, p0  }
0x20: {  	[sflag:s8] =	ssyncset.s32 @!p0 $0xFFFFF086;
	s6 =	sadd.s32 @!p0 s3, s7;
	s7 =	simm.s32 @!p0 $0x108  }
0x21: {  	s3 =	sadd.s32 s3, s9;
	s6 =	sadd.s32 @!p0 $0x88, s6;
	s7 =	simm.s32 @p2 $0x1082  }
0x22: {  	[simem:s7], [sflag:s8] =	dma.local @!p0 [hbm:s6], $0xF7A  }
0x23: {  	s9 =	sor.u32 $0xD0000000, s2;
	s6 =	simm.s32 $0x108;
	_ =	swait.ge @!p0 [sflag:s8], $0x0  }
0x24: {  	s3 =	sadd.s32 $0x88, s3;
	s6 =	simm.s32 @!p1 $0x1082;
	[sflag:s4] =	ssyncset.s32 $0xFFFFF086  }
0x25: {  	[simem:s6], [sflag:s4] =	dma.local [hbm:s3], $0xF7A  }
0x26: {  	[smem:$0x3F74] =	sst s1;
	(tag) =	ssettag s2;
	_ =	strace s9  }
0x27: {  	s1 =	sld [smem:$0x3F84]  }
0x28: {  	s2 =	sld [smem:$0x3F85]  }
0x29: {  	s4 =	sld [smem:$0x3F87]  }
0x2a: {  	p0 =	seq.s32 s5, $0x0;
	s5 =	sld [smem:$0x3F88]  }
0x2b: {  	s6 =	sld [smem:$0x3F89]  }
0x2c: {  	s7 =	sld [smem:$0x3F8A]  }
0x2d: {  	s3 =	simm.s32 $0x108;
	s8 =	sld [smem:$0x3F8B]  }
0x2e: {  	s3 =	simm.s32 @!p0 $0x1082;
	s9 =	sld [smem:$0x3F8C]  }
0x2f: {  	lr =	sadd.s32 s0, s3;
	s0 =	sld [smem:$0x3F83]  }
0x30: {  	s3 =	sld [smem:$0x3F86]  }
0x31: {  	[smem:$0x3F8F] =	sst s10  }
0x32: {  	s10 =	sld [smem:$0x3F8D];
	_ =	sdelay $0x3  }
0x33: {  	p0 =	seq.s32 s10, $0x1;
	s10 =	sld [smem:$0x3F8F];
	_ =	sdelay $0x3  }
0x34: {  	[smem:$0x3F8F] =	sst s10  }
0x35: {  	s10 =	sld [smem:$0x3F8E];
	_ =	sdelay $0x3  }
0x36: {  	p1 =	seq.s32 s10, $0x1;
	s10 =	sld [smem:$0x3F8F];
	_ =	sdelay $0x3  }
0x37: {  	[smem:$0x3F8F] =	sst s10  }
0x38: {  	s10 =	sld [smem:$0x3F90]  }
0x39: {  	_ = 	snop;
	(pc) =	sbr.ind lr, $3  }
0x3a: {  	_ = 	snop  }
0x3b: {  	_ = 	snop  }
0x3c: {  	p2 =	seq.s32 s10, $0x1;
	s10 =	sld [smem:$0x3F8F]  }
0x3d: {  	_ =	shalt  }
0x3e: {  	_ =	shalt  }
0x3f: {  	_ =	shalt  }
0x40: {  	_ =	shalt  }
0x41: {  	_ =	shalt  }
0x42: {  	_ =	shalt  }
0x43: {  	_ =	shalt  }
0x44: {  	_ =	shalt  }
0x45: {  	_ =	shalt  }
0x46: {  	_ =	shalt  }
0x47: {  	_ =	shalt  }
0x48: {  	_ =	shalt  }
0x49: {  	_ =	shalt  }
0x4a: {  	_ =	shalt  }
0x4b: {  	_ =	shalt  }
0x4c: {  	_ =	shalt  }
0x4d: {  	_ =	shalt  }
0x4e: {  	_ =	shalt  }
0x4f: {  	_ =	shalt  }
0x50: {  	_ =	shalt  }
0x51: {  	_ =	shalt  }
0x52: {  	_ =	shalt  }
0x53: {  	_ =	shalt  }
0x54: {  	_ =	shalt  }
0x55: {  	_ =	shalt  }
0x56: {  	_ =	shalt  }
0x57: {  	_ =	shalt  }
0x58: {  	_ =	shalt  }
0x59: {  	_ =	shalt  }
0x5a: {  	_ =	shalt  }
0x5b: {  	_ =	shalt  }
0x5c: {  	_ =	shalt  }
0x5d: {  	_ =	shalt  }
0x5e: {  	_ =	shalt  }
0x5f: {  	_ =	shalt  }
0x60: {  	_ =	shalt  }
0x61: {  	_ =	shalt  }
0x62: {  	_ =	shalt  }
0x63: {  	_ =	shalt  }
0x64: {  	_ =	shalt  }
0x65: {  	_ =	shalt  }
0x66: {  	_ =	shalt  }
0x67: {  	_ =	shalt  }
0x68: {  	_ =	shalt  }
0x69: {  	_ =	shalt  }
0x6a: {  	_ =	shalt  }
0x6b: {  	_ =	shalt  }
0x6c: {  	_ =	shalt  }
0x6d: {  	_ =	shalt  }
0x6e: {  	_ =	shalt  }
0x6f: {  	_ =	shalt  }
0x70: {  	_ =	shalt  }
0x71: {  	_ =	shalt  }
0x72: {  	_ =	shalt  }
0x73: {  	_ =	shalt  }
0x74: {  	_ =	shalt  }
0x75: {  	_ =	shalt  }
0x76: {  	_ =	shalt  }
0x77: {  	_ =	shalt  }
0x78: {  	_ =	shalt  }
0x79: {  	_ =	shalt  }
0x7a: {  	_ =	shalt  }
0x7b: {  	_ =	shalt  }
0x7c: {  	_ =	shalt  }
0x7d: {  	_ =	shalt  }
0x7e: {  	_ =	shalt  }
0x7f: {  	_ =	shalt  }
0x80: {  	_ =	shalt  }
0x81: {  	_ =	shalt  }
0x82: {  	_ =	shalt  }
0x83: {  	_ =	shalt  }
0x84: {  	_ =	shalt  }
0x85: {  	_ =	shalt  }
0x86: {  	_ =	shalt  }
0x87: {  	_ =	shalt  }
.Lfunc_end0:
.L_simem_size_0:
called_computation.2_lowered:
.L_overlay_start_0:
0x88: {  	s2 =	sld [smem:$0x3FD9]  }
0x89: {  	s3 =	sld [smem:$0x3FFE];
	_ =	sdelay $0x1  }
0x8a: {  	s1 =	srdreg.scid  }
0x8b: {  	s0 =	sand.u32 $0x1, s1  }
0x8c: {  	s16 =	sshll.u32 s0, $0xA;
	s2 =	sadd.s32 s3, s2  }
0x8d: {  	s2 =	sadd.s32 s2, s16  }
0x8e: {  	[smem:$0x3F9B] =	sst s2  }
0x8f: {  	_ = 	snop  }
0x90: {  	(tm) =	ssettm $0x1  }
0x91: {  	s17 =	sld [smem:$0x3FFB];
	_ =	sdelay $0x3  }
0x92: {  	_ =	strace s17  }
0x93: {  	s2 =	sld [smem:$0x3FFC];
	_ =	sdelay $0x3  }
0x94: {  	_ =	strace s2  }
0x95: {  	s2 =	sld [smem:$0x3FFD];
	_ =	sdelay $0x3  }
0x96: {  	_ =	strace s2  }
0x97: {  	_ =	strace $0x8FFFFFFF  }
0x98: {  	s18 =	sld [smem:$0x3FDB];
	_ =	sdelay $0x1  }
0x99: {  	s19 =	simm.s32 $_scs_section_size  }
0x9a: {  	s4 =	simm.s32 $_size__tile_overlayer_lowered;
	s5 =	simm.s32 $_tile_overlayer_lowered  }
0x9b: {  	s22 =	simm.s32 $0x1BFF;
	s21 =	sshll.u32 s5, $0x1;
	s2 =	sadd.s32 s19, s18  }
0x9c: {  	s6 =	simm.s32 $0x0;
	s20 =	sshll.u32 s4, $0x1;
	s4 =	sadd.s32 s21, s2  }
0x9d: {  	[timem:s6], [sflag:s22] =	dma.local [hbm:s4], s20  }
0x9e: {  	_ =	swait.ge [sflag:s22], s20  }
0x9f: {  	s3 =	ssub.s32 $0x0, s20;
	[sflag:s22] =	ssyncset.done $0x0  }
0xa0: {  	[sflag:s22] =	ssyncadd.s32 s3;
	_ =	sdelay $0x1  }
0xa1: {  	s23 =	simm.s32 $0x1B8B  }
0xa2: {  	_ =	swait.ge [sflag:s23], $0x1  }
0xa3: {  	[sflag:s23] =	ssyncset.done $0x0  }
0xa4: {  	s25 =	simm.s32 $0x1B8E;
	s24 =	sld [smem:$0x3FFE];
	[sflag:s23] =	ssyncadd.s32 $0xFFFFFFFF  }
0xa5: {  	s26 =	simm.s32 $execute0_lowered;
	[smem:$0x3FD2] =	sst s25  }
0xa6: {  	s4 =	sshll.u32 s26, $0x1;
	_ =	strace $0x80000049;
	[dreg:$0x1] =	wrdreg $0xFFFFFFFF  }
0xa7: {  	s28 =	simm.s32 $_size_execute0_lowered;
	s2 =	sadd.s32 s2, s4;
	[dreg:$0x0] =	wrdreg $0x0  }
0xa8: {  	s4 =	sshll.u32 s28, $0x1;
	[dreg:$0x2] =	wrdreg s2  }
0xa9: {  	[dreg:$0x3] =	wrdreg s4  }
0xaa: {  	[dreg:$0x4] =	wrdreg $0xC0  }
0xab: {  	_ =	task [dreg:s6], $0x5FFFF  }
0xac: {  	[dreg:$0x1] =	wrdreg $0xFFFFFFFF  }
0xad: {  	[dreg:$0x0] =	wrdreg $0x60  }
0xae: {  	[dreg:$0x2] =	wrdreg s24  }
0xaf: {  	[dreg:$0x3] =	wrdreg $0xA  }
0xb0: {  	_ =	task.clear_ibuf [dreg:s6], $0x4FFFF;
	_ =	strace $0x90000049  }
0xb1: {  	s29 =	simm.s32 $0xA;
	_ =	strace $0x8000004B  }
0xb2: {  	_ =	swait.ge [sflag:s29], $0x1  }
0xb3: {  	[sflag:s29] =	ssyncadd.s32 $0xFFFFFFFF  }
0xb4: {  	_ =	strace $0x9000004B  }
0xb5: {  	_ =	sfence  }
0xb6: {  	s30 =	sld [smem:$0x0];
	_ =	sdelay $0x2  }
0xb7: {  	s31 =	sshll.u32 s1, $0xD;
	s1 =	sshrl.u32 s1, $0x2  }
0xb8: {  	s3 =	sand.u32 $0x4000, s31;
	s1 =	sadd.s32 s1, s30  }
0xb9: {  	s0 =	sor.u32 s3, s0;
	s1 =	sshll.u32 s1, $0x11  }
0xba: {  	s0 =	sor.u32 s1, s0  }
0xbb: {  	s0 =	sadd.s32 $0x8F2B, s0  }
0xbc: {  	[sflag:s0] =	ssyncadd.remote.s32 $0x1  }
0xbd: {  	_ =	sfence.sel $0xFFFF  }
0xbe: {  	[dreg:$0x0] =	wrdreg $0xFFFFFFFF;
	(pc) =	sbr.abs _section_cstart, $3  }
0xbf: {  	[dreg:$0x1] =	wrdreg $0xFFFFFFFF  }
0xc0: {  	_ =	task.clear_ibuf [dreg:s6], $0x2FFFF;
	_ =	strace $0x9FFFFFFF  }
0xc1: {  	(tm) =	ssettm $0x7FFFFFFF  }
tec
execute0_lowered:
.L_overlay_start_1:
0x0: {  	(tag) =	ssettag $0x1  }
0x1: {  	s7 =	rddreg [dreg:$0x0]  }
0x2: {  	s0 =	rddreg [dreg:$0x1];
	_ =	strace $0x8000004A  }
0x3: {  	s1 =	srdreg.scid;
	s4 =	simm.s32 $0x1;
	s9 =	simm.s32 $0x3  }
0x4: {  	s12 =	simm.s32 $0x0;
	s10 =	simm.s32 $0x0;
	s5 =	sshll.u32 s1, $0x4  }
.Ltmp0:
0x5: {  	s1 =	stileid.u32;
	s5 =	sand.u32 $0x10, s5;
	(pc) =	sbr.rel .LBB2_1-.Ltmp0, $4  }
0x6: {  	s2 =	sadd.s32 $0x42400, s7;
	s3 =	sadd.s32 $0x63400, s7;
	s6 =	sor.u32 s1, s5  }
0x7: {  	[sflag:s4] =	ssyncpa.u1 $0x0;
	s5 =	simm.s32 $0x2;
	s6 =	sshll.u32 s6, $0x6  }
0x8: {  	s7 =	sadd.s32 $0x463600, s7;
	[sflag:s5] =	ssyncpa.u1 $0x0;
	s8 =	sadd.s32 $0x40, s6  }
0x9: {  	vm0 =	vmmov $0xff;
	vm1 =	vcmask $0x3F20;
	[sflag:s9] =	ssyncpa.u1 $0x0;
	s9 =	simm.s32 $0x40;
	s11 =	smov.u32 s6  }
.LBB2_9:
0xa: {  	p0 =	seq.s32 s10, $0x2  }
.Ltmp1:
0xb: {  	_ = 	snop;
	(pc) =	sbr.rel @p0 .LBB2_11-.Ltmp1, $1  }
0xc: {  	_ =	sdelay $0x3  }
.LBB2_10:
0xd: {  	s12 =	sadd.s32 $0x40, s11  }
0xe: {  	s13 =	smov.u32 s6;
	p0 =	slt.s32 s12, s8  }
0xf: {  	s13 =	smov.u32 @p0 s12  }
0x10: {  	s10 =	sadd.s32 $0x1, s10;
	s12 =	smov.u32 s11;
	s11 =	smov.u32 s13  }
.LBB2_1:
0x11: {  	p0 =	sne.s32 s10, $0x0  }
.Ltmp2:
0x12: {  	_ = 	snop;
	(pc) =	sbr.rel @!p0 .LBB2_2-.Ltmp2, $1  }
0x13: {  	_ =	sdelay $0x3  }
0x14: {  	s13 =	sand.u32 $0x1, s10  }
0x15: {  	p0 =	seq.s32 s13, $0x0  }
.Ltmp3:
0x16: {  	_ = 	snop;
	(pc) =	sbr.rel @p0 .LBB2_9-.Ltmp3, $1  }
0x17: {  	_ =	sdelay $0x3  }
0x18: {  	_ =	swait.ge [sflag:s5], $0x40  }
0x19: {  	[sflag:s5] =	ssyncset.done $0x0  }
0x1a: {  	s13 =	simm.s32 $0x0;
	[sflag:s5] =	ssyncadd.s32 $0xFFFFFFC0  }
0x1b: {  	v0 =	vld.msk [tilespmem:s13+$0x40 ss:$0x1], $0xffff;
	_ =	sdelay $0x4  }
0x1c: {  	v1 =	vshll.u32 v0, $0x5  }
0x1d: {  	vm2 =	veq.s32 v0, $0x80000000;
	v0 =	vshll.u32 v0, $0x12;
	v1 =	vand.u32 $0x3FF80, v1  }
0x1e: {  	v0 =	vand.u32 $0xC0000, v0;
	v1 =	vsel vm2, $0xFFFFFF80, v1  }
0x1f: {  	v0 =	vsel vm2, $0xFFFC0000, v0;
	v2 =	vand.u32 $0xFFFFFC00, v1  }
0x20: {  	v1 =	vand.u32 $0x380, v1;
	v0 =	vadd.s32 v0, v2  }
0x21: {  	v0 =	vor.u32 v1, v0  }
0x22: {  	v0 =	vshrl.u32 v0, $0x3;
	_ =	sdelay $0x3  }
0x23: {  	s13 =	simm.s32 $0x2080  }
0x24: {  	[tilespmem:s13], [sflag:$0x1] =	stream.indirect_vreg.gather [hbm:s2], $0x80, v0, vm0, $0x38;
	[tilespmem:$0x4080] =	vst v63  }
0x25: {  	s14 =	simm.s32 $0x2480;
	s31 =	simm.s32 $0x10  }
0x26: {  	[tilespmem:s14], [sflag:$0x1] =	stream.indirect_vreg.gather [hbm:s2], $0x80, v0, vm1, $0x38;
	[tilespmem:$0x4080] =	vst v63  }
0x27: {  	s14 =	simm.s32 $0x80;
	v0 =	vld.msk [tilespmem:s31+$0x40 ss:$0x1], $0xffff  }
.LBB2_5:
0x28: {  	p0 =	sne.s32 s14, $0xC0;
	_ =	sdelay $0x4  }
0x29: {  	v1 =	vshll.u32 v0, $0x5  }
0x2a: {  	vm2 =	veq.s32 v0, $0x80000000;
	v0 =	vshll.u32 v0, $0x12;
	v1 =	vand.u32 $0x3FF80, v1  }
0x2b: {  	v0 =	vand.u32 $0xC0000, v0;
	v1 =	vsel vm2, $0xFFFFFF80, v1  }
0x2c: {  	v0 =	vsel vm2, $0xFFFC0000, v0;
	v2 =	vand.u32 $0xFFFFFC00, v1  }
0x2d: {  	v1 =	vand.u32 $0x380, v1;
	v0 =	vadd.s32 v0, v2  }
0x2e: {  	v0 =	vor.u32 v1, v0  }
0x2f: {  	v0 =	vshrl.u32 v0, $0x3;
	_ =	sdelay $0x3  }
.Ltmp4:
0x30: {  	s13 =	sadd.s32 $0x800, s13;
	(pc) =	sbr.rel @p0 .LBB2_5-.Ltmp4, $4  }
0x31: {  	[tilespmem:s13], [sflag:$0x1] =	stream.indirect_vreg.gather [hbm:s2], $0x80, v0, vm0, $0x38;
	[tilespmem:$0x4080] =	vst v63  }
0x32: {  	s15 =	sshra.s32 s14, $0x2;
	s16 =	sadd.s32 $0x400, s13  }
0x33: {  	[tilespmem:s16], [sflag:$0x1] =	stream.indirect_vreg.gather [hbm:s2], $0x80, v0, vm1, $0x38;
	[tilespmem:$0x4080] =	vst v63  }
0x34: {  	s14 =	sadd.s32 $0x40, s14;
	v0 =	vld.msk [tilespmem:s15+$0x40 ss:$0x1], $0xffff  }
0x35: {  	_ =	sdelay $0x3  }
0x36: {  	v1 =	vshll.u32 v0, $0x5  }
0x37: {  	vm2 =	veq.s32 v0, $0x80000000;
	v63 =	vshll.u32 v0, $0x12;
	v1 =	vand.u32 $0x3FF80, v1  }
0x38: {  	v0 =	vand.u32 $0xC0000, v63;
	v1 =	vsel vm2, $0xFFFFFF80, v1  }
0x39: {  	v0 =	vsel vm2, $0xFFFC0000, v0;
	v2 =	vand.u32 $0xFFFFFC00, v1  }
0x3a: {  	v1 =	vand.u32 $0x380, v1;
	v0 =	vadd.s32 v0, v2  }
0x3b: {  	v0 =	vor.u32 v1, v0  }
0x3c: {  	v0 =	vshrl.u32 v0, $0x3;
	_ =	sdelay $0x3  }
0x3d: {  	s13 =	sadd.s32 $0x800, s13  }
0x3e: {  	[tilespmem:s13], [sflag:$0x1] =	stream.indirect_vreg.gather [hbm:s2], $0x80, v0, vm0, $0x38;
	[tilespmem:$0x4080] =	vst v63  }
0x3f: {  	s13 =	sadd.s32 $0x400, s13  }
0x40: {  	[tilespmem:s13], [sflag:$0x1] =	stream.indirect_vreg.gather [hbm:s2], $0x80, v0, vm1, $0x38;
	[tilespmem:$0x4080] =	vst v63  }
0x41: {  	s12 =	sshll.u32 s12, $0x4;
	s14 =	simm.s32 $0x80;
	_ =	swait.ge [sflag:s4], $0x2000  }
0x42: {  	s15 =	simm.s32 $0x2480;
	s12 =	sadd.s32 s12, s7;
	[sflag:s4] =	ssyncset.done $0x0  }
0x43: {  	s16 =	sadd.s32 $0x0, s12;
	s13 =	simm.s32 $0x2080;
	[sflag:s4] =	ssyncadd.s32 $0xFFFFE000  }
.LBB2_7:
0x44: {  	[hbm:s16] =	stream.linear.scatter [tilespmem:s13], [sflag:$0x3], $0x400, $0x38;
	[tilespmem:$0x4080] =	vst v63  }
0x45: {  	s16 =	smov.u32 s14;
	s13 =	smov.u32 s15;
	p0 =	sne.s32 s14, $0x380  }
.Ltmp5:
0x46: {  	s14 =	sadd.s32 $0x80, s14;
	(pc) =	sbr.rel @p0 .LBB2_7-.Ltmp5, $2  }
0x47: {  	_ =	sdelay $0x2  }
0x48: {  	s15 =	sadd.s32 $0x400, s15;
	s16 =	sadd.s32 s16, s12  }
.Ltmp6:
0x49: {  	(pc) =	sbr.rel .LBB2_9-.Ltmp6, $2  }
0x4a: {  	_ =	sdelay $0x2  }
0x4b: {  	[hbm:s16] =	stream.linear.scatter [tilespmem:s13], [sflag:$0x3], $0x400, $0x38;
	[tilespmem:$0x4080] =	vst v63  }
.LBB2_2:
.Ltmp7:
0x4c: {  	(pc) =	sbr.rel .LBB2_10-.Ltmp7, $4  }
0x4d: {  	_ = 	snop  }
0x4e: {  	s12 =	sshrl.u32 s11, $0x3  }
0x4f: {  	s13 =	sand.u32 $0x7, s11;
	s12 =	sadd.s32 s3, s12  }
0x50: {  	[tilespmem:s9], [sflag:$0x2] =	stream.linear.gather [hbm4b:s12+s13], $0x40, $0x38;
	[tilespmem:$0x4080] =	vst v63  }
.LBB2_11:
0x51: {  	s2 =	simm.s32 $0x3  }
0x52: {  	_ =	swait.ge [sflag:s2], $0x2000  }
0x53: {  	[sflag:s2] =	ssyncset.done $0x0  }
0x54: {  	[sflag:s2] =	ssyncadd.s32 $0xFFFFE000  }
0x55: {  	_ =	sfence.sel $0x180000  }
0x56: {  	s3 =	simm.s32 $0x2;
	[bflag:$0x0] =	sbarrier.arrive $0xFFFF  }
0x57: {  	[sflag:s3] =	ssyncpa.u1 $0x1  }
0x58: {  	s31 =	simm.s32 $0x1;
	[sflag:s2] =	ssyncpa.u1 $0x1  }
0x59: {  	[sflag:s31] =	ssyncpa.u1 $0x1  }
0x5a: {  	p0 =	sne.s32 s1, $0x0;
	_ =	strace $0x9000004A  }
0x5b: {  	s0 =	sadd.s32 @!p0 $0x100000, s0;
	[bflag:$0x2] =	sbarrier.arrive $0xFFFF  }
0x5c: {  	[sflag:s0] =	ssyncadd.tile.s32 @!p0 $0x1;
	_ =	shalt  }
.Lfunc_end2:
_tile_overlayer_lowered:
.L_overlay_start_2:
0x5d: {  	(tag) =	ssettag $0x2  }
0x5e: {  	s0 =	rddreg [dreg:$0x0];
	s2 =	stileid.u32  }
0x5f: {  	s1 =	rddreg [dreg:$0x1];
	p0 =	sne.s32 s2, $0x0  }
0x60: {  	s3 =	rddreg [dreg:$0x2];
	[bflag:$0x3] =	sbarrier.arrive $0xFFFF;
	s2 =	simm.s32 @!p0 $0x1C01  }
0x61: {  	[timem:s3], [sflag:s2] =	dma.local @!p0 [hbm:s0], s1  }
0x62: {  	s0 =	simm.s32 @!p0 $0x1  }
0x63: {  	_ =	swait.ge @!p0 [sflag:s0], s1  }
0x64: {  	s1 =	ssub.s32 @!p0 $0x0, s1;
	[sflag:s0] =	ssyncset.done @!p0 $0x0  }
0x65: {  	[sflag:s0] =	ssyncadd.s32 @!p0 s1  }
0x66: {  	[bflag:$0x3] =	sbarrier.arrive $0xFFFF  }
0x67: {  	_ =	shalt  }

// kernel: gather_offload_async_start
scs
__scs_entry_jumppad:
0x0: {  	(pc) =	sbr.rel $0x88, $3  }
0x1: {  	(tag) =	ssettag $0x0;
	lr =	simm.s32 $0x1  }
0x2: {  	[smem:$0x3F74] =	sst lr;
	_ =	strace $0xD0000000  }
0x3: {  	_ = 	snop  }
0x4: {  	_ = 	snop  }
0x5: {  	_ = 	snop  }
0x6: {  	_ = 	snop  }
0x7: {  	_ = 	snop  }
__scs_overlays_trampoline_lowered:
0x8: {  	[smem:$0x3F83] =	sst s0  }
0x9: {  	[smem:$0x3F84] =	sst s1  }
0xa: {  	[smem:$0x3F85] =	sst s2  }
0xb: {  	[smem:$0x3F86] =	sst s3  }
0xc: {  	[smem:$0x3F87] =	sst s4  }
0xd: {  	[smem:$0x3F88] =	sst s5  }
0xe: {  	[smem:$0x3F89] =	sst s6  }
0xf: {  	[smem:$0x3F8A] =	sst s7  }
0x10: {  	[smem:$0x3F8B] =	sst s8  }
0x11: {  	[smem:$0x3F8C] =	sst s9;
	s0 =	simm.s32 @!p0 $0x0  }
0x12: {  	s1 =	sld [smem:$0x3F72];
	s0 =	simm.s32 @p0 $0x1  }
0x13: {  	[smem:$0x3F8D] =	sst s0;
	s0 =	simm.s32 @!p1 $0x0  }
0x14: {  	s2 =	sld [smem:$0x3F71];
	s0 =	simm.s32 @p1 $0x1  }
0x15: {  	[smem:$0x3F8E] =	sst s0;
	s0 =	simm.s32 @!p2 $0x0  }
0x16: {  	s3 =	sld [smem:$0x3FDB];
	s0 =	simm.s32 @p2 $0x1  }
0x17: {  	s4 =	simm.s32 $0x1BF5;
	[smem:$0x3F90] =	sst s0  }
0x18: {  	s0 =	sld [smem:$0x3F73];
	_ =	swait.ge [sflag:s4], $0x0  }
0x19: {  	s7 =	sld [smem:$0x3F74]  }
0x1a: {  	s8 =	sadd.s32 $0xFFFFE003, lr  }
0x1b: {  	s9 =	sadd.s32 $0xFFFFFEF7, lr;
	s5 =	simm.s32 $0xFFFFFFFF;
	p2 =	slt.u32 s8, $0xFFFFF086  }
0x1c: {  	p1 =	slt.u32 s9, $0xF7A;
	s5 =	simm.s32 @!p2 $0x0  }
0x1d: {  	s5 =	simm.s32 @p1 $0x1;
	p0 =	seq.s32 s7, s2  }
0x1e: {  	s7 =	smul.u32 @!p0 $0xF7A, s2;
	p2 =	seq.s32 @!p0 s5, $0x0  }
0x1f: {  	s9 =	smul.u32 $0xF7A, s1;
	s8 =	simm.s32 @!p0 $0x1BF5;
	p2 =	por !p2, p0  }
0x20: {  	[sflag:s8] =	ssyncset.s32 @!p0 $0xFFFFF086;
	s6 =	sadd.s32 @!p0 s3, s7;
	s7 =	simm.s32 @!p0 $0x108  }
0x21: {  	s3 =	sadd.s32 s3, s9;
	s6 =	sadd.s32 @!p0 $0x88, s6;
	s7 =	simm.s32 @p2 $0x1082  }
0x22: {  	[simem:s7], [sflag:s8] =	dma.local @!p0 [hbm:s6], $0xF7A  }
0x23: {  	s9 =	sor.u32 $0xD0000000, s2;
	s6 =	simm.s32 $0x108;
	_ =	swait.ge @!p0 [sflag:s8], $0x0  }
0x24: {  	s3 =	sadd.s32 $0x88, s3;
	s6 =	simm.s32 @!p1 $0x1082;
	[sflag:s4] =	ssyncset.s32 $0xFFFFF086  }
0x25: {  	[simem:s6], [sflag:s4] =	dma.local [hbm:s3], $0xF7A  }
0x26: {  	[smem:$0x3F74] =	sst s1;
	(tag) =	ssettag s2;
	_ =	strace s9  }
0x27: {  	s1 =	sld [smem:$0x3F84]  }
0x28: {  	s2 =	sld [smem:$0x3F85]  }
0x29: {  	s4 =	sld [smem:$0x3F87]  }
0x2a: {  	p0 =	seq.s32 s5, $0x0;
	s5 =	sld [smem:$0x3F88]  }
0x2b: {  	s6 =	sld [smem:$0x3F89]  }
0x2c: {  	s7 =	sld [smem:$0x3F8A]  }
0x2d: {  	s3 =	simm.s32 $0x108;
	s8 =	sld [smem:$0x3F8B]  }
0x2e: {  	s3 =	simm.s32 @!p0 $0x1082;
	s9 =	sld [smem:$0x3F8C]  }
0x2f: {  	lr =	sadd.s32 s0, s3;
	s0 =	sld [smem:$0x3F83]  }
0x30: {  	s3 =	sld [smem:$0x3F86]  }
0x31: {  	[smem:$0x3F8F] =	sst s10  }
0x32: {  	s10 =	sld [smem:$0x3F8D];
	_ =	sdelay $0x3  }
0x33: {  	p0 =	seq.s32 s10, $0x1;
	s10 =	sld [smem:$0x3F8F];
	_ =	sdelay $0x3  }
0x34: {  	[smem:$0x3F8F] =	sst s10  }
0x35: {  	s10 =	sld [smem:$0x3F8E];
	_ =	sdelay $0x3  }
0x36: {  	p1 =	seq.s32 s10, $0x1;
	s10 =	sld [smem:$0x3F8F];
	_ =	sdelay $0x3  }
0x37: {  	[smem:$0x3F8F] =	sst s10  }
0x38: {  	s10 =	sld [smem:$0x3F90]  }
0x39: {  	_ = 	snop;
	(pc) =	sbr.ind lr, $3  }
0x3a: {  	_ = 	snop  }
0x3b: {  	_ = 	snop  }
0x3c: {  	p2 =	seq.s32 s10, $0x1;
	s10 =	sld [smem:$0x3F8F]  }
0x3d: {  	_ =	shalt  }
0x3e: {  	_ =	shalt  }
0x3f: {  	_ =	shalt  }
0x40: {  	_ =	shalt  }
0x41: {  	_ =	shalt  }
0x42: {  	_ =	shalt  }
0x43: {  	_ =	shalt  }
0x44: {  	_ =	shalt  }
0x45: {  	_ =	shalt  }
0x46: {  	_ =	shalt  }
0x47: {  	_ =	shalt  }
0x48: {  	_ =	shalt  }
0x49: {  	_ =	shalt  }
0x4a: {  	_ =	shalt  }
0x4b: {  	_ =	shalt  }
0x4c: {  	_ =	shalt  }
0x4d: {  	_ =	shalt  }
0x4e: {  	_ =	shalt  }
0x4f: {  	_ =	shalt  }
0x50: {  	_ =	shalt  }
0x51: {  	_ =	shalt  }
0x52: {  	_ =	shalt  }
0x53: {  	_ =	shalt  }
0x54: {  	_ =	shalt  }
0x55: {  	_ =	shalt  }
0x56: {  	_ =	shalt  }
0x57: {  	_ =	shalt  }
0x58: {  	_ =	shalt  }
0x59: {  	_ =	shalt  }
0x5a: {  	_ =	shalt  }
0x5b: {  	_ =	shalt  }
0x5c: {  	_ =	shalt  }
0x5d: {  	_ =	shalt  }
0x5e: {  	_ =	shalt  }
0x5f: {  	_ =	shalt  }
0x60: {  	_ =	shalt  }
0x61: {  	_ =	shalt  }
0x62: {  	_ =	shalt  }
0x63: {  	_ =	shalt  }
0x64: {  	_ =	shalt  }
0x65: {  	_ =	shalt  }
0x66: {  	_ =	shalt  }
0x67: {  	_ =	shalt  }
0x68: {  	_ =	shalt  }
0x69: {  	_ =	shalt  }
0x6a: {  	_ =	shalt  }
0x6b: {  	_ =	shalt  }
0x6c: {  	_ =	shalt  }
0x6d: {  	_ =	shalt  }
0x6e: {  	_ =	shalt  }
0x6f: {  	_ =	shalt  }
0x70: {  	_ =	shalt  }
0x71: {  	_ =	shalt  }
0x72: {  	_ =	shalt  }
0x73: {  	_ =	shalt  }
0x74: {  	_ =	shalt  }
0x75: {  	_ =	shalt  }
0x76: {  	_ =	shalt  }
0x77: {  	_ =	shalt  }
0x78: {  	_ =	shalt  }
0x79: {  	_ =	shalt  }
0x7a: {  	_ =	shalt  }
0x7b: {  	_ =	shalt  }
0x7c: {  	_ =	shalt  }
0x7d: {  	_ =	shalt  }
0x7e: {  	_ =	shalt  }
0x7f: {  	_ =	shalt  }
0x80: {  	_ =	shalt  }
0x81: {  	_ =	shalt  }
0x82: {  	_ =	shalt  }
0x83: {  	_ =	shalt  }
0x84: {  	_ =	shalt  }
0x85: {  	_ =	shalt  }
0x86: {  	_ =	shalt  }
0x87: {  	_ =	shalt  }
.Lfunc_end0:
.L_simem_size_0:
called_computation.1_lowered:
.L_overlay_start_0:
0x88: {  	s2 =	sld [smem:$0x3FD9]  }
0x89: {  	s3 =	sld [smem:$0x3FFE];
	_ =	sdelay $0x1  }
0x8a: {  	s1 =	srdreg.scid  }
0x8b: {  	s0 =	sand.u32 $0x1, s1  }
0x8c: {  	s16 =	sshll.u32 s0, $0xA;
	s2 =	sadd.s32 s3, s2  }
0x8d: {  	s2 =	sadd.s32 s2, s16  }
0x8e: {  	[smem:$0x3F9B] =	sst s2  }
0x8f: {  	_ = 	snop  }
0x90: {  	(tm) =	ssettm $0x1  }
0x91: {  	s17 =	sld [smem:$0x3FFB];
	_ =	sdelay $0x3  }
0x92: {  	_ =	strace s17  }
0x93: {  	s2 =	sld [smem:$0x3FFC];
	_ =	sdelay $0x3  }
0x94: {  	_ =	strace s2  }
0x95: {  	s2 =	sld [smem:$0x3FFD];
	_ =	sdelay $0x3  }
0x96: {  	_ =	strace s2  }
0x97: {  	_ =	strace $0x8FFFFFFF  }
0x98: {  	s18 =	sld [smem:$0x3FDB];
	_ =	sdelay $0x1  }
0x99: {  	s19 =	simm.s32 $_scs_section_size  }
0x9a: {  	s4 =	simm.s32 $_size__tile_overlayer_lowered;
	s5 =	simm.s32 $_tile_overlayer_lowered  }
0x9b: {  	s22 =	simm.s32 $0x1BFF;
	s21 =	sshll.u32 s5, $0x1;
	s2 =	sadd.s32 s19, s18  }
0x9c: {  	s6 =	simm.s32 $0x0;
	s20 =	sshll.u32 s4, $0x1;
	s4 =	sadd.s32 s21, s2  }
0x9d: {  	[timem:s6], [sflag:s22] =	dma.local [hbm:s4], s20  }
0x9e: {  	_ =	swait.ge [sflag:s22], s20  }
0x9f: {  	s3 =	ssub.s32 $0x0, s20;
	[sflag:s22] =	ssyncset.done $0x0  }
0xa0: {  	[sflag:s22] =	ssyncadd.s32 s3;
	_ =	sdelay $0x1  }
0xa1: {  	s23 =	simm.s32 $0x1B8B  }
0xa2: {  	_ =	swait.ge [sflag:s23], $0x1  }
0xa3: {  	[sflag:s23] =	ssyncset.done $0x0  }
0xa4: {  	s25 =	simm.s32 $0x1B8E;
	s24 =	sld [smem:$0x3FFE];
	[sflag:s23] =	ssyncadd.s32 $0xFFFFFFFF  }
0xa5: {  	s26 =	simm.s32 $execute0_lowered;
	[smem:$0x3FD2] =	sst s25  }
0xa6: {  	s4 =	sshll.u32 s26, $0x1;
	_ =	strace $0x80000046;
	[dreg:$0x1] =	wrdreg $0xFFFFFFFF  }
0xa7: {  	s28 =	simm.s32 $_size_execute0_lowered;
	s2 =	sadd.s32 s2, s4;
	[dreg:$0x0] =	wrdreg $0x0  }
0xa8: {  	s4 =	sshll.u32 s28, $0x1;
	[dreg:$0x2] =	wrdreg s2  }
0xa9: {  	[dreg:$0x3] =	wrdreg s4  }
0xaa: {  	[dreg:$0x4] =	wrdreg $0xC0  }
0xab: {  	_ =	task [dreg:s6], $0x5FFFF  }
0xac: {  	[dreg:$0x1] =	wrdreg $0xFFFFFFFF  }
0xad: {  	[dreg:$0x0] =	wrdreg $0x60  }
0xae: {  	[dreg:$0x2] =	wrdreg s24  }
0xaf: {  	[dreg:$0x3] =	wrdreg $0x9  }
0xb0: {  	_ =	task.clear_ibuf [dreg:s6], $0x4FFFF;
	_ =	strace $0x90000046  }
0xb1: {  	s29 =	simm.s32 $0x9;
	_ =	strace $0x80000048  }
0xb2: {  	_ =	swait.ge [sflag:s29], $0x1  }
0xb3: {  	[sflag:s29] =	ssyncadd.s32 $0xFFFFFFFF  }
0xb4: {  	_ =	strace $0x90000048  }
0xb5: {  	_ =	sfence  }
0xb6: {  	s30 =	sld [smem:$0x0];
	_ =	sdelay $0x2  }
0xb7: {  	s31 =	sshll.u32 s1, $0xD;
	s1 =	sshrl.u32 s1, $0x2  }
0xb8: {  	s3 =	sand.u32 $0x4000, s31;
	s1 =	sadd.s32 s1, s30  }
0xb9: {  	s0 =	sor.u32 s3, s0;
	s1 =	sshll.u32 s1, $0x11  }
0xba: {  	s0 =	sor.u32 s1, s0  }
0xbb: {  	s0 =	sadd.s32 $0x8F2B, s0  }
0xbc: {  	[sflag:s0] =	ssyncadd.remote.s32 $0x1  }
0xbd: {  	_ =	sfence.sel $0xFFFF  }
0xbe: {  	[dreg:$0x0] =	wrdreg $0xFFFFFFFF;
	(pc) =	sbr.abs _section_cstart, $3  }
0xbf: {  	[dreg:$0x1] =	wrdreg $0xFFFFFFFF  }
0xc0: {  	_ =	task.clear_ibuf [dreg:s6], $0x2FFFF;
	_ =	strace $0x9FFFFFFF  }
0xc1: {  	(tm) =	ssettm $0x7FFFFFFF  }
tec
execute0_lowered:
.L_overlay_start_1:
0x0: {  	(tag) =	ssettag $0x1  }
0x1: {  	s7 =	rddreg [dreg:$0x0]  }
0x2: {  	s0 =	rddreg [dreg:$0x1];
	_ =	strace $0x80000047  }
0x3: {  	s1 =	srdreg.scid;
	s4 =	simm.s32 $0x1;
	s9 =	simm.s32 $0x3  }
0x4: {  	s12 =	simm.s32 $0x0;
	s10 =	simm.s32 $0x0;
	s5 =	sshll.u32 s1, $0x4  }
.Ltmp0:
0x5: {  	s1 =	stileid.u32;
	s5 =	sand.u32 $0x10, s5;
	(pc) =	sbr.rel .LBB2_1-.Ltmp0, $4  }
0x6: {  	s2 =	sadd.s32 $0x2000, s7;
	s3 =	sadd.s32 $0x42000, s7;
	s6 =	sor.u32 s1, s5  }
0x7: {  	[sflag:s4] =	ssyncpa.u1 $0x0;
	s5 =	simm.s32 $0x2;
	s6 =	sshll.u32 s6, $0x8  }
0x8: {  	s7 =	sadd.s32 $0x42400, s7;
	[sflag:s5] =	ssyncpa.u1 $0x0;
	s8 =	sadd.s32 $0x100, s6  }
0x9: {  	vm0 =	vmmov $0xff;
	vm1 =	vcmask $0x3F20;
	[sflag:s9] =	ssyncpa.u1 $0x0;
	s9 =	simm.s32 $0x100;
	s11 =	smov.u32 s6  }
.LBB2_9:
0xa: {  	p0 =	seq.s32 s10, $0x2  }
.Ltmp1:
0xb: {  	_ = 	snop;
	(pc) =	sbr.rel @p0 .LBB2_11-.Ltmp1, $1  }
0xc: {  	_ =	sdelay $0x3  }
.LBB2_10:
0xd: {  	s12 =	sadd.s32 $0x100, s11  }
0xe: {  	s13 =	smov.u32 s6;
	p0 =	slt.s32 s12, s8  }
0xf: {  	s13 =	smov.u32 @p0 s12  }
0x10: {  	s10 =	sadd.s32 $0x1, s10;
	s12 =	smov.u32 s11;
	s11 =	smov.u32 s13  }
.LBB2_1:
0x11: {  	p0 =	sne.s32 s10, $0x0  }
.Ltmp2:
0x12: {  	_ = 	snop;
	(pc) =	sbr.rel @!p0 .LBB2_2-.Ltmp2, $1  }
0x13: {  	_ =	sdelay $0x3  }
0x14: {  	s13 =	sand.u32 $0x1, s10  }
0x15: {  	p0 =	seq.s32 s13, $0x0  }
.Ltmp3:
0x16: {  	_ = 	snop;
	(pc) =	sbr.rel @p0 .LBB2_9-.Ltmp3, $1  }
0x17: {  	_ =	sdelay $0x3  }
0x18: {  	_ =	swait.ge [sflag:s5], $0x100  }
0x19: {  	[sflag:s5] =	ssyncset.done $0x0  }
0x1a: {  	s13 =	simm.s32 $0x0;
	[sflag:s5] =	ssyncadd.s32 $0xFFFFFF00  }
0x1b: {  	v0 =	vld.msk [tilespmem:s13+$0x100 ss:$0x1], $0xffff;
	_ =	sdelay $0x4  }
0x1c: {  	v1 =	vshll.u32 v0, $0x5  }
0x1d: {  	vm2 =	veq.s32 v0, $0x80000000;
	v0 =	vshll.u32 v0, $0x13;
	v1 =	vand.u32 $0x7FF80, v1  }
0x1e: {  	v0 =	vand.u32 $0x180000, v0;
	v1 =	vsel vm2, $0xFFFFFF80, v1  }
0x1f: {  	v0 =	vsel vm2, $0xFFF80000, v0;
	v2 =	vand.u32 $0xFFFFFC00, v1  }
0x20: {  	v1 =	vand.u32 $0x380, v1;
	v0 =	vadd.s32 v0, v2  }
0x21: {  	v0 =	vor.u32 v1, v0  }
0x22: {  	v0 =	vshrl.u32 v0, $0x3;
	_ =	sdelay $0x3  }
0x23: {  	s13 =	simm.s32 $0x8200  }
0x24: {  	[tilespmem:s13], [sflag:$0x1] =	stream.indirect_vreg.gather [hbm:s2], $0x80, v0, vm0, $0x38;
	[tilespmem:$0x10200] =	vst v63  }
0x25: {  	s14 =	simm.s32 $0x8600;
	s31 =	simm.s32 $0x10  }
0x26: {  	[tilespmem:s14], [sflag:$0x1] =	stream.indirect_vreg.gather [hbm:s2], $0x80, v0, vm1, $0x38;
	[tilespmem:$0x10200] =	vst v63  }
0x27: {  	s14 =	simm.s32 $0x80;
	v0 =	vld.msk [tilespmem:s31+$0x100 ss:$0x1], $0xffff  }
.LBB2_5:
0x28: {  	p0 =	sne.s32 s14, $0x3C0;
	_ =	sdelay $0x4  }
0x29: {  	v1 =	vshll.u32 v0, $0x5  }
0x2a: {  	vm2 =	veq.s32 v0, $0x80000000;
	v0 =	vshll.u32 v0, $0x13;
	v1 =	vand.u32 $0x7FF80, v1  }
0x2b: {  	v0 =	vand.u32 $0x180000, v0;
	v1 =	vsel vm2, $0xFFFFFF80, v1  }
0x2c: {  	v0 =	vsel vm2, $0xFFF80000, v0;
	v2 =	vand.u32 $0xFFFFFC00, v1  }
0x2d: {  	v1 =	vand.u32 $0x380, v1;
	v0 =	vadd.s32 v0, v2  }
0x2e: {  	v0 =	vor.u32 v1, v0  }
0x2f: {  	v0 =	vshrl.u32 v0, $0x3;
	_ =	sdelay $0x3  }
.Ltmp4:
0x30: {  	s13 =	sadd.s32 $0x800, s13;
	(pc) =	sbr.rel @p0 .LBB2_5-.Ltmp4, $4  }
0x31: {  	[tilespmem:s13], [sflag:$0x1] =	stream.indirect_vreg.gather [hbm:s2], $0x80, v0, vm0, $0x38;
	[tilespmem:$0x10200] =	vst v63  }
0x32: {  	s15 =	sshra.s32 s14, $0x2;
	s16 =	sadd.s32 $0x400, s13  }
0x33: {  	[tilespmem:s16], [sflag:$0x1] =	stream.indirect_vreg.gather [hbm:s2], $0x80, v0, vm1, $0x38;
	[tilespmem:$0x10200] =	vst v63  }
0x34: {  	s14 =	sadd.s32 $0x40, s14;
	v0 =	vld.msk [tilespmem:s15+$0x100 ss:$0x1], $0xffff  }
0x35: {  	_ =	sdelay $0x3  }
0x36: {  	v1 =	vshll.u32 v0, $0x5  }
0x37: {  	vm2 =	veq.s32 v0, $0x80000000;
	v63 =	vshll.u32 v0, $0x13;
	v1 =	vand.u32 $0x7FF80, v1  }
0x38: {  	v0 =	vand.u32 $0x180000, v63;
	v1 =	vsel vm2, $0xFFFFFF80, v1  }
0x39: {  	v0 =	vsel vm2, $0xFFF80000, v0;
	v2 =	vand.u32 $0xFFFFFC00, v1  }
0x3a: {  	v1 =	vand.u32 $0x380, v1;
	v0 =	vadd.s32 v0, v2  }
0x3b: {  	v0 =	vor.u32 v1, v0  }
0x3c: {  	v0 =	vshrl.u32 v0, $0x3;
	_ =	sdelay $0x3  }
0x3d: {  	s13 =	sadd.s32 $0x800, s13  }
0x3e: {  	[tilespmem:s13], [sflag:$0x1] =	stream.indirect_vreg.gather [hbm:s2], $0x80, v0, vm0, $0x38;
	[tilespmem:$0x10200] =	vst v63  }
0x3f: {  	s13 =	sadd.s32 $0x400, s13  }
0x40: {  	[tilespmem:s13], [sflag:$0x1] =	stream.indirect_vreg.gather [hbm:s2], $0x80, v0, vm1, $0x38;
	[tilespmem:$0x10200] =	vst v63  }
0x41: {  	s12 =	sshll.u32 s12, $0x4;
	s14 =	simm.s32 $0x80;
	_ =	swait.ge [sflag:s4], $0x8000  }
0x42: {  	s15 =	simm.s32 $0x8600;
	s12 =	sadd.s32 s12, s7;
	[sflag:s4] =	ssyncset.done $0x0  }
0x43: {  	s16 =	sadd.s32 $0x0, s12;
	s13 =	simm.s32 $0x8200;
	[sflag:s4] =	ssyncadd.s32 $0xFFFF8000  }
.LBB2_7:
0x44: {  	[hbm:s16] =	stream.linear.scatter [tilespmem:s13], [sflag:$0x3], $0x400, $0x38;
	[tilespmem:$0x10200] =	vst v63  }
0x45: {  	s16 =	smov.u32 s14;
	s13 =	smov.u32 s15;
	p0 =	sne.s32 s14, $0xF80  }
.Ltmp5:
0x46: {  	s14 =	sadd.s32 $0x80, s14;
	(pc) =	sbr.rel @p0 .LBB2_7-.Ltmp5, $2  }
0x47: {  	_ =	sdelay $0x2  }
0x48: {  	s15 =	sadd.s32 $0x400, s15;
	s16 =	sadd.s32 s16, s12  }
.Ltmp6:
0x49: {  	(pc) =	sbr.rel .LBB2_9-.Ltmp6, $2  }
0x4a: {  	_ =	sdelay $0x2  }
0x4b: {  	[hbm:s16] =	stream.linear.scatter [tilespmem:s13], [sflag:$0x3], $0x400, $0x38;
	[tilespmem:$0x10200] =	vst v63  }
.LBB2_2:
.Ltmp7:
0x4c: {  	(pc) =	sbr.rel .LBB2_10-.Ltmp7, $4  }
0x4d: {  	_ = 	snop  }
0x4e: {  	s12 =	sshrl.u32 s11, $0x3  }
0x4f: {  	s13 =	sand.u32 $0x7, s11;
	s12 =	sadd.s32 s3, s12  }
0x50: {  	[tilespmem:s9], [sflag:$0x2] =	stream.linear.gather [hbm4b:s12+s13], $0x100, $0x38;
	[tilespmem:$0x10200] =	vst v63  }
.LBB2_11:
0x51: {  	s2 =	simm.s32 $0x3  }
0x52: {  	_ =	swait.ge [sflag:s2], $0x8000  }
0x53: {  	[sflag:s2] =	ssyncset.done $0x0  }
0x54: {  	[sflag:s2] =	ssyncadd.s32 $0xFFFF8000  }
0x55: {  	_ =	sfence.sel $0x180000  }
0x56: {  	s3 =	simm.s32 $0x2;
	[bflag:$0x0] =	sbarrier.arrive $0xFFFF  }
0x57: {  	[sflag:s3] =	ssyncpa.u1 $0x1  }
0x58: {  	s31 =	simm.s32 $0x1;
	[sflag:s2] =	ssyncpa.u1 $0x1  }
0x59: {  	[sflag:s31] =	ssyncpa.u1 $0x1  }
0x5a: {  	p0 =	sne.s32 s1, $0x0;
	_ =	strace $0x90000047  }
0x5b: {  	s0 =	sadd.s32 @!p0 $0x100000, s0;
	[bflag:$0x2] =	sbarrier.arrive $0xFFFF  }
0x5c: {  	[sflag:s0] =	ssyncadd.tile.s32 @!p0 $0x1;
	_ =	shalt  }
.Lfunc_end2:
_tile_overlayer_lowered:
.L_overlay_start_2:
0x5d: {  	(tag) =	ssettag $0x2  }
0x5e: {  	s0 =	rddreg [dreg:$0x0];
	s2 =	stileid.u32  }
0x5f: {  	s1 =	rddreg [dreg:$0x1];
	p0 =	sne.s32 s2, $0x0  }
0x60: {  	s3 =	rddreg [dreg:$0x2];
	[bflag:$0x3] =	sbarrier.arrive $0xFFFF;
	s2 =	simm.s32 @!p0 $0x1C01  }
0x61: {  	[timem:s3], [sflag:s2] =	dma.local @!p0 [hbm:s0], s1  }
0x62: {  	s0 =	simm.s32 @!p0 $0x1  }
0x63: {  	_ =	swait.ge @!p0 [sflag:s0], s1  }
0x64: {  	s1 =	ssub.s32 @!p0 $0x0, s1;
	[sflag:s0] =	ssyncset.done @!p0 $0x0  }
0x65: {  	[sflag:s0] =	ssyncadd.s32 @!p0 s1  }
0x66: {  	[bflag:$0x3] =	sbarrier.arrive $0xFFFF  }
0x67: {  	_ =	shalt  }

// kernel: sparse-core-data-format-call.cloned.1.call-start
scs
called_computation_lowered:
.L_overlay_start_0:
0x0: {  	s2 =	sld [smem:$0x3FD9]  }
0x1: {  	s3 =	sld [smem:$0x3FFE];
	_ =	sdelay $0x1  }
0x2: {  	s1 =	srdreg.scid  }
0x3: {  	s0 =	sand.u32 $0x1, s1  }
0x4: {  	s18 =	sshll.u32 s0, $0xA;
	s2 =	sadd.s32 s3, s2  }
0x5: {  	s2 =	sadd.s32 s2, s18  }
0x6: {  	[smem:$0x3F9B] =	sst s2  }
0x7: {  	_ = 	snop  }
0x8: {  	(tm) =	ssettm $0x1  }
0x9: {  	s19 =	sld [smem:$0x3FFB];
	_ =	sdelay $0x3  }
0xa: {  	_ =	strace s19  }
0xb: {  	s2 =	sld [smem:$0x3FFC];
	_ =	sdelay $0x3  }
0xc: {  	_ =	strace s2  }
0xd: {  	s2 =	sld [smem:$0x3FFD];
	_ =	sdelay $0x3  }
0xe: {  	_ =	strace s2  }
0xf: {  	_ =	strace $0x8FFFFFFF  }
0x10: {  	s20 =	sld [smem:$0x3FDB];
	_ =	sdelay $0x1  }
0x11: {  	s21 =	simm.s32 $_scs_section_size  }
0x12: {  	s4 =	simm.s32 $_size__tile_overlayer_lowered;
	s5 =	simm.s32 $_tile_overlayer_lowered  }
0x13: {  	s6 =	simm.s32 $0x1BFF;
	s22 =	sshll.u32 s5, $0x1;
	s3 =	sadd.s32 s21, s20  }
0x14: {  	s23 =	simm.s32 $0x0;
	s4 =	sshll.u32 s4, $0x1;
	s5 =	sadd.s32 s22, s3  }
0x15: {  	[timem:s23], [sflag:s6] =	dma.local [hbm:s5], s4  }
0x16: {  	_ =	swait.ge [sflag:s6], s4  }
0x17: {  	s4 =	ssub.s32 $0x0, s4;
	[sflag:s6] =	ssyncset.done $0x0  }
0x18: {  	[sflag:s6] =	ssyncadd.s32 s4;
	_ =	sdelay $0x1  }
0x19: {  	s24 =	simm.s32 $0x1B8B  }
0x1a: {  	_ =	swait.ge [sflag:s24], $0x1  }
0x1b: {  	[sflag:s24] =	ssyncset.done $0x0  }
0x1c: {  	[sflag:s24] =	ssyncadd.s32 $0xFFFFFFFF  }
0x1d: {  	s4 =	sld [smem:$0x0]  }
0x1e: {  	s5 =	sand.u32 $0xFFFFFFFE, s1  }
0x1f: {  	p0 =	sne.s32 s1, s5  }
0x20: {  	s5 =	sshll.u32 @p0 s5, $0xE  }
0x21: {  	s5 =	sadd.s32 @p0 $0x11B8D, s5;
	s6 =	sshll.u32 @p0 s4, $0x11  }
0x22: {  	s5 =	sor.u32 @p0 s6, s5  }
0x23: {  	[sflag:s5] =	ssyncadd.remote.s32 @p0 $0x1;
	_ =	sdelay $0x1  }
0x24: {  	s5 =	simm.s32 @p0 $0x1B8D  }
0x25: {  	_ =	swait.eq @p0 [sflag:s5], $0x1  }
0x26: {  	[sflag:s5] =	ssyncadd.s32 @p0 $0xFFFFFFFF  }
0x27: {  	s6 =	sshll.u32 @!p0 s1, $0xE  }
0x28: {  	s6 =	sor.u32 @!p0 $0x4000, s6;
	s5 =	simm.s32 @!p0 $0x1B8D  }
0x29: {  	s4 =	sshll.u32 @!p0 s4, $0x11;
	s6 =	sadd.s32 @!p0 $0x11B8D, s6;
	_ =	swait.eq @!p0 [sflag:s5], $0x1  }
0x2a: {  	s4 =	sor.u32 @!p0 s4, s6;
	[sflag:s5] =	ssyncadd.s32 @!p0 $0xFFFFFFFF  }
0x2b: {  	s26 =	simm.s32 $0x1B8E;
	s25 =	sld [smem:$0x3FFE];
	[sflag:s4] =	ssyncadd.remote.s32 @!p0 $0x1  }
0x2c: {  	s27 =	simm.s32 $execute0_lowered;
	[smem:$0x3FD2] =	sst s26  }
0x2d: {  	s5 =	sshll.u32 s27, $0x1;
	_ =	strace $0x8000004C;
	[dreg:$0x1] =	wrdreg $0xFFFFFFFF  }
0x2e: {  	s28 =	simm.s32 $_size_execute0_lowered;
	s3 =	sadd.s32 s3, s5;
	[dreg:$0x0] =	wrdreg $0x0  }
0x2f: {  	s5 =	sshll.u32 s28, $0x1;
	[dreg:$0x2] =	wrdreg s3  }
0x30: {  	[dreg:$0x3] =	wrdreg s5  }
0x31: {  	[dreg:$0x4] =	wrdreg $0xC0  }
0x32: {  	_ =	task [dreg:s23], $0x5FFFF  }
0x33: {  	[dreg:$0x1] =	wrdreg $0xFFFFFFFF  }
0x34: {  	[dreg:$0x0] =	wrdreg $0x60  }
0x35: {  	[dreg:$0x2] =	wrdreg s25  }
0x36: {  	[dreg:$0x3] =	wrdreg $0x9  }
0x37: {  	_ =	task.clear_ibuf [dreg:s23], $0x4FFFF;
	_ =	strace $0x9000004C  }
0x38: {  	s29 =	simm.s32 $0x9;
	_ =	strace $0x8000004E  }
0x39: {  	_ =	swait.ge [sflag:s29], $0x1  }
0x3a: {  	[sflag:s29] =	ssyncadd.s32 $0xFFFFFFFF  }
0x3b: {  	_ =	strace $0x9000004E  }
0x3c: {  	_ =	sfence  }
0x3d: {  	s30 =	sld [smem:$0x0];
	_ =	sdelay $0x2  }
0x3e: {  	s31 =	sshll.u32 s1, $0xD;
	s1 =	sshrl.u32 s1, $0x2  }
0x3f: {  	s4 =	sand.u32 $0x4000, s31;
	s1 =	sadd.s32 s1, s30  }
0x40: {  	s0 =	sor.u32 s4, s0;
	s1 =	sshll.u32 s1, $0x11  }
0x41: {  	s0 =	sor.u32 s1, s0  }
0x42: {  	s0 =	sadd.s32 $0x8F2B, s0  }
0x43: {  	[sflag:s0] =	ssyncadd.remote.s32 $0x1  }
0x44: {  	_ =	sfence.sel $0xFFFF  }
0x45: {  	[dreg:$0x0] =	wrdreg $0xFFFFFFFF;
	(pc) =	sbr.abs _section_cstart, $3  }
0x46: {  	[dreg:$0x1] =	wrdreg $0xFFFFFFFF  }
0x47: {  	_ =	task.clear_ibuf [dreg:s23], $0x2FFFF;
	_ =	strace $0x9FFFFFFF  }
0x48: {  	(tm) =	ssettm $0x7FFFFFFF  }
0x49: {  	_ =	shalt  }
tec
execute0_lowered:
.L_overlay_start_1:
0x0: {  	(tag) =	ssettag $0x1  }
0x1: {  	s0 =	stileid.u32;
	s1 =	srdreg.scid  }
0x2: {  	s4 =	rddreg [dreg:$0x0];
	s7 =	simm.s32 $0x1;
	s31 =	simm.s32 $0x2  }
0x3: {  	s16 =	simm.s32 $0x0;
	s2 =	sshll.u32 s0, $0x5;
	s1 =	sshll.u32 s1, $0x9  }
0x4: {  	s9 =	simm.s32 $0x4000;
	s14 =	simm.s32 $0x0;
	s1 =	sor.u32 s2, s1  }
0x5: {  	s15 =	simm.s32 $0x0;
	s10 =	simm.s32 $0x0;
	s2 =	sand.u32 $0x380, s1  }
0x6: {  	s13 =	simm.s32 $0x0;
	s3 =	sadd.s32 $0x63600, s4;
	s5 =	ssub.s32 $0x800, s2  }
0x7: {  	s4 =	sadd.s32 $0x4AB600, s4;
	s1 =	rddreg [dreg:$0x1];
	s6 =	sand.u32 $0x380, s5  }
.Ltmp0:
0x8: {  	_ =	strace $0x8000004D;
	p0 =	sne.s32 s6, $0x0;
	(pc) =	sbr.rel .LBB1_1-.Ltmp0, $4  }
0x9: {  	s11 =	smov.u32 s2;
	s8 =	sshrl.u32 s5, $0xA;
	s7 =	simm.s32 @!p0 $0x0  }
0xa: {  	s5 =	sand.u32 $0x3, s0;
	s6 =	simm.s32 $0x1;
	s7 =	sadd.s32 s7, s8  }
0xb: {  	s12 =	smov.u32 s5;
	[sflag:s6] =	ssyncpa.u1 $0x0;
	s7 =	sshll.u32 s7, $0x5  }
0xc: {  	p0 =	por $0x0, $0x0;
	[sflag:s31] =	ssyncpa.u1 $0x0;
	s8 =	sor.u32 $0x1, s7  }
.LBB1_4:
0xd: {  	v5 =	vld [tilespmem:s19+$0xFFFFFFD0]  }
0xe: {  	[tilespmem:s20+$0x2040 ss:$0x81] =	vst.msk $0xffff, v1;
	v58 =	vld [tilespmem:s19+$0xFFFFFFE0]  }
0xf: {  	[tilespmem:s20+$0x2850 ss:$0x81] =	vst.msk $0xffff, v2;
	v59 =	vld [tilespmem:s19+$0xFFFFFFF0]  }
0x10: {  	s21 =	sshra.s32 s21, $0x2;
	[tilespmem:s20+$0x3060 ss:$0x81] =	vst.msk $0xffff, v3;
	v60 =	vld [tilespmem:s19+$0x0]  }
0x11: {  	[tilespmem:s20+$0x0 ss:$0x81] =	vst.msk $0xffff, v0;
	v61 =	vld [tilespmem:s19+$0x10];
	s18 =	sadd.s32 s21, s18  }
0x12: {  	s26 =	sshll.u32 s16, $0xB;
	v62 =	vld [tilespmem:s19+$0x20];
	[tilespmem:s18+$0x3870 ss:$0x81] =	vst.msk $0xffff, v4  }
0x13: {  	s27 =	sand.u32 $0x78, s14;
	s22 =	sshll.u32 s14, $0x3;
	v63 =	vld [tilespmem:s19+$0xFFFFFFC0];
	s29 =	sshll.u32 s16, $0x7;
	[tilespmem:s18+$0x810 ss:$0x81] =	vst.msk $0xffff, v5  }
0x14: {  	s15 =	sshll.u32 s15, $0x14;
	s20 =	sand.u32 $0x7FC000, s26;
	s28 =	sand.u32 $0x7FFC00, s22;
	[tilespmem:s18+$0x1020 ss:$0x81] =	vst.msk $0xffff, v58  }
0x15: {  	s31 =	sand.u32 $0x7, s14;
	s22 =	sand.u32 $0x400, s22;
	s19 =	sadd.s32 s28, s20;
	[tilespmem:s18+$0x1830 ss:$0x81] =	vst.msk $0xffff, v59  }
0x16: {  	s16 =	sand.u32 $0x380, s29;
	s30 =	sor.u32 s27, s22;
	s19 =	sshrl.u32 s19, $0x3;
	[tilespmem:s18+$0x2040 ss:$0x81] =	vst.msk $0xffff, v60  }
0x17: {  	s15 =	sadd.s32 s4, s15;
	s16 =	sor.u32 s16, s30;
	s19 =	sand.u32 $0xFFF00, s19;
	[tilespmem:s18+$0x2850 ss:$0x81] =	vst.msk $0xffff, v61  }
0x18: {  	s14 =	sshll.u32 s31, $0x12;
	s16 =	sshrl.u32 s16, $0x3;
	[tilespmem:s18+$0x3060 ss:$0x81] =	vst.msk $0xffff, v62;
	s15 =	sadd.s32 s19, s15  }
0x19: {  	s14 =	sor.u32 $0x400, s14;
	[tilespmem:s18+$0x0 ss:$0x81] =	vst.msk $0xffff, v63;
	s15 =	sadd.s32 s16, s15  }
0x1a: {  	[hbm4b:s15+s14] =	stream.strided.scatter [tilespmem:s17], [sflag:$0x2], $0x4000, s9, s14, $0x20;
	[tilespmem:$0x10100] =	vst v63  }
.LBB1_5:
0x1b: {  	s17 =	sadd.s32 $0x80, s10  }
0x1c: {  	s14 =	sadd.s32 $0x400, s11;
	s18 =	smov.u32 s11;
	p2 =	sgt.s32 s17, $0xFFF  }
0x1d: {  	s18 =	smov.u32 @p2 s14  }
0x1e: {  	s20 =	smov.u32 s12;
	s14 =	sadd.s32 $0x4, s12;
	p3 =	sgt.s32 s18, $0x7FF  }
0x1f: {  	s20 =	smov.u32 @p3 s14  }
0x20: {  	s17 =	simm.s32 @p2 $0x0;
	p2 =	sgt.s32 s20, $0x3  }
0x21: {  	p1 =	slt.u32 s13, $0x2;
	s20 =	smov.u32 @p2 s5;
	p2 =	sne.s32 s13, s8  }
.Ltmp1:
0x22: {  	s19 =	simm.s32 @!p1 $0x2;
	(pc) =	sbr.rel @!p2 .LBB1_6-.Ltmp1, $4  }
0x23: {  	s16 =	smov.u32 s10;
	s15 =	smov.u32 s12;
	_ =	swait.ge @!p1 [sflag:s19], $0x4000  }
0x24: {  	p0 =	por !p0, !p0;
	[sflag:s19] =	ssyncset.done @!p1 $0x0;
	s10 =	smov.u32 s17  }
0x25: {  	s18 =	smov.u32 @p3 s2;
	s14 =	smov.u32 s11;
	[sflag:s19] =	ssyncadd.s32 @!p1 $0xFFFFC000  }
0x26: {  	s11 =	smov.u32 s18;
	s13 =	sadd.s32 $0x1, s13;
	s12 =	smov.u32 s20  }
.LBB1_1:
0x27: {  	p1 =	sge.u32 s13, s7;
	s31 =	sadd.s32 $0xFFFFFFFF, s13  }
0x28: {  	s17 =	sxor.u32 @!p1 $0xFFFFFFFF, s13;
	s18 =	sand.u32 @!p1 $0x78, s10;
	s19 =	sshll.u32 @!p1 s11, $0xC  }
0x29: {  	s20 =	sshll.u32 @!p1 s11, $0x7;
	s21 =	sshll.u32 @!p1 s10, $0x3;
	s17 =	sshll.u32 @!p1 s17, $0xE  }
0x2a: {  	s19 =	sand.u32 @!p1 $0x7F8000, s19;
	s20 =	sand.u32 @!p1 $0x380, s20;
	s17 =	sand.u32 @!p1 $0x4000, s17  }
0x2b: {  	s19 =	sadd.s32 @!p1 s19, s21;
	s21 =	sand.u32 @!p1 $0xC00, s21;
	s18 =	sor.u32 @!p1 s20, s18  }
0x2c: {  	s20 =	sshll.u32 @!p1 s12, $0x14;
	s18 =	sor.u32 @!p1 s21, s18;
	s19 =	sshrl.u32 @!p1 s19, $0x3  }
0x2d: {  	s20 =	sadd.s32 @!p1 s3, s20;
	s21 =	sand.u32 @!p1 $0x7, s10;
	s19 =	sand.u32 @!p1 $0xFFE00, s19  }
0x2e: {  	s18 =	sshrl.u32 @!p1 s18, $0x3;
	s19 =	sadd.s32 @!p1 s19, s20;
	s20 =	sshll.u32 @!p1 s21, $0x12  }
0x2f: {  	s18 =	sadd.s32 @!p1 s18, s19;
	s19 =	sor.u32 @!p1 $0x400, s20;
	s20 =	simm.s32 @!p1 $0x8000  }
0x30: {  	[tilespmem:s17], [sflag:$0x1] =	stream.strided.gather @!p1 [hbm4b:s18+s19], $0x4000, s20, s19, $0x38;
	[tilespmem:$0x10100] =	vst v63  }
0x31: {  	p1 =	sge.u32 s31, s7  }
.Ltmp2:
0x32: {  	_ = 	snop;
	(pc) =	sbr.rel @p1 .LBB1_5-.Ltmp2, $1  }
0x33: {  	_ =	sdelay $0x3  }
0x34: {  	s17 =	simm.s32 $0x1  }
0x35: {  	_ =	swait.ge [sflag:s6], $0x4000;
	s17 =	simm.s32 @!p0 $0x0  }
0x36: {  	[sflag:s6] =	ssyncset.done $0x0;
	s18 =	sshll.u32 s17, $0xE  }
0x37: {  	[sflag:s6] =	ssyncadd.s32 $0xFFFFC000;
	s19 =	sor.u32 $0x40, s18  }
0x38: {  	s17 =	smul.u32 $0x10200, s17;
	v0 =	vld [tilespmem:s19+$0x30]  }
0x39: {  	v3 =	vld [tilespmem:s19+$0xFFFFFFD0]  }
0x3a: {  	s17 =	sshrl.u32 s17, $0x2;
	v4 =	vld [tilespmem:s19+$0xFFFFFFE0]  }
0x3b: {  	v5 =	vld [tilespmem:s19+$0xFFFFFFF0];
	s18 =	sor.u32 $0x8000, s17  }
0x3c: {  	s31 =	sand.u32 $0x1, s13;
	v1 =	vld [tilespmem:s19+$0x0];
	s20 =	sadd.s32 $0x0, s18  }
0x3d: {  	v2 =	vld [tilespmem:s19+$0x10];
	s17 =	smul.u32 $0x10200, s31;
	[tilespmem:s20+$0x3870 ss:$0x81] =	vst.msk $0xffff, v0  }
0x3e: {  	[tilespmem:s20+$0x810 ss:$0x81] =	vst.msk $0xffff, v3;
	v3 =	vld [tilespmem:s19+$0x20]  }
0x3f: {  	s17 =	sshrl.u32 s17, $0x2;
	v0 =	vld [tilespmem:s19+$0xFFFFFFC0];
	[tilespmem:s20+$0x1020 ss:$0x81] =	vst.msk $0xffff, v4;
	s19 =	sadd.s32 $0x80, s19  }
0x40: {  	s21 =	simm.s32 $0x4;
	s22 =	simm.s32 $0x8;
	s17 =	sor.u32 $0x8000, s17;
	[tilespmem:s20+$0x1830 ss:$0x81] =	vst.msk $0xffff, v5;
	v4 =	vld [tilespmem:s19+$0x30]  }
.LBB1_3:
0x41: {  	p1 =	sne.s32 s22, $0x1FC;
	v5 =	vld [tilespmem:s19+$0xFFFFFFD0];
	[tilespmem:s20+$0x2040 ss:$0x81] =	vst.msk $0xffff, v1  }
0x42: {  	v6 =	vld [tilespmem:s19+$0xFFFFFFE0];
	[tilespmem:s20+$0x2850 ss:$0x81] =	vst.msk $0xffff, v2  }
0x43: {  	s23 =	sshra.s32 s21, $0x2;
	s21 =	smov.u32 s22;
	v7 =	vld [tilespmem:s19+$0xFFFFFFF0];
	[tilespmem:s20+$0x3060 ss:$0x81] =	vst.msk $0xffff, v3  }
.Ltmp3:
0x44: {  	v1 =	vld [tilespmem:s19+$0x0];
	[tilespmem:s20+$0x0 ss:$0x81] =	vst.msk $0xffff, v0;
	s20 =	sadd.s32 s23, s18;
	(pc) =	sbr.rel @p1 .LBB1_3-.Ltmp3, $4  }
0x45: {  	v2 =	vld [tilespmem:s19+$0x10];
	[tilespmem:s20+$0x3870 ss:$0x81] =	vst.msk $0xffff, v4  }
0x46: {  	[tilespmem:s20+$0x810 ss:$0x81] =	vst.msk $0xffff, v5;
	v3 =	vld [tilespmem:s19+$0x20]  }
0x47: {  	v0 =	vld [tilespmem:s19+$0xFFFFFFC0];
	[tilespmem:s20+$0x1020 ss:$0x81] =	vst.msk $0xffff, v6;
	s19 =	sadd.s32 $0x80, s19  }
0x48: {  	s22 =	sadd.s32 $0x4, s22;
	v4 =	vld [tilespmem:s19+$0x30];
	[tilespmem:s20+$0x1830 ss:$0x81] =	vst.msk $0xffff, v7  }
.Ltmp4:
0x49: {  	_ = 	snop;
	(pc) =	sbr.rel .LBB1_4-.Ltmp4, $1  }
0x4a: {  	_ =	sdelay $0x3  }
.LBB1_6:
0x4b: {  	_ =	sfence.sel $0x180000  }
0x4c: {  	s2 =	simm.s32 $0x1;
	[bflag:$0x0] =	sbarrier.arrive $0xFFFF  }
0x4d: {  	s31 =	simm.s32 $0x2;
	[sflag:s2] =	ssyncpa.u1 $0x1  }
0x4e: {  	[sflag:s31] =	ssyncpa.u1 $0x1  }
0x4f: {  	p0 =	sne.s32 s0, $0x0;
	_ =	strace $0x9000004D  }
0x50: {  	s0 =	sadd.s32 @!p0 $0x100000, s1;
	[bflag:$0x2] =	sbarrier.arrive $0xFFFF  }
0x51: {  	[sflag:s0] =	ssyncadd.tile.s32 @!p0 $0x1;
	_ =	shalt  }
.Lfunc_end1:
_tile_overlayer_lowered:
.L_overlay_start_2:
0x52: {  	(tag) =	ssettag $0x2  }
0x53: {  	s0 =	rddreg [dreg:$0x0];
	s2 =	stileid.u32  }
0x54: {  	s1 =	rddreg [dreg:$0x1];
	p0 =	sne.s32 s2, $0x0  }
0x55: {  	s3 =	rddreg [dreg:$0x2];
	[bflag:$0x3] =	sbarrier.arrive $0xFFFF;
	s2 =	simm.s32 @!p0 $0x1C01  }
0x56: {  	[timem:s3], [sflag:s2] =	dma.local @!p0 [hbm:s0], s1  }
0x57: {  	s0 =	simm.s32 @!p0 $0x1  }
0x58: {  	_ =	swait.ge @!p0 [sflag:s0], s1  }
0x59: {  	s1 =	ssub.s32 @!p0 $0x0, s1;
	[sflag:s0] =	ssyncset.done @!p0 $0x0  }
0x5a: {  	[sflag:s0] =	ssyncadd.s32 @!p0 s1  }
0x5b: {  	[bflag:$0x3] =	sbarrier.arrive $0xFFFF  }
0x5c: {  	_ =	shalt  }

</sc_bundles>
